<compile_context>
chip_gen: v7x
topology: tpu7x:2x2x1
jax: 0.10.2.dev20260603
libtpu: 0.0.44.dev20260713+nightly
codegen_flags: <defaults>
</compile_context>

<pallas_src>
import functools

import jax
import jax.numpy as jnp
from jax import lax
from jax.experimental import pallas as pl
from jax.experimental.pallas import tpu as pltpu
from jax.experimental.pallas import tpu_sc as plsc

N = 10000
E = 320000
D = 128
H = 4
C = 32
NEG_SLOPE = 0.15

NC = 2
NS = 16
NW = NC * NS
EPT = E // NW
K = 40
NCH = EPT // K
NPAD = 10240
RPT = NPAD // NS
NV = D // 16

_mesh = plsc.VectorSubcoreMesh(core_axis_name="c", subcore_axis_name="s")
_sc_params = pltpu.CompilerParams(needs_layout_passes=False)


def _pre_body(x_ref, g_ref, b_ref, wl_ref, bl_ref, wr_ref, br_ref,
              xl_ref, xr_ref):
    x = x_ref[...]
    mu = jnp.mean(x, axis=1, keepdims=True)
    xc = x - mu
    var = jnp.mean(xc * xc, axis=1, keepdims=True)
    h = xc * lax.rsqrt(var + 1e-5) * g_ref[...] + b_ref[...]
    xl_ref[...] = jnp.dot(h, wl_ref[...],
                          preferred_element_type=jnp.float32) + bl_ref[...]
    xr_ref[...] = jnp.dot(h, wr_ref[...],
                          preferred_element_type=jnp.float32) + br_ref[...]


_BM = 2000


def _tc_pre(x, g, b, wl, bl, wr, br):
    grid = (N // _BM,)
    row_spec = pl.BlockSpec((_BM, D), lambda i: (i, 0))
    full_spec = pl.BlockSpec((1, D), lambda i: (0, 0))
    w_spec = pl.BlockSpec((D, D), lambda i: (0, 0))
    return pl.pallas_call(
        _pre_body,
        grid=grid,
        in_specs=[row_spec, full_spec, full_spec, w_spec, full_spec,
                  w_spec, full_spec],
        out_specs=[row_spec, row_spec],
        out_shape=[jax.ShapeDtypeStruct((N, D), jnp.float32),
                   jax.ShapeDtypeStruct((N, D), jnp.float32)],
    )(x, g, b, wl, bl, wr, br)


@functools.partial(
    pl.kernel,
    out_type=(jax.ShapeDtypeStruct((E, 16), jnp.float32),
              jax.ShapeDtypeStruct((NPAD, D), jnp.float32),
              jax.ShapeDtypeStruct((NPAD, D), jnp.float32)),
    mesh=_mesh,
    compiler_params=_sc_params,
    scratch_types=[
        [pltpu.VMEM((K,), jnp.int32)] * 2,
        [pltpu.VMEM((K,), jnp.int32)] * 2,
        [pltpu.VMEM((K, D), jnp.float32)] * 2,
        [pltpu.VMEM((K, D), jnp.float32)] * 2,
        pltpu.VMEM((K, 16), jnp.float32),
        pltpu.VMEM((K, D), jnp.float32),
        pltpu.VMEM((D,), jnp.float32),
        [pltpu.SemaphoreType.DMA] * 2,
        pltpu.VMEM_SHARED((NPAD, D), jnp.float32),
    ],
)
def _sc_scores(xl_hbm, xr_hbm, src_hbm, dst_hbm, att_hbm, z_hbm,
               p_hbm, s0_hbm, s1_hbm,
               src_v, dst_v, xl_v, xr_v, p_v, ps_v, att_v, sems, s_sh):
    cid = lax.axis_index("c")
    sid = lax.axis_index("s")
    wid = cid * NS + sid

    pltpu.sync_copy(z_hbm.at[pl.ds(sid * RPT, RPT)],
                    s_sh.at[pl.ds(sid * RPT, RPT)])
    pltpu.sync_copy(att_hbm, att_v)

    zeros16 = jnp.zeros((16,), jnp.float32)

    def zrow(t, carry):
        for i in range(NV):
            ps_v[t, pl.ds(16 * i, 16)] = zeros16
        return carry

    lax.fori_loop(0, K, zrow, 0)
    plsc.subcore_barrier()

    att_regs = [att_v[pl.ds(16 * i, 16)] for i in range(NV)]
    attn_regs = [a * NEG_SLOPE for a in att_regs]
    lanes = lax.iota(jnp.int32, 16)
    masks = [lanes == h for h in range(H)]
    head_mask = lanes < H

    base0 = wid * EPT

    def fetch(j, b):
        base = base0 + j * K
        pltpu.sync_copy(src_hbm.at[pl.ds(base, K)], src_v[b])
        pltpu.sync_copy(dst_hbm.at[pl.ds(base, K)], dst_v[b])
        pltpu.async_copy(xl_hbm.at[src_v[b]], xl_v[b], sems[b])
        pltpu.async_copy(xr_hbm.at[dst_v[b]], xr_v[b], sems[b])

    def consume(j, b):
        pltpu.make_async_copy(xl_hbm.at[src_v[b]], xl_v[b], sems[b]).wait()
        pltpu.make_async_copy(xr_hbm.at[dst_v[b]], xr_v[b], sems[b]).wait()
        base = base0 + j * K

        def one_edge(t):
            ev = jnp.zeros((16,), jnp.float32)
            for h in range(H):
                acc = None
                for i in (2 * h, 2 * h + 1):
                    z = (xl_v[b][t, pl.ds(16 * i, 16)]
                         + xr_v[b][t, pl.ds(16 * i, 16)])
                    w = z * jnp.where(z > 0, att_regs[i], attn_regs[i])
                    acc = w if acc is None else acc + w
                eh = jnp.sum(acc)
                ev = jnp.where(masks[h], eh, ev)
            pvec = jnp.exp(ev)
            p_v[t] = pvec
            ps_v[t, pl.ds(0, 16)] = jnp.where(head_mask, pvec, 0.0)

        def edge(u, ecarry):
            one_edge(2 * u)
            one_edge(2 * u + 1)
            return ecarry

        lax.fori_loop(0, K // 2, edge, 0)
        pltpu.sync_copy(p_v, p_hbm.at[pl.ds(base, K)])
        pltpu.sync_copy(ps_v, s_sh.at[dst_v[b]], add=True)

    fetch(0, 0)

    def step(m, carry):
        j0 = 2 * m
        fetch(j0 + 1, 1)
        consume(j0, 0)

        @pl.when(m < NCH // 2 - 1)
        def _():
            fetch(j0 + 2, 0)

        consume(j0 + 1, 1)
        return carry

    lax.fori_loop(0, NCH // 2, step, 0)
    plsc.subcore_barrier()

    @pl.when(cid == 0)
    def _():
        pltpu.sync_copy(s_sh.at[pl.ds(sid * RPT, RPT)],
                        s0_hbm.at[pl.ds(sid * RPT, RPT)])

    @pl.when(cid == 1)
    def _():
        pltpu.sync_copy(s_sh.at[pl.ds(sid * RPT, RPT)],
                        s1_hbm.at[pl.ds(sid * RPT, RPT)])


@functools.partial(
    pl.kernel,
    out_type=(jax.ShapeDtypeStruct((NPAD, D), jnp.float32),
              jax.ShapeDtypeStruct((NPAD, D), jnp.float32)),
    mesh=_mesh,
    compiler_params=_sc_params,
    scratch_types=[
        [pltpu.VMEM((K,), jnp.int32)] * 2,
        [pltpu.VMEM((K,), jnp.int32)] * 2,
        [pltpu.VMEM((K, D), jnp.float32)] * 2,
        [pltpu.VMEM((K, 16), jnp.float32)] * 2,
        pltpu.VMEM((K, D), jnp.float32),
        [pltpu.SemaphoreType.DMA] * 2,
        pltpu.VMEM_SHARED((NPAD, D), jnp.float32),
    ],
)
def _sc_aggregate(xl_hbm, src_hbm, dst_hbm, p_hbm, z_hbm,
                  o0_hbm, o1_hbm,
                  src_v, dst_v, xl_v, p_v, msg_v, sems, out_sh):
    cid = lax.axis_index("c")
    sid = lax.axis_index("s")
    wid = cid * NS + sid

    pltpu.sync_copy(z_hbm.at[pl.ds(sid * RPT, RPT)],
                    out_sh.at[pl.ds(sid * RPT, RPT)])
    plsc.subcore_barrier()

    base0 = wid * EPT

    def fetch(j, b):
        base = base0 + j * K
        pltpu.sync_copy(src_hbm.at[pl.ds(base, K)], src_v[b])
        pltpu.sync_copy(dst_hbm.at[pl.ds(base, K)], dst_v[b])
        pltpu.async_copy(xl_hbm.at[src_v[b]], xl_v[b], sems[b])
        pltpu.async_copy(p_hbm.at[pl.ds(base, K)], p_v[b], sems[b])

    def consume(j, b):
        base = base0 + j * K
        pltpu.make_async_copy(xl_hbm.at[src_v[b]], xl_v[b], sems[b]).wait()
        pltpu.make_async_copy(p_hbm.at[pl.ds(base, K)], p_v[b],
                              sems[b]).wait()

        def one_edge(t):
            pv = p_v[b][t]
            for h in range(H):
                a_h = pv[h]
                for i in (2 * h, 2 * h + 1):
                    msg_v[t, pl.ds(16 * i, 16)] = (
                        xl_v[b][t, pl.ds(16 * i, 16)] * a_h)

        def edge(u, ecarry):
            one_edge(2 * u)
            one_edge(2 * u + 1)
            return ecarry

        lax.fori_loop(0, K // 2, edge, 0)
        pltpu.sync_copy(msg_v, out_sh.at[dst_v[b]], add=True)

    fetch(0, 0)

    def step(m, carry):
        j0 = 2 * m
        fetch(j0 + 1, 1)
        consume(j0, 0)

        @pl.when(j0 + 2 < NCH)
        def _():
            fetch(j0 + 2, 0)

        consume(j0 + 1, 1)
        return carry

    lax.fori_loop(0, NCH // 2, step, 0)
    plsc.subcore_barrier()

    @pl.when(cid == 0)
    def _():
        pltpu.sync_copy(out_sh.at[pl.ds(sid * RPT, RPT)],
                        o0_hbm.at[pl.ds(sid * RPT, RPT)])

    @pl.when(cid == 1)
    def _():
        pltpu.sync_copy(out_sh.at[pl.ds(sid * RPT, RPT)],
                        o1_hbm.at[pl.ds(sid * RPT, RPT)])


def _post_body(x_ref, o0_ref, o1_ref, s0_ref, s1_ref, bmat_ref, bias_ref,
               out_ref):
    s = s0_ref[...] + s1_ref[...]
    sexp = jnp.dot(s, bmat_ref[...], preferred_element_type=jnp.float32)
    o = (o0_ref[...] + o1_ref[...]) / (sexp + 1e-16) + bias_ref[...]
    out_ref[...] = x_ref[...] + jnp.maximum(o, 0.0)


def _tc_post(x, o0, o1, s0, s1, bmat, bias):
    grid = (N // _BM,)
    row_spec = pl.BlockSpec((_BM, D), lambda i: (i, 0))
    full_spec = pl.BlockSpec((1, D), lambda i: (0, 0))
    w_spec = pl.BlockSpec((D, D), lambda i: (0, 0))
    return pl.pallas_call(
        _post_body,
        grid=grid,
        in_specs=[row_spec, row_spec, row_spec, row_spec, row_spec,
                  w_spec, full_spec],
        out_specs=row_spec,
        out_shape=jax.ShapeDtypeStruct((N, D), jnp.float32),
    )(x, o0, o1, s0, s1, bmat, bias)


def kernel(x, edge_index, ln_gamma, ln_beta, Wl, bl, Wr, br, att, bias):
    g2 = ln_gamma.reshape(1, D)
    b2 = ln_beta.reshape(1, D)
    bl2 = bl.reshape(1, H * C)
    br2 = br.reshape(1, H * C)
    bias2 = bias.reshape(1, H * C)
    att_flat = att.reshape(H * C)

    xl, xr = _tc_pre(x, g2, b2, Wl, bl2, Wr, br2)

    src = edge_index[0]
    dst = edge_index[1]
    zpad = jnp.zeros((NPAD, D), jnp.float32)
    bmat = (jnp.arange(D, dtype=jnp.int32)[:, None]
            == (jnp.arange(D, dtype=jnp.int32) // C)[None, :]
            ).astype(jnp.float32)

    p, s0, s1 = _sc_scores(xl, xr, src, dst, att_flat, zpad)
    o0, o1 = _sc_aggregate(xl, src, dst, p, zpad)
    return _tc_post(x, o0, o1, s0, s1, bmat, bias2)

# --- scband reference (transcript-rebuilt; emitter-appended) ---
"""Pipeline reference for scband-res-gatblock-15006615734302 (READ-ONLY COPY).

The authoritative reference and input builder live on the scoring server;
editing this copy changes nothing except your own understanding.
"""

import jax, jax.numpy as jnp
import numpy as np

N = 10000
E = 320000
D = 128
H = 4
C = 32
NEG_SLOPE = 0.15


def setup_inputs(seed: int = 0) -> dict:
    key = jax.random.key(seed)
    ks = jax.random.split(key, 10)
    x = jax.random.normal(ks[0], (N, D), dtype=jnp.float32)
    edge_index = jax.random.randint(ks[1], (2, E), 0, N, dtype=jnp.int32)
    ln_gamma = jnp.ones((D,), dtype=jnp.float32)
    ln_beta = jnp.zeros((D,), dtype=jnp.float32)
    scale = 1.0 / np.sqrt(D)
    Wl = jax.random.normal(ks[2], (D, H * C), dtype=jnp.float32) * scale
    bl = jnp.zeros((H * C,), dtype=jnp.float32)
    Wr = jax.random.normal(ks[3], (D, H * C), dtype=jnp.float32) * scale
    br = jnp.zeros((H * C,), dtype=jnp.float32)
    att = jax.random.normal(ks[4], (H, C), dtype=jnp.float32) * (1.0 / np.sqrt(C))
    bias = jnp.zeros((H * C,), dtype=jnp.float32)
    return {"x": x, "edge_index": edge_index, "ln_gamma": ln_gamma, "ln_beta": ln_beta,
            "Wl": Wl, "bl": bl, "Wr": Wr, "br": br, "att": att, "bias": bias}


def reference(x, edge_index, ln_gamma, ln_beta, Wl, bl, Wr, br, att, bias):
    # LayerNorm
    mu = x.mean(axis=-1, keepdims=True)
    var = ((x - mu) ** 2).mean(axis=-1, keepdims=True)
    h = (x - mu) / jnp.sqrt(var + 1e-5) * ln_gamma + ln_beta
    # GATv2Conv (eval mode: attn_dropout inactive), concat=True, no self loops
    xl = (h @ Wl + bl).reshape(N, H, C)  # lin_l (source/message transform)
    xr = (h @ Wr + br).reshape(N, H, C)  # lin_r (target transform)
    src = edge_index[0]
    dst = edge_index[1]
    z = xl[src] + xr[dst]                      # [E, H, C]
    z = jnp.where(z > 0, z, NEG_SLOPE * z)     # LeakyReLU(0.15)
    e = (z * att[None, :, :]).sum(-1)          # [E, H]
    # softmax over incoming edges per destination node (numerically stable)
    m = jax.ops.segment_max(e, dst, num_segments=N)
    m = jnp.where(jnp.isfinite(m), m, 0.0)
    p = jnp.exp(e - m[dst])
    s = jax.ops.segment_sum(p, dst, num_segments=N)
    alpha = p / (s[dst] + 1e-16)               # [E, H]
    msg = xl[src] * alpha[..., None]           # [E, H, C]
    out = jax.ops.segment_sum(msg, dst, num_segments=N).reshape(N, H * C) + bias
    # mlp dropout inactive in eval; ReLU activation; proj is Identity (in_dim==out_dim)
    hout = jnp.maximum(out, 0.0)
    return x + hout

if __name__ == "__main__":
    import jax
    _d = setup_inputs()
    print(jax.jit(kernel)(*tuple(_d.values())))

</pallas_src>

<mosaic_0001>
#map = affine_map<(d0, d1) -> (0, 0)>
#map1 = affine_map<(d0, d1) -> (0)>
module attributes {stable_mosaic.version = 14 : i64} {
  func.func @_sc_scores(%arg0: i32, %arg1: i32, %arg2: memref<10000x128xf32, #tpu.memory_space<hbm>>, %arg3: memref<10000x128xf32, #tpu.memory_space<hbm>>, %arg4: memref<320000xi32, #tpu.memory_space<hbm>>, %arg5: memref<320000xi32, #tpu.memory_space<hbm>>, %arg6: memref<128xf32, #tpu.memory_space<hbm>>, %arg7: memref<10240x128xf32, #tpu.memory_space<hbm>>, %arg8: memref<320000x16xf32, #tpu.memory_space<hbm>>, %arg9: memref<10240x128xf32, #tpu.memory_space<hbm>>, %arg10: memref<10240x128xf32, #tpu.memory_space<hbm>>, %arg11: memref<40xi32, #tpu.memory_space<vmem>>, %arg12: memref<40xi32, #tpu.memory_space<vmem>>, %arg13: memref<40xi32, #tpu.memory_space<vmem>>, %arg14: memref<40xi32, #tpu.memory_space<vmem>>, %arg15: memref<40x128xf32, #tpu.memory_space<vmem>>, %arg16: memref<40x128xf32, #tpu.memory_space<vmem>>, %arg17: memref<40x128xf32, #tpu.memory_space<vmem>>, %arg18: memref<40x128xf32, #tpu.memory_space<vmem>>, %arg19: memref<40x16xf32, #tpu.memory_space<vmem>>, %arg20: memref<40x128xf32, #tpu.memory_space<vmem>>, %arg21: memref<128xf32, #tpu.memory_space<vmem>>, %arg22: memref<!tpu.dma_semaphore, #tpu.memory_space<semaphore_mem>>, %arg23: memref<!tpu.dma_semaphore, #tpu.memory_space<semaphore_mem>>, %arg24: memref<10240x128xf32, #tpu.memory_space<vmem_shared>>) attributes {dimension_semantics = [#tpu.dimension_semantics<core_parallel>, #tpu.dimension_semantics<subcore_parallel>], iteration_bounds = array<i64: 2, 16>, scalar_prefetch = 0 : i64, scratch_operands = 14 : i64, tpu.core_type = #tpu.core_type<sc_vector_subcore>, window_params = [{transform_indices = #map}, {transform_indices = #map}, {transform_indices = #map1}, {transform_indices = #map1}, {transform_indices = #map1}, {transform_indices = #map}, {transform_indices = #map}, {transform_indices = #map}, {transform_indices = #map}]} {
    %mul3A = arith.constant 16 : i32
    %mul3A_0 = arith.muli %arg0, %mul3A : i32
    %add3A = arith.addi %mul3A_0, %arg1 : i32
    %mul3A_1 = arith.constant 640 : i32
    %mul3A_2 = arith.muli %arg1, %mul3A_1 : i32
    %mul3A_3 = arith.constant 640 : i32
    %mul3A_4 = arith.muli %arg1, %mul3A_3 : i32
    "tpu.region"() ({
      %run_scoped3A = tpu.sem_alloc : memref<!tpu.dma_semaphore, #tpu.memory_space<semaphore_mem>>
      %dma_start3A_87 = arith.constant 0 : i32
      %dma_start3A_88 = tpu.memref_slice %arg24[%mul3A_4, %dma_start3A_87] : memref<10240x128xf32, #tpu.memory_space<vmem_shared>> -> memref<640x128xf32, #tpu.memory_space<vmem_shared>>
      %dma_start3A_89 = arith.constant 0 : i32
      %dma_start3A_90 = tpu.memref_slice %arg7[%mul3A_2, %dma_start3A_89] : memref<10240x128xf32, #tpu.memory_space<hbm>> -> memref<640x128xf32, #tpu.memory_space<hbm>>
      tpu.enqueue_dma source(%dma_start3A_90 : memref<640x128xf32, #tpu.memory_space<hbm>>) target(%dma_start3A_88 : memref<640x128xf32, #tpu.memory_space<vmem_shared>>) target_semaphore(%run_scoped3A : memref<!tpu.dma_semaphore, #tpu.memory_space<semaphore_mem>>)
      %dma_wait3A = arith.constant 0 : i32
      %dma_wait3A_91 = tpu.memref_slice %arg24[%mul3A_4, %dma_wait3A] : memref<10240x128xf32, #tpu.memory_space<vmem_shared>> -> memref<640x128xf32, #tpu.memory_space<vmem_shared>>
      %dma_wait3A_92 = arith.constant 0 : i32
      %dma_wait3A_93 = tpu.memref_slice %arg7[%mul3A_2, %dma_wait3A_92] : memref<10240x128xf32, #tpu.memory_space<hbm>> -> memref<640x128xf32, #tpu.memory_space<hbm>>
      tpu.wait_dma2 semaphore(%run_scoped3A : memref<!tpu.dma_semaphore, #tpu.memory_space<semaphore_mem>>) src(%dma_wait3A_93 : memref<640x128xf32, #tpu.memory_space<hbm>>) dst(%dma_wait3A_91 : memref<640x128xf32, #tpu.memory_space<vmem_shared>>)
      tpu.yield
    }) : () -> ()
    "tpu.region"() ({
      %run_scoped3A = tpu.sem_alloc : memref<!tpu.dma_semaphore, #tpu.memory_space<semaphore_mem>>
      tpu.enqueue_dma source(%arg6 : memref<128xf32, #tpu.memory_space<hbm>>) target(%arg21 : memref<128xf32, #tpu.memory_space<vmem>>) target_semaphore(%run_scoped3A : memref<!tpu.dma_semaphore, #tpu.memory_space<semaphore_mem>>)
      tpu.wait_dma2 semaphore(%run_scoped3A : memref<!tpu.dma_semaphore, #tpu.memory_space<semaphore_mem>>) src(%arg6 : memref<128xf32, #tpu.memory_space<hbm>>) dst(%arg21 : memref<128xf32, #tpu.memory_space<vmem>>)
      tpu.yield
    }) : () -> ()
    %broadcast_in_dim3A = arith.constant 0.000000e+00 : f32
    %broadcast_in_dim3A_5 = vector.broadcast %broadcast_in_dim3A : f32 to vector<16xf32>
    %scan3A = arith.constant 0 : i32
    %scan3A_6 = arith.constant 0 : i32
    %scan3A_7 = arith.constant 40 : i32
    %scan3A_8 = arith.addi %scan3A_6, %scan3A_7 : i32
    %scan3A_9 = arith.constant 1 : i32
    scf.for %scan3A_87 = %scan3A_6 to %scan3A_8 step %scan3A_9  : i32 {
      %swap3A = arith.index_cast %scan3A_87 : i32 to index
      %swap3A_88 = arith.constant 0 : index
      %swap3A_89 = tpu.vector_load %arg20[%swap3A, %swap3A_88] {strides = array<i32>} : memref<40x128xf32, #tpu.memory_space<vmem>>, vector<16xf32>,
      tpu.vector_store %arg20[%swap3A, %swap3A_88], %broadcast_in_dim3A_5 {strides = array<i32>} : memref<40x128xf32, #tpu.memory_space<vmem>>, vector<16xf32>,
      %swap3A_90 = arith.index_cast %scan3A_87 : i32 to index
      %swap3A_91 = arith.constant 16 : index
      %swap3A_92 = tpu.vector_load %arg20[%swap3A_90, %swap3A_91] {strides = array<i32>} : memref<40x128xf32, #tpu.memory_space<vmem>>, vector<16xf32>,
      tpu.vector_store %arg20[%swap3A_90, %swap3A_91], %broadcast_in_dim3A_5 {strides = array<i32>} : memref<40x128xf32, #tpu.memory_space<vmem>>, vector<16xf32>,
      %swap3A_93 = arith.index_cast %scan3A_87 : i32 to index
      %swap3A_94 = arith.constant 32 : index
      %swap3A_95 = tpu.vector_load %arg20[%swap3A_93, %swap3A_94] {strides = array<i32>} : memref<40x128xf32, #tpu.memory_space<vmem>>, vector<16xf32>,
      tpu.vector_store %arg20[%swap3A_93, %swap3A_94], %broadcast_in_dim3A_5 {strides = array<i32>} : memref<40x128xf32, #tpu.memory_space<vmem>>, vector<16xf32>,
      %swap3A_96 = arith.index_cast %scan3A_87 : i32 to index
      %swap3A_97 = arith.constant 48 : index
      %swap3A_98 = tpu.vector_load %arg20[%swap3A_96, %swap3A_97] {strides = array<i32>} : memref<40x128xf32, #tpu.memory_space<vmem>>, vector<16xf32>,
      tpu.vector_store %arg20[%swap3A_96, %swap3A_97], %broadcast_in_dim3A_5 {strides = array<i32>} : memref<40x128xf32, #tpu.memory_space<vmem>>, vector<16xf32>,
      %swap3A_99 = arith.index_cast %scan3A_87 : i32 to index
      %swap3A_100 = arith.constant 64 : index
      %swap3A_101 = tpu.vector_load %arg20[%swap3A_99, %swap3A_100] {strides = array<i32>} : memref<40x128xf32, #tpu.memory_space<vmem>>, vector<16xf32>,
      tpu.vector_store %arg20[%swap3A_99, %swap3A_100], %broadcast_in_dim3A_5 {strides = array<i32>} : memref<40x128xf32, #tpu.memory_space<vmem>>, vector<16xf32>,
      %swap3A_102 = arith.index_cast %scan3A_87 : i32 to index
      %swap3A_103 = arith.constant 80 : index
      %swap3A_104 = tpu.vector_load %arg20[%swap3A_102, %swap3A_103] {strides = array<i32>} : memref<40x128xf32, #tpu.memory_space<vmem>>, vector<16xf32>,
      tpu.vector_store %arg20[%swap3A_102, %swap3A_103], %broadcast_in_dim3A_5 {strides = array<i32>} : memref<40x128xf32, #tpu.memory_space<vmem>>, vector<16xf32>,
      %swap3A_105 = arith.index_cast %scan3A_87 : i32 to index
      %swap3A_106 = arith.constant 96 : index
      %swap3A_107 = tpu.vector_load %arg20[%swap3A_105, %swap3A_106] {strides = array<i32>} : memref<40x128xf32, #tpu.memory_space<vmem>>, vector<16xf32>,
      tpu.vector_store %arg20[%swap3A_105, %swap3A_106], %broadcast_in_dim3A_5 {strides = array<i32>} : memref<40x128xf32, #tpu.memory_space<vmem>>, vector<16xf32>,
      %swap3A_108 = arith.index_cast %scan3A_87 : i32 to index
      %swap3A_109 = arith.constant 112 : index
      %swap3A_110 = tpu.vector_load %arg20[%swap3A_108, %swap3A_109] {strides = array<i32>} : memref<40x128xf32, #tpu.memory_space<vmem>>, vector<16xf32>,
      tpu.vector_store %arg20[%swap3A_108, %swap3A_109], %broadcast_in_dim3A_5 {strides = array<i32>} : memref<40x128xf32, #tpu.memory_space<vmem>>, vector<16xf32>,
    }
    %scan3A_10 = arith.constant 40 : i32
    %barrier3A = arith.constant 0 : index
    tpu.barrier barrier_id(%barrier3A)
    %get3A = arith.constant 0 : index
    %get3A_11 = tpu.vector_load %arg21[%get3A] {strides = array<i32>} : memref<128xf32, #tpu.memory_space<vmem>>, vector<16xf32>,
    %get3A_12 = arith.constant 16 : index
    %get3A_13 = tpu.vector_load %arg21[%get3A_12] {strides = array<i32>} : memref<128xf32, #tpu.memory_space<vmem>>, vector<16xf32>,
    %get3A_14 = arith.constant 32 : index
    %get3A_15 = tpu.vector_load %arg21[%get3A_14] {strides = array<i32>} : memref<128xf32, #tpu.memory_space<vmem>>, vector<16xf32>,
    %get3A_16 = arith.constant 48 : index
    %get3A_17 = tpu.vector_load %arg21[%get3A_16] {strides = array<i32>} : memref<128xf32, #tpu.memory_space<vmem>>, vector<16xf32>,
    %get3A_18 = arith.constant 64 : index
    %get3A_19 = tpu.vector_load %arg21[%get3A_18] {strides = array<i32>} : memref<128xf32, #tpu.memory_space<vmem>>, vector<16xf32>,
    %get3A_20 = arith.constant 80 : index
    %get3A_21 = tpu.vector_load %arg21[%get3A_20] {strides = array<i32>} : memref<128xf32, #tpu.memory_space<vmem>>, vector<16xf32>,
    %get3A_22 = arith.constant 96 : index
    %get3A_23 = tpu.vector_load %arg21[%get3A_22] {strides = array<i32>} : memref<128xf32, #tpu.memory_space<vmem>>, vector<16xf32>,
    %get3A_24 = arith.constant 112 : index
    %get3A_25 = tpu.vector_load %arg21[%get3A_24] {strides = array<i32>} : memref<128xf32, #tpu.memory_space<vmem>>, vector<16xf32>,
    %mul3A_26 = arith.constant 1.500000e-01 : f32
    %mul3A_27 = vector.broadcast %mul3A_26 : f32 to vector<16xf32>
    %mul3A_28 = arith.mulf %get3A_11, %mul3A_27 : vector<16xf32>
    %mul3A_29 = arith.constant 1.500000e-01 : f32
    %mul3A_30 = vector.broadcast %mul3A_29 : f32 to vector<16xf32>
    %mul3A_31 = arith.mulf %get3A_13, %mul3A_30 : vector<16xf32>
    %mul3A_32 = arith.constant 1.500000e-01 : f32
    %mul3A_33 = vector.broadcast %mul3A_32 : f32 to vector<16xf32>
    %mul3A_34 = arith.mulf %get3A_15, %mul3A_33 : vector<16xf32>
    %mul3A_35 = arith.constant 1.500000e-01 : f32
    %mul3A_36 = vector.broadcast %mul3A_35 : f32 to vector<16xf32>
    %mul3A_37 = arith.mulf %get3A_17, %mul3A_36 : vector<16xf32>
    %mul3A_38 = arith.constant 1.500000e-01 : f32
    %mul3A_39 = vector.broadcast %mul3A_38 : f32 to vector<16xf32>
    %mul3A_40 = arith.mulf %get3A_19, %mul3A_39 : vector<16xf32>
    %mul3A_41 = arith.constant 1.500000e-01 : f32
    %mul3A_42 = vector.broadcast %mul3A_41 : f32 to vector<16xf32>
    %mul3A_43 = arith.mulf %get3A_21, %mul3A_42 : vector<16xf32>
    %mul3A_44 = arith.constant 1.500000e-01 : f32
    %mul3A_45 = vector.broadcast %mul3A_44 : f32 to vector<16xf32>
    %mul3A_46 = arith.mulf %get3A_23, %mul3A_45 : vector<16xf32>
    %mul3A_47 = arith.constant 1.500000e-01 : f32
    %mul3A_48 = vector.broadcast %mul3A_47 : f32 to vector<16xf32>
    %mul3A_49 = arith.mulf %get3A_25, %mul3A_48 : vector<16xf32>
    %iota3A = tpu.iota {dimensions = array<i32: 0>} : vector<16xi32>
    %eq3A = arith.constant 0 : i32
    %eq3A_50 = vector.broadcast %eq3A : i32 to vector<16xi32>
    %eq3A_51 = arith.cmpi eq, %iota3A, %eq3A_50 : vector<16xi32>
    %eq3A_52 = arith.constant 1 : i32
    %eq3A_53 = vector.broadcast %eq3A_52 : i32 to vector<16xi32>
    %eq3A_54 = arith.cmpi eq, %iota3A, %eq3A_53 : vector<16xi32>
    %eq3A_55 = arith.constant 2 : i32
    %eq3A_56 = vector.broadcast %eq3A_55 : i32 to vector<16xi32>
    %eq3A_57 = arith.cmpi eq, %iota3A, %eq3A_56 : vector<16xi32>
    %eq3A_58 = arith.constant 3 : i32
    %eq3A_59 = vector.broadcast %eq3A_58 : i32 to vector<16xi32>
    %eq3A_60 = arith.cmpi eq, %iota3A, %eq3A_59 : vector<16xi32>
    %lt3A = arith.constant 4 : i32
    %lt3A_61 = vector.broadcast %lt3A : i32 to vector<16xi32>
    %lt3A_62 = arith.cmpi slt, %iota3A, %lt3A_61 : vector<16xi32>
    %mul3A_63 = arith.constant 10000 : i32
    %mul3A_64 = arith.muli %add3A, %mul3A_63 : i32
    %add3A_65 = arith.constant 0 : i32
    %add3A_66 = arith.addi %mul3A_64, %add3A_65 : i32
    "tpu.region"() ({
      %run_scoped3A = tpu.sem_alloc : memref<!tpu.dma_semaphore, #tpu.memory_space<semaphore_mem>>
      %dma_start3A_87 = tpu.memref_slice %arg4[%add3A_66] : memref<320000xi32, #tpu.memory_space<hbm>> -> memref<40xi32, #tpu.memory_space<hbm>>
      %dma_start3A_88 = tpu.memref_slice %arg4[%add3A_66] : memref<320000xi32, #tpu.memory_space<hbm>> -> memref<40xi32, #tpu.memory_space<hbm>>
      tpu.enqueue_dma source(%dma_start3A_88 : memref<40xi32, #tpu.memory_space<hbm>>) target(%arg11 : memref<40xi32, #tpu.memory_space<vmem>>) target_semaphore(%run_scoped3A : memref<!tpu.dma_semaphore, #tpu.memory_space<semaphore_mem>>)
      %dma_wait3A = tpu.memref_slice %arg4[%add3A_66] : memref<320000xi32, #tpu.memory_space<hbm>> -> memref<40xi32, #tpu.memory_space<hbm>>
      %dma_wait3A_89 = tpu.memref_slice %arg4[%add3A_66] : memref<320000xi32, #tpu.memory_space<hbm>> -> memref<40xi32, #tpu.memory_space<hbm>>
      tpu.wait_dma2 semaphore(%run_scoped3A : memref<!tpu.dma_semaphore, #tpu.memory_space<semaphore_mem>>) src(%dma_wait3A_89 : memref<40xi32, #tpu.memory_space<hbm>>) dst(%arg11 : memref<40xi32, #tpu.memory_space<vmem>>)
      tpu.yield
    }) : () -> ()
    "tpu.region"() ({
      %run_scoped3A = tpu.sem_alloc : memref<!tpu.dma_semaphore, #tpu.memory_space<semaphore_mem>>
      %dma_start3A_87 = tpu.memref_slice %arg5[%add3A_66] : memref<320000xi32, #tpu.memory_space<hbm>> -> memref<40xi32, #tpu.memory_space<hbm>>
      %dma_start3A_88 = tpu.memref_slice %arg5[%add3A_66] : memref<320000xi32, #tpu.memory_space<hbm>> -> memref<40xi32, #tpu.memory_space<hbm>>
      tpu.enqueue_dma source(%dma_start3A_88 : memref<40xi32, #tpu.memory_space<hbm>>) target(%arg13 : memref<40xi32, #tpu.memory_space<vmem>>) target_semaphore(%run_scoped3A : memref<!tpu.dma_semaphore, #tpu.memory_space<semaphore_mem>>)
      %dma_wait3A = tpu.memref_slice %arg5[%add3A_66] : memref<320000xi32, #tpu.memory_space<hbm>> -> memref<40xi32, #tpu.memory_space<hbm>>
      %dma_wait3A_89 = tpu.memref_slice %arg5[%add3A_66] : memref<320000xi32, #tpu.memory_space<hbm>> -> memref<40xi32, #tpu.memory_space<hbm>>
      tpu.wait_dma2 semaphore(%run_scoped3A : memref<!tpu.dma_semaphore, #tpu.memory_space<semaphore_mem>>) src(%dma_wait3A_89 : memref<40xi32, #tpu.memory_space<hbm>>) dst(%arg13 : memref<40xi32, #tpu.memory_space<vmem>>)
      tpu.yield
    }) : () -> ()
    %dma_start3A = arith.constant 0 : i32
    %dma_start3A_67 = arith.constant 0 : i32
    %dma_start3A_68 = tpu.memref_slice %arg2[%dma_start3A, %dma_start3A_67] : memref<10000x128xf32, #tpu.memory_space<hbm>> -> memref<10000x128xf32, #tpu.memory_space<hbm>>
    tpu.enqueue_indirect_dma source(%dma_start3A_68 : memref<10000x128xf32, #tpu.memory_space<hbm>>) target(%arg15 : memref<40x128xf32, #tpu.memory_space<vmem>>) offsets(%arg11 : memref<40xi32, #tpu.memory_space<vmem>>) semaphore(%arg22 : memref<!tpu.dma_semaphore, #tpu.memory_space<semaphore_mem>>)
    %dma_start3A_69 = arith.constant 0 : i32
    %dma_start3A_70 = arith.constant 0 : i32
    %dma_start3A_71 = tpu.memref_slice %arg3[%dma_start3A_69, %dma_start3A_70] : memref<10000x128xf32, #tpu.memory_space<hbm>> -> memref<10000x128xf32, #tpu.memory_space<hbm>>
    tpu.enqueue_indirect_dma source(%dma_start3A_71 : memref<10000x128xf32, #tpu.memory_space<hbm>>) target(%arg17 : memref<40x128xf32, #tpu.memory_space<vmem>>) offsets(%arg13 : memref<40xi32, #tpu.memory_space<vmem>>) semaphore(%arg22 : memref<!tpu.dma_semaphore, #tpu.memory_space<semaphore_mem>>)
    %scan3A_72 = arith.constant 0 : i32
    %scan3A_73 = arith.constant 0 : i32
    %scan3A_74 = arith.constant 125 : i32
    %scan3A_75 = arith.addi %scan3A_73, %scan3A_74 : i32
    %scan3A_76 = arith.constant 1 : i32
    scf.for %scan3A_87 = %scan3A_73 to %scan3A_75 step %scan3A_76  : i32 {
      %mul3A_88 = arith.constant 2 : i32
      %mul3A_89 = arith.muli %mul3A_88, %scan3A_87 : i32
      %add3A_90 = arith.constant 1 : i32
      %add3A_91 = arith.addi %mul3A_89, %add3A_90 : i32
      %mul3A_92 = arith.constant 40 : i32
      %mul3A_93 = arith.muli %add3A_91, %mul3A_92 : i32
      %add3A_94 = arith.addi %mul3A_64, %mul3A_93 : i32
      "tpu.region"() ({
        %run_scoped3A = tpu.sem_alloc : memref<!tpu.dma_semaphore, #tpu.memory_space<semaphore_mem>>
        %dma_start3A_137 = tpu.memref_slice %arg4[%add3A_94] : memref<320000xi32, #tpu.memory_space<hbm>> -> memref<40xi32, #tpu.memory_space<hbm>>
        %dma_start3A_138 = tpu.memref_slice %arg4[%add3A_94] : memref<320000xi32, #tpu.memory_space<hbm>> -> memref<40xi32, #tpu.memory_space<hbm>>
        tpu.enqueue_dma source(%dma_start3A_138 : memref<40xi32, #tpu.memory_space<hbm>>) target(%arg12 : memref<40xi32, #tpu.memory_space<vmem>>) target_semaphore(%run_scoped3A : memref<!tpu.dma_semaphore, #tpu.memory_space<semaphore_mem>>)
        %dma_wait3A_139 = tpu.memref_slice %arg4[%add3A_94] : memref<320000xi32, #tpu.memory_space<hbm>> -> memref<40xi32, #tpu.memory_space<hbm>>
        %dma_wait3A_140 = tpu.memref_slice %arg4[%add3A_94] : memref<320000xi32, #tpu.memory_space<hbm>> -> memref<40xi32, #tpu.memory_space<hbm>>
        tpu.wait_dma2 semaphore(%run_scoped3A : memref<!tpu.dma_semaphore, #tpu.memory_space<semaphore_mem>>) src(%dma_wait3A_140 : memref<40xi32, #tpu.memory_space<hbm>>) dst(%arg12 : memref<40xi32, #tpu.memory_space<vmem>>)
        tpu.yield
      }) : () -> ()
      "tpu.region"() ({
        %run_scoped3A = tpu.sem_alloc : memref<!tpu.dma_semaphore, #tpu.memory_space<semaphore_mem>>
        %dma_start3A_137 = tpu.memref_slice %arg5[%add3A_94] : memref<320000xi32, #tpu.memory_space<hbm>> -> memref<40xi32, #tpu.memory_space<hbm>>
        %dma_start3A_138 = tpu.memref_slice %arg5[%add3A_94] : memref<320000xi32, #tpu.memory_space<hbm>> -> memref<40xi32, #tpu.memory_space<hbm>>
        tpu.enqueue_dma source(%dma_start3A_138 : memref<40xi32, #tpu.memory_space<hbm>>) target(%arg14 : memref<40xi32, #tpu.memory_space<vmem>>) target_semaphore(%run_scoped3A : memref<!tpu.dma_semaphore, #tpu.memory_space<semaphore_mem>>)
        %dma_wait3A_139 = tpu.memref_slice %arg5[%add3A_94] : memref<320000xi32, #tpu.memory_space<hbm>> -> memref<40xi32, #tpu.memory_space<hbm>>
        %dma_wait3A_140 = tpu.memref_slice %arg5[%add3A_94] : memref<320000xi32, #tpu.memory_space<hbm>> -> memref<40xi32, #tpu.memory_space<hbm>>
        tpu.wait_dma2 semaphore(%run_scoped3A : memref<!tpu.dma_semaphore, #tpu.memory_space<semaphore_mem>>) src(%dma_wait3A_140 : memref<40xi32, #tpu.memory_space<hbm>>) dst(%arg14 : memref<40xi32, #tpu.memory_space<vmem>>)
        tpu.yield
      }) : () -> ()
      %dma_start3A_95 = arith.constant 0 : i32
      %dma_start3A_96 = arith.constant 0 : i32
      %dma_start3A_97 = tpu.memref_slice %arg2[%dma_start3A_95, %dma_start3A_96] : memref<10000x128xf32, #tpu.memory_space<hbm>> -> memref<10000x128xf32, #tpu.memory_space<hbm>>
      tpu.enqueue_indirect_dma source(%dma_start3A_97 : memref<10000x128xf32, #tpu.memory_space<hbm>>) target(%arg16 : memref<40x128xf32, #tpu.memory_space<vmem>>) offsets(%arg12 : memref<40xi32, #tpu.memory_space<vmem>>) semaphore(%arg23 : memref<!tpu.dma_semaphore, #tpu.memory_space<semaphore_mem>>)
      %dma_start3A_98 = arith.constant 0 : i32
      %dma_start3A_99 = arith.constant 0 : i32
      %dma_start3A_100 = tpu.memref_slice %arg3[%dma_start3A_98, %dma_start3A_99] : memref<10000x128xf32, #tpu.memory_space<hbm>> -> memref<10000x128xf32, #tpu.memory_space<hbm>>
      tpu.enqueue_indirect_dma source(%dma_start3A_100 : memref<10000x128xf32, #tpu.memory_space<hbm>>) target(%arg18 : memref<40x128xf32, #tpu.memory_space<vmem>>) offsets(%arg14 : memref<40xi32, #tpu.memory_space<vmem>>) semaphore(%arg23 : memref<!tpu.dma_semaphore, #tpu.memory_space<semaphore_mem>>)
      %dma_wait3A = arith.constant 0 : i32
      %dma_wait3A_101 = arith.constant 0 : i32
      %dma_wait3A_102 = tpu.memref_slice %arg2[%dma_wait3A, %dma_wait3A_101] : memref<10000x128xf32, #tpu.memory_space<hbm>> -> memref<10000x128xf32, #tpu.memory_space<hbm>>
      tpu.wait_indirect_dma semaphore(%arg22 : memref<!tpu.dma_semaphore, #tpu.memory_space<semaphore_mem>>) src(%dma_wait3A_102 : memref<10000x128xf32, #tpu.memory_space<hbm>>) dst(%arg15 : memref<40x128xf32, #tpu.memory_space<vmem>>)
      %dma_wait3A_103 = arith.constant 0 : i32
      %dma_wait3A_104 = arith.constant 0 : i32
      %dma_wait3A_105 = tpu.memref_slice %arg3[%dma_wait3A_103, %dma_wait3A_104] : memref<10000x128xf32, #tpu.memory_space<hbm>> -> memref<10000x128xf32, #tpu.memory_space<hbm>>
      tpu.wait_indirect_dma semaphore(%arg22 : memref<!tpu.dma_semaphore, #tpu.memory_space<semaphore_mem>>) src(%dma_wait3A_105 : memref<10000x128xf32, #tpu.memory_space<hbm>>) dst(%arg17 : memref<40x128xf32, #tpu.memory_space<vmem>>)
      %mul3A_106 = arith.constant 40 : i32
      %mul3A_107 = arith.muli %mul3A_89, %mul3A_106 : i32
      %add3A_108 = arith.addi %mul3A_64, %mul3A_107 : i32
      %scan3A_109 = arith.constant 0 : i32
      %scan3A_110 = arith.constant 0 : i32
      %scan3A_111 = arith.constant 20 : i32
      %scan3A_112 = arith.addi %scan3A_110, %scan3A_111 : i32
      %scan3A_113 = arith.constant 1 : i32
      scf.for %scan3A_137 = %scan3A_110 to %scan3A_112 step %scan3A_113  : i32 {
        %mul3A_138 = arith.constant 2 : i32
        %mul3A_139 = arith.muli %mul3A_138, %scan3A_137 : i32
        %broadcast_in_dim3A_140 = arith.constant 0.000000e+00 : f32
        %broadcast_in_dim3A_141 = vector.broadcast %broadcast_in_dim3A_140 : f32 to vector<16xf32>
        %get3A_142 = arith.index_cast %mul3A_139 : i32 to index
        %get3A_143 = arith.constant 0 : index
        %get3A_144 = tpu.vector_load %arg15[%get3A_142, %get3A_143] {strides = array<i32>} : memref<40x128xf32, #tpu.memory_space<vmem>>, vector<16xf32>,
        %get3A_145 = arith.index_cast %mul3A_139 : i32 to index
        %get3A_146 = arith.constant 0 : index
        %get3A_147 = tpu.vector_load %arg17[%get3A_145, %get3A_146] {strides = array<i32>} : memref<40x128xf32, #tpu.memory_space<vmem>>, vector<16xf32>,
        %add3A_148 = arith.addf %get3A_144, %get3A_147 : vector<16xf32>
        %gt3A = arith.constant 0.000000e+00 : f32
        %gt3A_149 = vector.broadcast %gt3A : f32 to vector<16xf32>
        %gt3A_150 = arith.cmpf ogt, %add3A_148, %gt3A_149 : vector<16xf32>
        %select_n3A = arith.select %gt3A_150, %get3A_11, %mul3A_28 : vector<16xi1>, vector<16xf32>
        %mul3A_151 = arith.mulf %add3A_148, %select_n3A : vector<16xf32>
        %get3A_152 = arith.index_cast %mul3A_139 : i32 to index
        %get3A_153 = arith.constant 16 : index
        %get3A_154 = tpu.vector_load %arg15[%get3A_152, %get3A_153] {strides = array<i32>} : memref<40x128xf32, #tpu.memory_space<vmem>>, vector<16xf32>,
        %get3A_155 = arith.index_cast %mul3A_139 : i32 to index
        %get3A_156 = arith.constant 16 : index
        %get3A_157 = tpu.vector_load %arg17[%get3A_155, %get3A_156] {strides = array<i32>} : memref<40x128xf32, #tpu.memory_space<vmem>>, vector<16xf32>,
        %add3A_158 = arith.addf %get3A_154, %get3A_157 : vector<16xf32>
        %gt3A_159 = arith.constant 0.000000e+00 : f32
        %gt3A_160 = vector.broadcast %gt3A_159 : f32 to vector<16xf32>
        %gt3A_161 = arith.cmpf ogt, %add3A_158, %gt3A_160 : vector<16xf32>
        %select_n3A_162 = arith.select %gt3A_161, %get3A_13, %mul3A_31 : vector<16xi1>, vector<16xf32>
        %mul3A_163 = arith.mulf %add3A_158, %select_n3A_162 : vector<16xf32>
        %add3A_164 = arith.addf %mul3A_151, %mul3A_163 : vector<16xf32>
        %reduce_sum3A = arith.constant true
        %reduce_sum3A_165 = vector.broadcast %reduce_sum3A : i1 to vector<16xi1>
        %reduce_sum3A_166 = tpu.scan <sum>, %add3A_164 masked %reduce_sum3A_165 : vector<16xf32>, vector<16xi1> -> vector<16xf32>
        %reduce_sum3A_167 = vector.extract %reduce_sum3A_166[15] : f32 from vector<16xf32>
        %broadcast_in_dim3A_168 = vector.broadcast %reduce_sum3A_167 : f32 to vector<16xf32>
        %select_n3A_169 = arith.select %eq3A_51, %broadcast_in_dim3A_168, %broadcast_in_dim3A_141 : vector<16xi1>, vector<16xf32>
        %get3A_170 = arith.index_cast %mul3A_139 : i32 to index
        %get3A_171 = arith.constant 32 : index
        %get3A_172 = tpu.vector_load %arg15[%get3A_170, %get3A_171] {strides = array<i32>} : memref<40x128xf32, #tpu.memory_space<vmem>>, vector<16xf32>,
        %get3A_173 = arith.index_cast %mul3A_139 : i32 to index
        %get3A_174 = arith.constant 32 : index
        %get3A_175 = tpu.vector_load %arg17[%get3A_173, %get3A_174] {strides = array<i32>} : memref<40x128xf32, #tpu.memory_space<vmem>>, vector<16xf32>,
        %add3A_176 = arith.addf %get3A_172, %get3A_175 : vector<16xf32>
        %gt3A_177 = arith.constant 0.000000e+00 : f32
        %gt3A_178 = vector.broadcast %gt3A_177 : f32 to vector<16xf32>
        %gt3A_179 = arith.cmpf ogt, %add3A_176, %gt3A_178 : vector<16xf32>
        %select_n3A_180 = arith.select %gt3A_179, %get3A_15, %mul3A_34 : vector<16xi1>, vector<16xf32>
        %mul3A_181 = arith.mulf %add3A_176, %select_n3A_180 : vector<16xf32>
        %get3A_182 = arith.index_cast %mul3A_139 : i32 to index
        %get3A_183 = arith.constant 48 : index
        %get3A_184 = tpu.vector_load %arg15[%get3A_182, %get3A_183] {strides = array<i32>} : memref<40x128xf32, #tpu.memory_space<vmem>>, vector<16xf32>,
        %get3A_185 = arith.index_cast %mul3A_139 : i32 to index
        %get3A_186 = arith.constant 48 : index
        %get3A_187 = tpu.vector_load %arg17[%get3A_185, %get3A_186] {strides = array<i32>} : memref<40x128xf32, #tpu.memory_space<vmem>>, vector<16xf32>,
        %add3A_188 = arith.addf %get3A_184, %get3A_187 : vector<16xf32>
        %gt3A_189 = arith.constant 0.000000e+00 : f32
        %gt3A_190 = vector.broadcast %gt3A_189 : f32 to vector<16xf32>
        %gt3A_191 = arith.cmpf ogt, %add3A_188, %gt3A_190 : vector<16xf32>
        %select_n3A_192 = arith.select %gt3A_191, %get3A_17, %mul3A_37 : vector<16xi1>, vector<16xf32>
        %mul3A_193 = arith.mulf %add3A_188, %select_n3A_192 : vector<16xf32>
        %add3A_194 = arith.addf %mul3A_181, %mul3A_193 : vector<16xf32>
        %reduce_sum3A_195 = arith.constant true
        %reduce_sum3A_196 = vector.broadcast %reduce_sum3A_195 : i1 to vector<16xi1>
        %reduce_sum3A_197 = tpu.scan <sum>, %add3A_194 masked %reduce_sum3A_196 : vector<16xf32>, vector<16xi1> -> vector<16xf32>
        %reduce_sum3A_198 = vector.extract %reduce_sum3A_197[15] : f32 from vector<16xf32>
        %broadcast_in_dim3A_199 = vector.broadcast %reduce_sum3A_198 : f32 to vector<16xf32>
        %select_n3A_200 = arith.select %eq3A_54, %broadcast_in_dim3A_199, %select_n3A_169 : vector<16xi1>, vector<16xf32>
        %get3A_201 = arith.index_cast %mul3A_139 : i32 to index
        %get3A_202 = arith.constant 64 : index
        %get3A_203 = tpu.vector_load %arg15[%get3A_201, %get3A_202] {strides = array<i32>} : memref<40x128xf32, #tpu.memory_space<vmem>>, vector<16xf32>,
        %get3A_204 = arith.index_cast %mul3A_139 : i32 to index
        %get3A_205 = arith.constant 64 : index
        %get3A_206 = tpu.vector_load %arg17[%get3A_204, %get3A_205] {strides = array<i32>} : memref<40x128xf32, #tpu.memory_space<vmem>>, vector<16xf32>,
        %add3A_207 = arith.addf %get3A_203, %get3A_206 : vector<16xf32>
        %gt3A_208 = arith.constant 0.000000e+00 : f32
        %gt3A_209 = vector.broadcast %gt3A_208 : f32 to vector<16xf32>
        %gt3A_210 = arith.cmpf ogt, %add3A_207, %gt3A_209 : vector<16xf32>
        %select_n3A_211 = arith.select %gt3A_210, %get3A_19, %mul3A_40 : vector<16xi1>, vector<16xf32>
        %mul3A_212 = arith.mulf %add3A_207, %select_n3A_211 : vector<16xf32>
        %get3A_213 = arith.index_cast %mul3A_139 : i32 to index
        %get3A_214 = arith.constant 80 : index
        %get3A_215 = tpu.vector_load %arg15[%get3A_213, %get3A_214] {strides = array<i32>} : memref<40x128xf32, #tpu.memory_space<vmem>>, vector<16xf32>,
        %get3A_216 = arith.index_cast %mul3A_139 : i32 to index
        %get3A_217 = arith.constant 80 : index
        %get3A_218 = tpu.vector_load %arg17[%get3A_216, %get3A_217] {strides = array<i32>} : memref<40x128xf32, #tpu.memory_space<vmem>>, vector<16xf32>,
        %add3A_219 = arith.addf %get3A_215, %get3A_218 : vector<16xf32>
        %gt3A_220 = arith.constant 0.000000e+00 : f32
        %gt3A_221 = vector.broadcast %gt3A_220 : f32 to vector<16xf32>
        %gt3A_222 = arith.cmpf ogt, %add3A_219, %gt3A_221 : vector<16xf32>
        %select_n3A_223 = arith.select %gt3A_222, %get3A_21, %mul3A_43 : vector<16xi1>, vector<16xf32>
        %mul3A_224 = arith.mulf %add3A_219, %select_n3A_223 : vector<16xf32>
        %add3A_225 = arith.addf %mul3A_212, %mul3A_224 : vector<16xf32>
        %reduce_sum3A_226 = arith.constant true
        %reduce_sum3A_227 = vector.broadcast %reduce_sum3A_226 : i1 to vector<16xi1>
        %reduce_sum3A_228 = tpu.scan <sum>, %add3A_225 masked %reduce_sum3A_227 : vector<16xf32>, vector<16xi1> -> vector<16xf32>
        %reduce_sum3A_229 = vector.extract %reduce_sum3A_228[15] : f32 from vector<16xf32>
        %broadcast_in_dim3A_230 = vector.broadcast %reduce_sum3A_229 : f32 to vector<16xf32>
        %select_n3A_231 = arith.select %eq3A_57, %broadcast_in_dim3A_230, %select_n3A_200 : vector<16xi1>, vector<16xf32>
        %get3A_232 = arith.index_cast %mul3A_139 : i32 to index
        %get3A_233 = arith.constant 96 : index
        %get3A_234 = tpu.vector_load %arg15[%get3A_232, %get3A_233] {strides = array<i32>} : memref<40x128xf32, #tpu.memory_space<vmem>>, vector<16xf32>,
        %get3A_235 = arith.index_cast %mul3A_139 : i32 to index
        %get3A_236 = arith.constant 96 : index
        %get3A_237 = tpu.vector_load %arg17[%get3A_235, %get3A_236] {strides = array<i32>} : memref<40x128xf32, #tpu.memory_space<vmem>>, vector<16xf32>,
        %add3A_238 = arith.addf %get3A_234, %get3A_237 : vector<16xf32>
        %gt3A_239 = arith.constant 0.000000e+00 : f32
        %gt3A_240 = vector.broadcast %gt3A_239 : f32 to vector<16xf32>
        %gt3A_241 = arith.cmpf ogt, %add3A_238, %gt3A_240 : vector<16xf32>
        %select_n3A_242 = arith.select %gt3A_241, %get3A_23, %mul3A_46 : vector<16xi1>, vector<16xf32>
        %mul3A_243 = arith.mulf %add3A_238, %select_n3A_242 : vector<16xf32>
        %get3A_244 = arith.index_cast %mul3A_139 : i32 to index
        %get3A_245 = arith.constant 112 : index
        %get3A_246 = tpu.vector_load %arg15[%get3A_244, %get3A_245] {strides = array<i32>} : memref<40x128xf32, #tpu.memory_space<vmem>>, vector<16xf32>,
        %get3A_247 = arith.index_cast %mul3A_139 : i32 to index
        %get3A_248 = arith.constant 112 : index
        %get3A_249 = tpu.vector_load %arg17[%get3A_247, %get3A_248] {strides = array<i32>} : memref<40x128xf32, #tpu.memory_space<vmem>>, vector<16xf32>,
        %add3A_250 = arith.addf %get3A_246, %get3A_249 : vector<16xf32>
        %gt3A_251 = arith.constant 0.000000e+00 : f32
        %gt3A_252 = vector.broadcast %gt3A_251 : f32 to vector<16xf32>
        %gt3A_253 = arith.cmpf ogt, %add3A_250, %gt3A_252 : vector<16xf32>
        %select_n3A_254 = arith.select %gt3A_253, %get3A_25, %mul3A_49 : vector<16xi1>, vector<16xf32>
        %mul3A_255 = arith.mulf %add3A_250, %select_n3A_254 : vector<16xf32>
        %add3A_256 = arith.addf %mul3A_243, %mul3A_255 : vector<16xf32>
        %reduce_sum3A_257 = arith.constant true
        %reduce_sum3A_258 = vector.broadcast %reduce_sum3A_257 : i1 to vector<16xi1>
        %reduce_sum3A_259 = tpu.scan <sum>, %add3A_256 masked %reduce_sum3A_258 : vector<16xf32>, vector<16xi1> -> vector<16xf32>
        %reduce_sum3A_260 = vector.extract %reduce_sum3A_259[15] : f32 from vector<16xf32>
        %broadcast_in_dim3A_261 = vector.broadcast %reduce_sum3A_260 : f32 to vector<16xf32>
        %select_n3A_262 = arith.select %eq3A_60, %broadcast_in_dim3A_261, %select_n3A_231 : vector<16xi1>, vector<16xf32>
        %exp3A = math.exp %select_n3A_262 : vector<16xf32>
        %swap3A = arith.index_cast %mul3A_139 : i32 to index
        %swap3A_263 = arith.constant 0 : index
        %swap3A_264 = tpu.vector_load %arg19[%swap3A, %swap3A_263] {strides = array<i32>} : memref<40x16xf32, #tpu.memory_space<vmem>>, vector<16xf32>,
        tpu.vector_store %arg19[%swap3A, %swap3A_263], %exp3A {strides = array<i32>} : memref<40x16xf32, #tpu.memory_space<vmem>>, vector<16xf32>,
        %jit3A = arith.constant 0.000000e+00 : f32
        %broadcast_in_dim3A_265 = vector.broadcast %jit3A : f32 to vector<16xf32>
        %select_n3A_266 = arith.select %lt3A_62, %exp3A, %broadcast_in_dim3A_265 : vector<16xi1>, vector<16xf32>
        %swap3A_267 = arith.index_cast %mul3A_139 : i32 to index
        %swap3A_268 = arith.constant 0 : index
        %swap3A_269 = tpu.vector_load %arg20[%swap3A_267, %swap3A_268] {strides = array<i32>} : memref<40x128xf32, #tpu.memory_space<vmem>>, vector<16xf32>,
        tpu.vector_store %arg20[%swap3A_267, %swap3A_268], %select_n3A_266 {strides = array<i32>} : memref<40x128xf32, #tpu.memory_space<vmem>>, vector<16xf32>,
        %mul3A_270 = arith.constant 2 : i32
        %mul3A_271 = arith.muli %mul3A_270, %scan3A_137 : i32
        %add3A_272 = arith.constant 1 : i32
        %add3A_273 = arith.addi %mul3A_271, %add3A_272 : i32
        %broadcast_in_dim3A_274 = arith.constant 0.000000e+00 : f32
        %broadcast_in_dim3A_275 = vector.broadcast %broadcast_in_dim3A_274 : f32 to vector<16xf32>
        %get3A_276 = arith.index_cast %add3A_273 : i32 to index
        %get3A_277 = arith.constant 0 : index
        %get3A_278 = tpu.vector_load %arg15[%get3A_276, %get3A_277] {strides = array<i32>} : memref<40x128xf32, #tpu.memory_space<vmem>>, vector<16xf32>,
        %get3A_279 = arith.index_cast %add3A_273 : i32 to index
        %get3A_280 = arith.constant 0 : index
        %get3A_281 = tpu.vector_load %arg17[%get3A_279, %get3A_280] {strides = array<i32>} : memref<40x128xf32, #tpu.memory_space<vmem>>, vector<16xf32>,
        %add3A_282 = arith.addf %get3A_278, %get3A_281 : vector<16xf32>
        %gt3A_283 = arith.constant 0.000000e+00 : f32
        %gt3A_284 = vector.broadcast %gt3A_283 : f32 to vector<16xf32>
        %gt3A_285 = arith.cmpf ogt, %add3A_282, %gt3A_284 : vector<16xf32>
        %select_n3A_286 = arith.select %gt3A_285, %get3A_11, %mul3A_28 : vector<16xi1>, vector<16xf32>
        %mul3A_287 = arith.mulf %add3A_282, %select_n3A_286 : vector<16xf32>
        %get3A_288 = arith.index_cast %add3A_273 : i32 to index
        %get3A_289 = arith.constant 16 : index
        %get3A_290 = tpu.vector_load %arg15[%get3A_288, %get3A_289] {strides = array<i32>} : memref<40x128xf32, #tpu.memory_space<vmem>>, vector<16xf32>,
        %get3A_291 = arith.index_cast %add3A_273 : i32 to index
        %get3A_292 = arith.constant 16 : index
        %get3A_293 = tpu.vector_load %arg17[%get3A_291, %get3A_292] {strides = array<i32>} : memref<40x128xf32, #tpu.memory_space<vmem>>, vector<16xf32>,
        %add3A_294 = arith.addf %get3A_290, %get3A_293 : vector<16xf32>
        %gt3A_295 = arith.constant 0.000000e+00 : f32
        %gt3A_296 = vector.broadcast %gt3A_295 : f32 to vector<16xf32>
        %gt3A_297 = arith.cmpf ogt, %add3A_294, %gt3A_296 : vector<16xf32>
        %select_n3A_298 = arith.select %gt3A_297, %get3A_13, %mul3A_31 : vector<16xi1>, vector<16xf32>
        %mul3A_299 = arith.mulf %add3A_294, %select_n3A_298 : vector<16xf32>
        %add3A_300 = arith.addf %mul3A_287, %mul3A_299 : vector<16xf32>
        %reduce_sum3A_301 = arith.constant true
        %reduce_sum3A_302 = vector.broadcast %reduce_sum3A_301 : i1 to vector<16xi1>
        %reduce_sum3A_303 = tpu.scan <sum>, %add3A_300 masked %reduce_sum3A_302 : vector<16xf32>, vector<16xi1> -> vector<16xf32>
        %reduce_sum3A_304 = vector.extract %reduce_sum3A_303[15] : f32 from vector<16xf32>
        %broadcast_in_dim3A_305 = vector.broadcast %reduce_sum3A_304 : f32 to vector<16xf32>
        %select_n3A_306 = arith.select %eq3A_51, %broadcast_in_dim3A_305, %broadcast_in_dim3A_275 : vector<16xi1>, vector<16xf32>
        %get3A_307 = arith.index_cast %add3A_273 : i32 to index
        %get3A_308 = arith.constant 32 : index
        %get3A_309 = tpu.vector_load %arg15[%get3A_307, %get3A_308] {strides = array<i32>} : memref<40x128xf32, #tpu.memory_space<vmem>>, vector<16xf32>,
        %get3A_310 = arith.index_cast %add3A_273 : i32 to index
        %get3A_311 = arith.constant 32 : index
        %get3A_312 = tpu.vector_load %arg17[%get3A_310, %get3A_311] {strides = array<i32>} : memref<40x128xf32, #tpu.memory_space<vmem>>, vector<16xf32>,
        %add3A_313 = arith.addf %get3A_309, %get3A_312 : vector<16xf32>
        %gt3A_314 = arith.constant 0.000000e+00 : f32
        %gt3A_315 = vector.broadcast %gt3A_314 : f32 to vector<16xf32>
        %gt3A_316 = arith.cmpf ogt, %add3A_313, %gt3A_315 : vector<16xf32>
        %select_n3A_317 = arith.select %gt3A_316, %get3A_15, %mul3A_34 : vector<16xi1>, vector<16xf32>
        %mul3A_318 = arith.mulf %add3A_313, %select_n3A_317 : vector<16xf32>
        %get3A_319 = arith.index_cast %add3A_273 : i32 to index
        %get3A_320 = arith.constant 48 : index
        %get3A_321 = tpu.vector_load %arg15[%get3A_319, %get3A_320] {strides = array<i32>} : memref<40x128xf32, #tpu.memory_space<vmem>>, vector<16xf32>,
        %get3A_322 = arith.index_cast %add3A_273 : i32 to index
        %get3A_323 = arith.constant 48 : index
        %get3A_324 = tpu.vector_load %arg17[%get3A_322, %get3A_323] {strides = array<i32>} : memref<40x128xf32, #tpu.memory_space<vmem>>, vector<16xf32>,
        %add3A_325 = arith.addf %get3A_321, %get3A_324 : vector<16xf32>
        %gt3A_326 = arith.constant 0.000000e+00 : f32
        %gt3A_327 = vector.broadcast %gt3A_326 : f32 to vector<16xf32>
        %gt3A_328 = arith.cmpf ogt, %add3A_325, %gt3A_327 : vector<16xf32>
        %select_n3A_329 = arith.select %gt3A_328, %get3A_17, %mul3A_37 : vector<16xi1>, vector<16xf32>
        %mul3A_330 = arith.mulf %add3A_325, %select_n3A_329 : vector<16xf32>
        %add3A_331 = arith.addf %mul3A_318, %mul3A_330 : vector<16xf32>
        %reduce_sum3A_332 = arith.constant true
        %reduce_sum3A_333 = vector.broadcast %reduce_sum3A_332 : i1 to vector<16xi1>
        %reduce_sum3A_334 = tpu.scan <sum>, %add3A_331 masked %reduce_sum3A_333 : vector<16xf32>, vector<16xi1> -> vector<16xf32>
        %reduce_sum3A_335 = vector.extract %reduce_sum3A_334[15] : f32 from vector<16xf32>
        %broadcast_in_dim3A_336 = vector.broadcast %reduce_sum3A_335 : f32 to vector<16xf32>
        %select_n3A_337 = arith.select %eq3A_54, %broadcast_in_dim3A_336, %select_n3A_306 : vector<16xi1>, vector<16xf32>
        %get3A_338 = arith.index_cast %add3A_273 : i32 to index
        %get3A_339 = arith.constant 64 : index
        %get3A_340 = tpu.vector_load %arg15[%get3A_338, %get3A_339] {strides = array<i32>} : memref<40x128xf32, #tpu.memory_space<vmem>>, vector<16xf32>,
        %get3A_341 = arith.index_cast %add3A_273 : i32 to index
        %get3A_342 = arith.constant 64 : index
        %get3A_343 = tpu.vector_load %arg17[%get3A_341, %get3A_342] {strides = array<i32>} : memref<40x128xf32, #tpu.memory_space<vmem>>, vector<16xf32>,
        %add3A_344 = arith.addf %get3A_340, %get3A_343 : vector<16xf32>
        %gt3A_345 = arith.constant 0.000000e+00 : f32
        %gt3A_346 = vector.broadcast %gt3A_345 : f32 to vector<16xf32>
        %gt3A_347 = arith.cmpf ogt, %add3A_344, %gt3A_346 : vector<16xf32>
        %select_n3A_348 = arith.select %gt3A_347, %get3A_19, %mul3A_40 : vector<16xi1>, vector<16xf32>
        %mul3A_349 = arith.mulf %add3A_344, %select_n3A_348 : vector<16xf32>
        %get3A_350 = arith.index_cast %add3A_273 : i32 to index
        %get3A_351 = arith.constant 80 : index
        %get3A_352 = tpu.vector_load %arg15[%get3A_350, %get3A_351] {strides = array<i32>} : memref<40x128xf32, #tpu.memory_space<vmem>>, vector<16xf32>,
        %get3A_353 = arith.index_cast %add3A_273 : i32 to index
        %get3A_354 = arith.constant 80 : index
        %get3A_355 = tpu.vector_load %arg17[%get3A_353, %get3A_354] {strides = array<i32>} : memref<40x128xf32, #tpu.memory_space<vmem>>, vector<16xf32>,
        %add3A_356 = arith.addf %get3A_352, %get3A_355 : vector<16xf32>
        %gt3A_357 = arith.constant 0.000000e+00 : f32
        %gt3A_358 = vector.broadcast %gt3A_357 : f32 to vector<16xf32>
        %gt3A_359 = arith.cmpf ogt, %add3A_356, %gt3A_358 : vector<16xf32>
        %select_n3A_360 = arith.select %gt3A_359, %get3A_21, %mul3A_43 : vector<16xi1>, vector<16xf32>
        %mul3A_361 = arith.mulf %add3A_356, %select_n3A_360 : vector<16xf32>
        %add3A_362 = arith.addf %mul3A_349, %mul3A_361 : vector<16xf32>
        %reduce_sum3A_363 = arith.constant true
        %reduce_sum3A_364 = vector.broadcast %reduce_sum3A_363 : i1 to vector<16xi1>
        %reduce_sum3A_365 = tpu.scan <sum>, %add3A_362 masked %reduce_sum3A_364 : vector<16xf32>, vector<16xi1> -> vector<16xf32>
        %reduce_sum3A_366 = vector.extract %reduce_sum3A_365[15] : f32 from vector<16xf32>
        %broadcast_in_dim3A_367 = vector.broadcast %reduce_sum3A_366 : f32 to vector<16xf32>
        %select_n3A_368 = arith.select %eq3A_57, %broadcast_in_dim3A_367, %select_n3A_337 : vector<16xi1>, vector<16xf32>
        %get3A_369 = arith.index_cast %add3A_273 : i32 to index
        %get3A_370 = arith.constant 96 : index
        %get3A_371 = tpu.vector_load %arg15[%get3A_369, %get3A_370] {strides = array<i32>} : memref<40x128xf32, #tpu.memory_space<vmem>>, vector<16xf32>,
        %get3A_372 = arith.index_cast %add3A_273 : i32 to index
        %get3A_373 = arith.constant 96 : index
        %get3A_374 = tpu.vector_load %arg17[%get3A_372, %get3A_373] {strides = array<i32>} : memref<40x128xf32, #tpu.memory_space<vmem>>, vector<16xf32>,
        %add3A_375 = arith.addf %get3A_371, %get3A_374 : vector<16xf32>
        %gt3A_376 = arith.constant 0.000000e+00 : f32
        %gt3A_377 = vector.broadcast %gt3A_376 : f32 to vector<16xf32>
        %gt3A_378 = arith.cmpf ogt, %add3A_375, %gt3A_377 : vector<16xf32>
        %select_n3A_379 = arith.select %gt3A_378, %get3A_23, %mul3A_46 : vector<16xi1>, vector<16xf32>
        %mul3A_380 = arith.mulf %add3A_375, %select_n3A_379 : vector<16xf32>
        %get3A_381 = arith.index_cast %add3A_273 : i32 to index
        %get3A_382 = arith.constant 112 : index
        %get3A_383 = tpu.vector_load %arg15[%get3A_381, %get3A_382] {strides = array<i32>} : memref<40x128xf32, #tpu.memory_space<vmem>>, vector<16xf32>,
        %get3A_384 = arith.index_cast %add3A_273 : i32 to index
        %get3A_385 = arith.constant 112 : index
        %get3A_386 = tpu.vector_load %arg17[%get3A_384, %get3A_385] {strides = array<i32>} : memref<40x128xf32, #tpu.memory_space<vmem>>, vector<16xf32>,
        %add3A_387 = arith.addf %get3A_383, %get3A_386 : vector<16xf32>
        %gt3A_388 = arith.constant 0.000000e+00 : f32
        %gt3A_389 = vector.broadcast %gt3A_388 : f32 to vector<16xf32>
        %gt3A_390 = arith.cmpf ogt, %add3A_387, %gt3A_389 : vector<16xf32>
        %select_n3A_391 = arith.select %gt3A_390, %get3A_25, %mul3A_49 : vector<16xi1>, vector<16xf32>
        %mul3A_392 = arith.mulf %add3A_387, %select_n3A_391 : vector<16xf32>
        %add3A_393 = arith.addf %mul3A_380, %mul3A_392 : vector<16xf32>
        %reduce_sum3A_394 = arith.constant true
        %reduce_sum3A_395 = vector.broadcast %reduce_sum3A_394 : i1 to vector<16xi1>
        %reduce_sum3A_396 = tpu.scan <sum>, %add3A_393 masked %reduce_sum3A_395 : vector<16xf32>, vector<16xi1> -> vector<16xf32>
        %reduce_sum3A_397 = vector.extract %reduce_sum3A_396[15] : f32 from vector<16xf32>
        %broadcast_in_dim3A_398 = vector.broadcast %reduce_sum3A_397 : f32 to vector<16xf32>
        %select_n3A_399 = arith.select %eq3A_60, %broadcast_in_dim3A_398, %select_n3A_368 : vector<16xi1>, vector<16xf32>
        %exp3A_400 = math.exp %select_n3A_399 : vector<16xf32>
        %swap3A_401 = arith.index_cast %add3A_273 : i32 to index
        %swap3A_402 = arith.constant 0 : index
        %swap3A_403 = tpu.vector_load %arg19[%swap3A_401, %swap3A_402] {strides = array<i32>} : memref<40x16xf32, #tpu.memory_space<vmem>>, vector<16xf32>,
        tpu.vector_store %arg19[%swap3A_401, %swap3A_402], %exp3A_400 {strides = array<i32>} : memref<40x16xf32, #tpu.memory_space<vmem>>, vector<16xf32>,
        %jit3A_404 = arith.constant 0.000000e+00 : f32
        %broadcast_in_dim3A_405 = vector.broadcast %jit3A_404 : f32 to vector<16xf32>
        %select_n3A_406 = arith.select %lt3A_62, %exp3A_400, %broadcast_in_dim3A_405 : vector<16xi1>, vector<16xf32>
        %swap3A_407 = arith.index_cast %add3A_273 : i32 to index
        %swap3A_408 = arith.constant 0 : index
        %swap3A_409 = tpu.vector_load %arg20[%swap3A_407, %swap3A_408] {strides = array<i32>} : memref<40x128xf32, #tpu.memory_space<vmem>>, vector<16xf32>,
        tpu.vector_store %arg20[%swap3A_407, %swap3A_408], %select_n3A_406 {strides = array<i32>} : memref<40x128xf32, #tpu.memory_space<vmem>>, vector<16xf32>,
      }
      %scan3A_114 = arith.constant 20 : i32
      "tpu.region"() ({
        %run_scoped3A = tpu.sem_alloc : memref<!tpu.dma_semaphore, #tpu.memory_space<semaphore_mem>>
        %dma_start3A_137 = arith.constant 0 : i32
        %dma_start3A_138 = tpu.memref_slice %arg8[%add3A_108, %dma_start3A_137] : memref<320000x16xf32, #tpu.memory_space<hbm>> -> memref<40x16xf32, #tpu.memory_space<hbm>>
        %dma_start3A_139 = arith.constant 0 : i32
        %dma_start3A_140 = tpu.memref_slice %arg8[%add3A_108, %dma_start3A_139] : memref<320000x16xf32, #tpu.memory_space<hbm>> -> memref<40x16xf32, #tpu.memory_space<hbm>>
        tpu.enqueue_dma source(%arg19 : memref<40x16xf32, #tpu.memory_space<vmem>>) target(%dma_start3A_140 : memref<40x16xf32, #tpu.memory_space<hbm>>) target_semaphore(%run_scoped3A : memref<!tpu.dma_semaphore, #tpu.memory_space<semaphore_mem>>)
        %dma_wait3A_141 = arith.constant 0 : i32
        %dma_wait3A_142 = tpu.memref_slice %arg8[%add3A_108, %dma_wait3A_141] : memref<320000x16xf32, #tpu.memory_space<hbm>> -> memref<40x16xf32, #tpu.memory_space<hbm>>
        %dma_wait3A_143 = arith.constant 0 : i32
        %dma_wait3A_144 = tpu.memref_slice %arg8[%add3A_108, %dma_wait3A_143] : memref<320000x16xf32, #tpu.memory_space<hbm>> -> memref<40x16xf32, #tpu.memory_space<hbm>>
        tpu.wait_dma2 semaphore(%run_scoped3A : memref<!tpu.dma_semaphore, #tpu.memory_space<semaphore_mem>>) src(%arg19 : memref<40x16xf32, #tpu.memory_space<vmem>>) dst(%dma_wait3A_144 : memref<40x16xf32, #tpu.memory_space<hbm>>)
        tpu.yield
      }) : () -> ()
      "tpu.region"() ({
        %run_scoped3A = tpu.sem_alloc : memref<!tpu.dma_semaphore, #tpu.memory_space<semaphore_mem>>
        %dma_start3A_137 = arith.constant 0 : i32
        %dma_start3A_138 = arith.constant 0 : i32
        %dma_start3A_139 = tpu.memref_slice %arg24[%dma_start3A_137, %dma_start3A_138] : memref<10240x128xf32, #tpu.memory_space<vmem_shared>> -> memref<10240x128xf32, #tpu.memory_space<vmem_shared>>
        tpu.enqueue_indirect_dma source(%arg20 : memref<40x128xf32, #tpu.memory_space<vmem>>) target(%dma_start3A_139 : memref<10240x128xf32, #tpu.memory_space<vmem_shared>>) offsets(%arg13 : memref<40xi32, #tpu.memory_space<vmem>>) semaphore(%run_scoped3A : memref<!tpu.dma_semaphore, #tpu.memory_space<semaphore_mem>>) {add = true}
        %dma_wait3A_140 = arith.constant 0 : i32
        %dma_wait3A_141 = arith.constant 0 : i32
        %dma_wait3A_142 = tpu.memref_slice %arg24[%dma_wait3A_140, %dma_wait3A_141] : memref<10240x128xf32, #tpu.memory_space<vmem_shared>> -> memref<10240x128xf32, #tpu.memory_space<vmem_shared>>
        tpu.wait_indirect_dma semaphore(%run_scoped3A : memref<!tpu.dma_semaphore, #tpu.memory_space<semaphore_mem>>) src(%arg20 : memref<40x128xf32, #tpu.memory_space<vmem>>) dst(%dma_wait3A_142 : memref<10240x128xf32, #tpu.memory_space<vmem_shared>>)
        tpu.yield
      }) : () -> ()
      %lt3A_115 = arith.constant 124 : i32
      %lt3A_116 = arith.cmpi slt, %scan3A_87, %lt3A_115 : i32
      %convert_element_type3A_117 = arith.extui %lt3A_116 : i1 to i32
      %cond3A_118 = arith.constant 0 : i32
      %cond3A_119 = arith.cmpi ne, %convert_element_type3A_117, %cond3A_118 : i32
      scf.if %cond3A_119 {
        %add3A_137 = arith.constant 2 : i32
        %add3A_138 = arith.addi %mul3A_89, %add3A_137 : i32
        %mul3A_139 = arith.constant 40 : i32
        %mul3A_140 = arith.muli %add3A_138, %mul3A_139 : i32
        %add3A_141 = arith.addi %mul3A_64, %mul3A_140 : i32
        "tpu.region"() ({
          %run_scoped3A = tpu.sem_alloc : memref<!tpu.dma_semaphore, #tpu.memory_space<semaphore_mem>>
          %dma_start3A_148 = tpu.memref_slice %arg4[%add3A_141] : memref<320000xi32, #tpu.memory_space<hbm>> -> memref<40xi32, #tpu.memory_space<hbm>>
          %dma_start3A_149 = tpu.memref_slice %arg4[%add3A_141] : memref<320000xi32, #tpu.memory_space<hbm>> -> memref<40xi32, #tpu.memory_space<hbm>>
          tpu.enqueue_dma source(%dma_start3A_149 : memref<40xi32, #tpu.memory_space<hbm>>) target(%arg11 : memref<40xi32, #tpu.memory_space<vmem>>) target_semaphore(%run_scoped3A : memref<!tpu.dma_semaphore, #tpu.memory_space<semaphore_mem>>)
          %dma_wait3A_150 = tpu.memref_slice %arg4[%add3A_141] : memref<320000xi32, #tpu.memory_space<hbm>> -> memref<40xi32, #tpu.memory_space<hbm>>
          %dma_wait3A_151 = tpu.memref_slice %arg4[%add3A_141] : memref<320000xi32, #tpu.memory_space<hbm>> -> memref<40xi32, #tpu.memory_space<hbm>>
          tpu.wait_dma2 semaphore(%run_scoped3A : memref<!tpu.dma_semaphore, #tpu.memory_space<semaphore_mem>>) src(%dma_wait3A_151 : memref<40xi32, #tpu.memory_space<hbm>>) dst(%arg11 : memref<40xi32, #tpu.memory_space<vmem>>)
          tpu.yield
        }) : () -> ()
        "tpu.region"() ({
          %run_scoped3A = tpu.sem_alloc : memref<!tpu.dma_semaphore, #tpu.memory_space<semaphore_mem>>
          %dma_start3A_148 = tpu.memref_slice %arg5[%add3A_141] : memref<320000xi32, #tpu.memory_space<hbm>> -> memref<40xi32, #tpu.memory_space<hbm>>
          %dma_start3A_149 = tpu.memref_slice %arg5[%add3A_141] : memref<320000xi32, #tpu.memory_space<hbm>> -> memref<40xi32, #tpu.memory_space<hbm>>
          tpu.enqueue_dma source(%dma_start3A_149 : memref<40xi32, #tpu.memory_space<hbm>>) target(%arg13 : memref<40xi32, #tpu.memory_space<vmem>>) target_semaphore(%run_scoped3A : memref<!tpu.dma_semaphore, #tpu.memory_space<semaphore_mem>>)
          %dma_wait3A_150 = tpu.memref_slice %arg5[%add3A_141] : memref<320000xi32, #tpu.memory_space<hbm>> -> memref<40xi32, #tpu.memory_space<hbm>>
          %dma_wait3A_151 = tpu.memref_slice %arg5[%add3A_141] : memref<320000xi32, #tpu.memory_space<hbm>> -> memref<40xi32, #tpu.memory_space<hbm>>
          tpu.wait_dma2 semaphore(%run_scoped3A : memref<!tpu.dma_semaphore, #tpu.memory_space<semaphore_mem>>) src(%dma_wait3A_151 : memref<40xi32, #tpu.memory_space<hbm>>) dst(%arg13 : memref<40xi32, #tpu.memory_space<vmem>>)
          tpu.yield
        }) : () -> ()
        %dma_start3A_142 = arith.constant 0 : i32
        %dma_start3A_143 = arith.constant 0 : i32
        %dma_start3A_144 = tpu.memref_slice %arg2[%dma_start3A_142, %dma_start3A_143] : memref<10000x128xf32, #tpu.memory_space<hbm>> -> memref<10000x128xf32, #tpu.memory_space<hbm>>
        tpu.enqueue_indirect_dma source(%dma_start3A_144 : memref<10000x128xf32, #tpu.memory_space<hbm>>) target(%arg15 : memref<40x128xf32, #tpu.memory_space<vmem>>) offsets(%arg11 : memref<40xi32, #tpu.memory_space<vmem>>) semaphore(%arg22 : memref<!tpu.dma_semaphore, #tpu.memory_space<semaphore_mem>>)
        %dma_start3A_145 = arith.constant 0 : i32
        %dma_start3A_146 = arith.constant 0 : i32
        %dma_start3A_147 = tpu.memref_slice %arg3[%dma_start3A_145, %dma_start3A_146] : memref<10000x128xf32, #tpu.memory_space<hbm>> -> memref<10000x128xf32, #tpu.memory_space<hbm>>
        tpu.enqueue_indirect_dma source(%dma_start3A_147 : memref<10000x128xf32, #tpu.memory_space<hbm>>) target(%arg17 : memref<40x128xf32, #tpu.memory_space<vmem>>) offsets(%arg13 : memref<40xi32, #tpu.memory_space<vmem>>) semaphore(%arg22 : memref<!tpu.dma_semaphore, #tpu.memory_space<semaphore_mem>>)
      } else {
      }
      %add3A_120 = arith.constant 1 : i32
      %add3A_121 = arith.addi %mul3A_89, %add3A_120 : i32
      %dma_wait3A_122 = arith.constant 0 : i32
      %dma_wait3A_123 = arith.constant 0 : i32
      %dma_wait3A_124 = tpu.memref_slice %arg2[%dma_wait3A_122, %dma_wait3A_123] : memref<10000x128xf32, #tpu.memory_space<hbm>> -> memref<10000x128xf32, #tpu.memory_space<hbm>>
      tpu.wait_indirect_dma semaphore(%arg23 : memref<!tpu.dma_semaphore, #tpu.memory_space<semaphore_mem>>) src(%dma_wait3A_124 : memref<10000x128xf32, #tpu.memory_space<hbm>>) dst(%arg16 : memref<40x128xf32, #tpu.memory_space<vmem>>)
      %dma_wait3A_125 = arith.constant 0 : i32
      %dma_wait3A_126 = arith.constant 0 : i32
      %dma_wait3A_127 = tpu.memref_slice %arg3[%dma_wait3A_125, %dma_wait3A_126] : memref<10000x128xf32, #tpu.memory_space<hbm>> -> memref<10000x128xf32, #tpu.memory_space<hbm>>
      tpu.wait_indirect_dma semaphore(%arg23 : memref<!tpu.dma_semaphore, #tpu.memory_space<semaphore_mem>>) src(%dma_wait3A_127 : memref<10000x128xf32, #tpu.memory_space<hbm>>) dst(%arg18 : memref<40x128xf32, #tpu.memory_space<vmem>>)
      %mul3A_128 = arith.constant 40 : i32
      %mul3A_129 = arith.muli %add3A_121, %mul3A_128 : i32
      %add3A_130 = arith.addi %mul3A_64, %mul3A_129 : i32
      %scan3A_131 = arith.constant 0 : i32
      %scan3A_132 = arith.constant 0 : i32
      %scan3A_133 = arith.constant 20 : i32
      %scan3A_134 = arith.addi %scan3A_132, %scan3A_133 : i32
      %scan3A_135 = arith.constant 1 : i32
      scf.for %scan3A_137 = %scan3A_132 to %scan3A_134 step %scan3A_135  : i32 {
        %mul3A_138 = arith.constant 2 : i32
        %mul3A_139 = arith.muli %mul3A_138, %scan3A_137 : i32
        %broadcast_in_dim3A_140 = arith.constant 0.000000e+00 : f32
        %broadcast_in_dim3A_141 = vector.broadcast %broadcast_in_dim3A_140 : f32 to vector<16xf32>
        %get3A_142 = arith.index_cast %mul3A_139 : i32 to index
        %get3A_143 = arith.constant 0 : index
        %get3A_144 = tpu.vector_load %arg16[%get3A_142, %get3A_143] {strides = array<i32>} : memref<40x128xf32, #tpu.memory_space<vmem>>, vector<16xf32>,
        %get3A_145 = arith.index_cast %mul3A_139 : i32 to index
        %get3A_146 = arith.constant 0 : index
        %get3A_147 = tpu.vector_load %arg18[%get3A_145, %get3A_146] {strides = array<i32>} : memref<40x128xf32, #tpu.memory_space<vmem>>, vector<16xf32>,
        %add3A_148 = arith.addf %get3A_144, %get3A_147 : vector<16xf32>
        %gt3A = arith.constant 0.000000e+00 : f32
        %gt3A_149 = vector.broadcast %gt3A : f32 to vector<16xf32>
        %gt3A_150 = arith.cmpf ogt, %add3A_148, %gt3A_149 : vector<16xf32>
        %select_n3A = arith.select %gt3A_150, %get3A_11, %mul3A_28 : vector<16xi1>, vector<16xf32>
        %mul3A_151 = arith.mulf %add3A_148, %select_n3A : vector<16xf32>
        %get3A_152 = arith.index_cast %mul3A_139 : i32 to index
        %get3A_153 = arith.constant 16 : index
        %get3A_154 = tpu.vector_load %arg16[%get3A_152, %get3A_153] {strides = array<i32>} : memref<40x128xf32, #tpu.memory_space<vmem>>, vector<16xf32>,
        %get3A_155 = arith.index_cast %mul3A_139 : i32 to index
        %get3A_156 = arith.constant 16 : index
        %get3A_157 = tpu.vector_load %arg18[%get3A_155, %get3A_156] {strides = array<i32>} : memref<40x128xf32, #tpu.memory_space<vmem>>, vector<16xf32>,
        %add3A_158 = arith.addf %get3A_154, %get3A_157 : vector<16xf32>
        %gt3A_159 = arith.constant 0.000000e+00 : f32
        %gt3A_160 = vector.broadcast %gt3A_159 : f32 to vector<16xf32>
        %gt3A_161 = arith.cmpf ogt, %add3A_158, %gt3A_160 : vector<16xf32>
        %select_n3A_162 = arith.select %gt3A_161, %get3A_13, %mul3A_31 : vector<16xi1>, vector<16xf32>
        %mul3A_163 = arith.mulf %add3A_158, %select_n3A_162 : vector<16xf32>
        %add3A_164 = arith.addf %mul3A_151, %mul3A_163 : vector<16xf32>
        %reduce_sum3A = arith.constant true
        %reduce_sum3A_165 = vector.broadcast %reduce_sum3A : i1 to vector<16xi1>
        %reduce_sum3A_166 = tpu.scan <sum>, %add3A_164 masked %reduce_sum3A_165 : vector<16xf32>, vector<16xi1> -> vector<16xf32>
        %reduce_sum3A_167 = vector.extract %reduce_sum3A_166[15] : f32 from vector<16xf32>
        %broadcast_in_dim3A_168 = vector.broadcast %reduce_sum3A_167 : f32 to vector<16xf32>
        %select_n3A_169 = arith.select %eq3A_51, %broadcast_in_dim3A_168, %broadcast_in_dim3A_141 : vector<16xi1>, vector<16xf32>
        %get3A_170 = arith.index_cast %mul3A_139 : i32 to index
        %get3A_171 = arith.constant 32 : index
        %get3A_172 = tpu.vector_load %arg16[%get3A_170, %get3A_171] {strides = array<i32>} : memref<40x128xf32, #tpu.memory_space<vmem>>, vector<16xf32>,
        %get3A_173 = arith.index_cast %mul3A_139 : i32 to index
        %get3A_174 = arith.constant 32 : index
        %get3A_175 = tpu.vector_load %arg18[%get3A_173, %get3A_174] {strides = array<i32>} : memref<40x128xf32, #tpu.memory_space<vmem>>, vector<16xf32>,
        %add3A_176 = arith.addf %get3A_172, %get3A_175 : vector<16xf32>
        %gt3A_177 = arith.constant 0.000000e+00 : f32
        %gt3A_178 = vector.broadcast %gt3A_177 : f32 to vector<16xf32>
        %gt3A_179 = arith.cmpf ogt, %add3A_176, %gt3A_178 : vector<16xf32>
        %select_n3A_180 = arith.select %gt3A_179, %get3A_15, %mul3A_34 : vector<16xi1>, vector<16xf32>
        %mul3A_181 = arith.mulf %add3A_176, %select_n3A_180 : vector<16xf32>
        %get3A_182 = arith.index_cast %mul3A_139 : i32 to index
        %get3A_183 = arith.constant 48 : index
        %get3A_184 = tpu.vector_load %arg16[%get3A_182, %get3A_183] {strides = array<i32>} : memref<40x128xf32, #tpu.memory_space<vmem>>, vector<16xf32>,
        %get3A_185 = arith.index_cast %mul3A_139 : i32 to index
        %get3A_186 = arith.constant 48 : index
        %get3A_187 = tpu.vector_load %arg18[%get3A_185, %get3A_186] {strides = array<i32>} : memref<40x128xf32, #tpu.memory_space<vmem>>, vector<16xf32>,
        %add3A_188 = arith.addf %get3A_184, %get3A_187 : vector<16xf32>
        %gt3A_189 = arith.constant 0.000000e+00 : f32
        %gt3A_190 = vector.broadcast %gt3A_189 : f32 to vector<16xf32>
        %gt3A_191 = arith.cmpf ogt, %add3A_188, %gt3A_190 : vector<16xf32>
        %select_n3A_192 = arith.select %gt3A_191, %get3A_17, %mul3A_37 : vector<16xi1>, vector<16xf32>
        %mul3A_193 = arith.mulf %add3A_188, %select_n3A_192 : vector<16xf32>
        %add3A_194 = arith.addf %mul3A_181, %mul3A_193 : vector<16xf32>
        %reduce_sum3A_195 = arith.constant true
        %reduce_sum3A_196 = vector.broadcast %reduce_sum3A_195 : i1 to vector<16xi1>
        %reduce_sum3A_197 = tpu.scan <sum>, %add3A_194 masked %reduce_sum3A_196 : vector<16xf32>, vector<16xi1> -> vector<16xf32>
        %reduce_sum3A_198 = vector.extract %reduce_sum3A_197[15] : f32 from vector<16xf32>
        %broadcast_in_dim3A_199 = vector.broadcast %reduce_sum3A_198 : f32 to vector<16xf32>
        %select_n3A_200 = arith.select %eq3A_54, %broadcast_in_dim3A_199, %select_n3A_169 : vector<16xi1>, vector<16xf32>
        %get3A_201 = arith.index_cast %mul3A_139 : i32 to index
        %get3A_202 = arith.constant 64 : index
        %get3A_203 = tpu.vector_load %arg16[%get3A_201, %get3A_202] {strides = array<i32>} : memref<40x128xf32, #tpu.memory_space<vmem>>, vector<16xf32>,
        %get3A_204 = arith.index_cast %mul3A_139 : i32 to index
        %get3A_205 = arith.constant 64 : index
        %get3A_206 = tpu.vector_load %arg18[%get3A_204, %get3A_205] {strides = array<i32>} : memref<40x128xf32, #tpu.memory_space<vmem>>, vector<16xf32>,
        %add3A_207 = arith.addf %get3A_203, %get3A_206 : vector<16xf32>
        %gt3A_208 = arith.constant 0.000000e+00 : f32
        %gt3A_209 = vector.broadcast %gt3A_208 : f32 to vector<16xf32>
        %gt3A_210 = arith.cmpf ogt, %add3A_207, %gt3A_209 : vector<16xf32>
        %select_n3A_211 = arith.select %gt3A_210, %get3A_19, %mul3A_40 : vector<16xi1>, vector<16xf32>
        %mul3A_212 = arith.mulf %add3A_207, %select_n3A_211 : vector<16xf32>
        %get3A_213 = arith.index_cast %mul3A_139 : i32 to index
        %get3A_214 = arith.constant 80 : index
        %get3A_215 = tpu.vector_load %arg16[%get3A_213, %get3A_214] {strides = array<i32>} : memref<40x128xf32, #tpu.memory_space<vmem>>, vector<16xf32>,
        %get3A_216 = arith.index_cast %mul3A_139 : i32 to index
        %get3A_217 = arith.constant 80 : index
        %get3A_218 = tpu.vector_load %arg18[%get3A_216, %get3A_217] {strides = array<i32>} : memref<40x128xf32, #tpu.memory_space<vmem>>, vector<16xf32>,
        %add3A_219 = arith.addf %get3A_215, %get3A_218 : vector<16xf32>
        %gt3A_220 = arith.constant 0.000000e+00 : f32
        %gt3A_221 = vector.broadcast %gt3A_220 : f32 to vector<16xf32>
        %gt3A_222 = arith.cmpf ogt, %add3A_219, %gt3A_221 : vector<16xf32>
        %select_n3A_223 = arith.select %gt3A_222, %get3A_21, %mul3A_43 : vector<16xi1>, vector<16xf32>
        %mul3A_224 = arith.mulf %add3A_219, %select_n3A_223 : vector<16xf32>
        %add3A_225 = arith.addf %mul3A_212, %mul3A_224 : vector<16xf32>
        %reduce_sum3A_226 = arith.constant true
        %reduce_sum3A_227 = vector.broadcast %reduce_sum3A_226 : i1 to vector<16xi1>
        %reduce_sum3A_228 = tpu.scan <sum>, %add3A_225 masked %reduce_sum3A_227 : vector<16xf32>, vector<16xi1> -> vector<16xf32>
        %reduce_sum3A_229 = vector.extract %reduce_sum3A_228[15] : f32 from vector<16xf32>
        %broadcast_in_dim3A_230 = vector.broadcast %reduce_sum3A_229 : f32 to vector<16xf32>
        %select_n3A_231 = arith.select %eq3A_57, %broadcast_in_dim3A_230, %select_n3A_200 : vector<16xi1>, vector<16xf32>
        %get3A_232 = arith.index_cast %mul3A_139 : i32 to index
        %get3A_233 = arith.constant 96 : index
        %get3A_234 = tpu.vector_load %arg16[%get3A_232, %get3A_233] {strides = array<i32>} : memref<40x128xf32, #tpu.memory_space<vmem>>, vector<16xf32>,
        %get3A_235 = arith.index_cast %mul3A_139 : i32 to index
        %get3A_236 = arith.constant 96 : index
        %get3A_237 = tpu.vector_load %arg18[%get3A_235, %get3A_236] {strides = array<i32>} : memref<40x128xf32, #tpu.memory_space<vmem>>, vector<16xf32>,
        %add3A_238 = arith.addf %get3A_234, %get3A_237 : vector<16xf32>
        %gt3A_239 = arith.constant 0.000000e+00 : f32
        %gt3A_240 = vector.broadcast %gt3A_239 : f32 to vector<16xf32>
        %gt3A_241 = arith.cmpf ogt, %add3A_238, %gt3A_240 : vector<16xf32>
        %select_n3A_242 = arith.select %gt3A_241, %get3A_23, %mul3A_46 : vector<16xi1>, vector<16xf32>
        %mul3A_243 = arith.mulf %add3A_238, %select_n3A_242 : vector<16xf32>
        %get3A_244 = arith.index_cast %mul3A_139 : i32 to index
        %get3A_245 = arith.constant 112 : index
        %get3A_246 = tpu.vector_load %arg16[%get3A_244, %get3A_245] {strides = array<i32>} : memref<40x128xf32, #tpu.memory_space<vmem>>, vector<16xf32>,
        %get3A_247 = arith.index_cast %mul3A_139 : i32 to index
        %get3A_248 = arith.constant 112 : index
        %get3A_249 = tpu.vector_load %arg18[%get3A_247, %get3A_248] {strides = array<i32>} : memref<40x128xf32, #tpu.memory_space<vmem>>, vector<16xf32>,
        %add3A_250 = arith.addf %get3A_246, %get3A_249 : vector<16xf32>
        %gt3A_251 = arith.constant 0.000000e+00 : f32
        %gt3A_252 = vector.broadcast %gt3A_251 : f32 to vector<16xf32>
        %gt3A_253 = arith.cmpf ogt, %add3A_250, %gt3A_252 : vector<16xf32>
        %select_n3A_254 = arith.select %gt3A_253, %get3A_25, %mul3A_49 : vector<16xi1>, vector<16xf32>
        %mul3A_255 = arith.mulf %add3A_250, %select_n3A_254 : vector<16xf32>
        %add3A_256 = arith.addf %mul3A_243, %mul3A_255 : vector<16xf32>
        %reduce_sum3A_257 = arith.constant true
        %reduce_sum3A_258 = vector.broadcast %reduce_sum3A_257 : i1 to vector<16xi1>
        %reduce_sum3A_259 = tpu.scan <sum>, %add3A_256 masked %reduce_sum3A_258 : vector<16xf32>, vector<16xi1> -> vector<16xf32>
        %reduce_sum3A_260 = vector.extract %reduce_sum3A_259[15] : f32 from vector<16xf32>
        %broadcast_in_dim3A_261 = vector.broadcast %reduce_sum3A_260 : f32 to vector<16xf32>
        %select_n3A_262 = arith.select %eq3A_60, %broadcast_in_dim3A_261, %select_n3A_231 : vector<16xi1>, vector<16xf32>
        %exp3A = math.exp %select_n3A_262 : vector<16xf32>
        %swap3A = arith.index_cast %mul3A_139 : i32 to index
        %swap3A_263 = arith.constant 0 : index
        %swap3A_264 = tpu.vector_load %arg19[%swap3A, %swap3A_263] {strides = array<i32>} : memref<40x16xf32, #tpu.memory_space<vmem>>, vector<16xf32>,
        tpu.vector_store %arg19[%swap3A, %swap3A_263], %exp3A {strides = array<i32>} : memref<40x16xf32, #tpu.memory_space<vmem>>, vector<16xf32>,
        %jit3A = arith.constant 0.000000e+00 : f32
        %broadcast_in_dim3A_265 = vector.broadcast %jit3A : f32 to vector<16xf32>
        %select_n3A_266 = arith.select %lt3A_62, %exp3A, %broadcast_in_dim3A_265 : vector<16xi1>, vector<16xf32>
        %swap3A_267 = arith.index_cast %mul3A_139 : i32 to index
        %swap3A_268 = arith.constant 0 : index
        %swap3A_269 = tpu.vector_load %arg20[%swap3A_267, %swap3A_268] {strides = array<i32>} : memref<40x128xf32, #tpu.memory_space<vmem>>, vector<16xf32>,
        tpu.vector_store %arg20[%swap3A_267, %swap3A_268], %select_n3A_266 {strides = array<i32>} : memref<40x128xf32, #tpu.memory_space<vmem>>, vector<16xf32>,
        %mul3A_270 = arith.constant 2 : i32
        %mul3A_271 = arith.muli %mul3A_270, %scan3A_137 : i32
        %add3A_272 = arith.constant 1 : i32
        %add3A_273 = arith.addi %mul3A_271, %add3A_272 : i32
        %broadcast_in_dim3A_274 = arith.constant 0.000000e+00 : f32
        %broadcast_in_dim3A_275 = vector.broadcast %broadcast_in_dim3A_274 : f32 to vector<16xf32>
        %get3A_276 = arith.index_cast %add3A_273 : i32 to index
        %get3A_277 = arith.constant 0 : index
        %get3A_278 = tpu.vector_load %arg16[%get3A_276, %get3A_277] {strides = array<i32>} : memref<40x128xf32, #tpu.memory_space<vmem>>, vector<16xf32>,
        %get3A_279 = arith.index_cast %add3A_273 : i32 to index
        %get3A_280 = arith.constant 0 : index
        %get3A_281 = tpu.vector_load %arg18[%get3A_279, %get3A_280] {strides = array<i32>} : memref<40x128xf32, #tpu.memory_space<vmem>>, vector<16xf32>,
        %add3A_282 = arith.addf %get3A_278, %get3A_281 : vector<16xf32>
        %gt3A_283 = arith.constant 0.000000e+00 : f32
        %gt3A_284 = vector.broadcast %gt3A_283 : f32 to vector<16xf32>
        %gt3A_285 = arith.cmpf ogt, %add3A_282, %gt3A_284 : vector<16xf32>
        %select_n3A_286 = arith.select %gt3A_285, %get3A_11, %mul3A_28 : vector<16xi1>, vector<16xf32>
        %mul3A_287 = arith.mulf %add3A_282, %select_n3A_286 : vector<16xf32>
        %get3A_288 = arith.index_cast %add3A_273 : i32 to index
        %get3A_289 = arith.constant 16 : index
        %get3A_290 = tpu.vector_load %arg16[%get3A_288, %get3A_289] {strides = array<i32>} : memref<40x128xf32, #tpu.memory_space<vmem>>, vector<16xf32>,
        %get3A_291 = arith.index_cast %add3A_273 : i32 to index
        %get3A_292 = arith.constant 16 : index
        %get3A_293 = tpu.vector_load %arg18[%get3A_291, %get3A_292] {strides = array<i32>} : memref<40x128xf32, #tpu.memory_space<vmem>>, vector<16xf32>,
        %add3A_294 = arith.addf %get3A_290, %get3A_293 : vector<16xf32>
        %gt3A_295 = arith.constant 0.000000e+00 : f32
        %gt3A_296 = vector.broadcast %gt3A_295 : f32 to vector<16xf32>
        %gt3A_297 = arith.cmpf ogt, %add3A_294, %gt3A_296 : vector<16xf32>
        %select_n3A_298 = arith.select %gt3A_297, %get3A_13, %mul3A_31 : vector<16xi1>, vector<16xf32>
        %mul3A_299 = arith.mulf %add3A_294, %select_n3A_298 : vector<16xf32>
        %add3A_300 = arith.addf %mul3A_287, %mul3A_299 : vector<16xf32>
        %reduce_sum3A_301 = arith.constant true
        %reduce_sum3A_302 = vector.broadcast %reduce_sum3A_301 : i1 to vector<16xi1>
        %reduce_sum3A_303 = tpu.scan <sum>, %add3A_300 masked %reduce_sum3A_302 : vector<16xf32>, vector<16xi1> -> vector<16xf32>
        %reduce_sum3A_304 = vector.extract %reduce_sum3A_303[15] : f32 from vector<16xf32>
        %broadcast_in_dim3A_305 = vector.broadcast %reduce_sum3A_304 : f32 to vector<16xf32>
        %select_n3A_306 = arith.select %eq3A_51, %broadcast_in_dim3A_305, %broadcast_in_dim3A_275 : vector<16xi1>, vector<16xf32>
        %get3A_307 = arith.index_cast %add3A_273 : i32 to index
        %get3A_308 = arith.constant 32 : index
        %get3A_309 = tpu.vector_load %arg16[%get3A_307, %get3A_308] {strides = array<i32>} : memref<40x128xf32, #tpu.memory_space<vmem>>, vector<16xf32>,
        %get3A_310 = arith.index_cast %add3A_273 : i32 to index
        %get3A_311 = arith.constant 32 : index
        %get3A_312 = tpu.vector_load %arg18[%get3A_310, %get3A_311] {strides = array<i32>} : memref<40x128xf32, #tpu.memory_space<vmem>>, vector<16xf32>,
        %add3A_313 = arith.addf %get3A_309, %get3A_312 : vector<16xf32>
        %gt3A_314 = arith.constant 0.000000e+00 : f32
        %gt3A_315 = vector.broadcast %gt3A_314 : f32 to vector<16xf32>
        %gt3A_316 = arith.cmpf ogt, %add3A_313, %gt3A_315 : vector<16xf32>
        %select_n3A_317 = arith.select %gt3A_316, %get3A_15, %mul3A_34 : vector<16xi1>, vector<16xf32>
        %mul3A_318 = arith.mulf %add3A_313, %select_n3A_317 : vector<16xf32>
        %get3A_319 = arith.index_cast %add3A_273 : i32 to index
        %get3A_320 = arith.constant 48 : index
        %get3A_321 = tpu.vector_load %arg16[%get3A_319, %get3A_320] {strides = array<i32>} : memref<40x128xf32, #tpu.memory_space<vmem>>, vector<16xf32>,
        %get3A_322 = arith.index_cast %add3A_273 : i32 to index
        %get3A_323 = arith.constant 48 : index
        %get3A_324 = tpu.vector_load %arg18[%get3A_322, %get3A_323] {strides = array<i32>} : memref<40x128xf32, #tpu.memory_space<vmem>>, vector<16xf32>,
        %add3A_325 = arith.addf %get3A_321, %get3A_324 : vector<16xf32>
        %gt3A_326 = arith.constant 0.000000e+00 : f32
        %gt3A_327 = vector.broadcast %gt3A_326 : f32 to vector<16xf32>
        %gt3A_328 = arith.cmpf ogt, %add3A_325, %gt3A_327 : vector<16xf32>
        %select_n3A_329 = arith.select %gt3A_328, %get3A_17, %mul3A_37 : vector<16xi1>, vector<16xf32>
        %mul3A_330 = arith.mulf %add3A_325, %select_n3A_329 : vector<16xf32>
        %add3A_331 = arith.addf %mul3A_318, %mul3A_330 : vector<16xf32>
        %reduce_sum3A_332 = arith.constant true
        %reduce_sum3A_333 = vector.broadcast %reduce_sum3A_332 : i1 to vector<16xi1>
        %reduce_sum3A_334 = tpu.scan <sum>, %add3A_331 masked %reduce_sum3A_333 : vector<16xf32>, vector<16xi1> -> vector<16xf32>
        %reduce_sum3A_335 = vector.extract %reduce_sum3A_334[15] : f32 from vector<16xf32>
        %broadcast_in_dim3A_336 = vector.broadcast %reduce_sum3A_335 : f32 to vector<16xf32>
        %select_n3A_337 = arith.select %eq3A_54, %broadcast_in_dim3A_336, %select_n3A_306 : vector<16xi1>, vector<16xf32>
        %get3A_338 = arith.index_cast %add3A_273 : i32 to index
        %get3A_339 = arith.constant 64 : index
        %get3A_340 = tpu.vector_load %arg16[%get3A_338, %get3A_339] {strides = array<i32>} : memref<40x128xf32, #tpu.memory_space<vmem>>, vector<16xf32>,
        %get3A_341 = arith.index_cast %add3A_273 : i32 to index
        %get3A_342 = arith.constant 64 : index
        %get3A_343 = tpu.vector_load %arg18[%get3A_341, %get3A_342] {strides = array<i32>} : memref<40x128xf32, #tpu.memory_space<vmem>>, vector<16xf32>,
        %add3A_344 = arith.addf %get3A_340, %get3A_343 : vector<16xf32>
        %gt3A_345 = arith.constant 0.000000e+00 : f32
        %gt3A_346 = vector.broadcast %gt3A_345 : f32 to vector<16xf32>
        %gt3A_347 = arith.cmpf ogt, %add3A_344, %gt3A_346 : vector<16xf32>
        %select_n3A_348 = arith.select %gt3A_347, %get3A_19, %mul3A_40 : vector<16xi1>, vector<16xf32>
        %mul3A_349 = arith.mulf %add3A_344, %select_n3A_348 : vector<16xf32>
        %get3A_350 = arith.index_cast %add3A_273 : i32 to index
        %get3A_351 = arith.constant 80 : index
        %get3A_352 = tpu.vector_load %arg16[%get3A_350, %get3A_351] {strides = array<i32>} : memref<40x128xf32, #tpu.memory_space<vmem>>, vector<16xf32>,
        %get3A_353 = arith.index_cast %add3A_273 : i32 to index
        %get3A_354 = arith.constant 80 : index
        %get3A_355 = tpu.vector_load %arg18[%get3A_353, %get3A_354] {strides = array<i32>} : memref<40x128xf32, #tpu.memory_space<vmem>>, vector<16xf32>,
        %add3A_356 = arith.addf %get3A_352, %get3A_355 : vector<16xf32>
        %gt3A_357 = arith.constant 0.000000e+00 : f32
        %gt3A_358 = vector.broadcast %gt3A_357 : f32 to vector<16xf32>
        %gt3A_359 = arith.cmpf ogt, %add3A_356, %gt3A_358 : vector<16xf32>
        %select_n3A_360 = arith.select %gt3A_359, %get3A_21, %mul3A_43 : vector<16xi1>, vector<16xf32>
        %mul3A_361 = arith.mulf %add3A_356, %select_n3A_360 : vector<16xf32>
        %add3A_362 = arith.addf %mul3A_349, %mul3A_361 : vector<16xf32>
        %reduce_sum3A_363 = arith.constant true
        %reduce_sum3A_364 = vector.broadcast %reduce_sum3A_363 : i1 to vector<16xi1>
        %reduce_sum3A_365 = tpu.scan <sum>, %add3A_362 masked %reduce_sum3A_364 : vector<16xf32>, vector<16xi1> -> vector<16xf32>
        %reduce_sum3A_366 = vector.extract %reduce_sum3A_365[15] : f32 from vector<16xf32>
        %broadcast_in_dim3A_367 = vector.broadcast %reduce_sum3A_366 : f32 to vector<16xf32>
        %select_n3A_368 = arith.select %eq3A_57, %broadcast_in_dim3A_367, %select_n3A_337 : vector<16xi1>, vector<16xf32>
        %get3A_369 = arith.index_cast %add3A_273 : i32 to index
        %get3A_370 = arith.constant 96 : index
        %get3A_371 = tpu.vector_load %arg16[%get3A_369, %get3A_370] {strides = array<i32>} : memref<40x128xf32, #tpu.memory_space<vmem>>, vector<16xf32>,
        %get3A_372 = arith.index_cast %add3A_273 : i32 to index
        %get3A_373 = arith.constant 96 : index
        %get3A_374 = tpu.vector_load %arg18[%get3A_372, %get3A_373] {strides = array<i32>} : memref<40x128xf32, #tpu.memory_space<vmem>>, vector<16xf32>,
        %add3A_375 = arith.addf %get3A_371, %get3A_374 : vector<16xf32>
        %gt3A_376 = arith.constant 0.000000e+00 : f32
        %gt3A_377 = vector.broadcast %gt3A_376 : f32 to vector<16xf32>
        %gt3A_378 = arith.cmpf ogt, %add3A_375, %gt3A_377 : vector<16xf32>
        %select_n3A_379 = arith.select %gt3A_378, %get3A_23, %mul3A_46 : vector<16xi1>, vector<16xf32>
        %mul3A_380 = arith.mulf %add3A_375, %select_n3A_379 : vector<16xf32>
        %get3A_381 = arith.index_cast %add3A_273 : i32 to index
        %get3A_382 = arith.constant 112 : index
        %get3A_383 = tpu.vector_load %arg16[%get3A_381, %get3A_382] {strides = array<i32>} : memref<40x128xf32, #tpu.memory_space<vmem>>, vector<16xf32>,
        %get3A_384 = arith.index_cast %add3A_273 : i32 to index
        %get3A_385 = arith.constant 112 : index
        %get3A_386 = tpu.vector_load %arg18[%get3A_384, %get3A_385] {strides = array<i32>} : memref<40x128xf32, #tpu.memory_space<vmem>>, vector<16xf32>,
        %add3A_387 = arith.addf %get3A_383, %get3A_386 : vector<16xf32>
        %gt3A_388 = arith.constant 0.000000e+00 : f32
        %gt3A_389 = vector.broadcast %gt3A_388 : f32 to vector<16xf32>
        %gt3A_390 = arith.cmpf ogt, %add3A_387, %gt3A_389 : vector<16xf32>
        %select_n3A_391 = arith.select %gt3A_390, %get3A_25, %mul3A_49 : vector<16xi1>, vector<16xf32>
        %mul3A_392 = arith.mulf %add3A_387, %select_n3A_391 : vector<16xf32>
        %add3A_393 = arith.addf %mul3A_380, %mul3A_392 : vector<16xf32>
        %reduce_sum3A_394 = arith.constant true
        %reduce_sum3A_395 = vector.broadcast %reduce_sum3A_394 : i1 to vector<16xi1>
        %reduce_sum3A_396 = tpu.scan <sum>, %add3A_393 masked %reduce_sum3A_395 : vector<16xf32>, vector<16xi1> -> vector<16xf32>
        %reduce_sum3A_397 = vector.extract %reduce_sum3A_396[15] : f32 from vector<16xf32>
        %broadcast_in_dim3A_398 = vector.broadcast %reduce_sum3A_397 : f32 to vector<16xf32>
        %select_n3A_399 = arith.select %eq3A_60, %broadcast_in_dim3A_398, %select_n3A_368 : vector<16xi1>, vector<16xf32>
        %exp3A_400 = math.exp %select_n3A_399 : vector<16xf32>
        %swap3A_401 = arith.index_cast %add3A_273 : i32 to index
        %swap3A_402 = arith.constant 0 : index
        %swap3A_403 = tpu.vector_load %arg19[%swap3A_401, %swap3A_402] {strides = array<i32>} : memref<40x16xf32, #tpu.memory_space<vmem>>, vector<16xf32>,
        tpu.vector_store %arg19[%swap3A_401, %swap3A_402], %exp3A_400 {strides = array<i32>} : memref<40x16xf32, #tpu.memory_space<vmem>>, vector<16xf32>,
        %jit3A_404 = arith.constant 0.000000e+00 : f32
        %broadcast_in_dim3A_405 = vector.broadcast %jit3A_404 : f32 to vector<16xf32>
        %select_n3A_406 = arith.select %lt3A_62, %exp3A_400, %broadcast_in_dim3A_405 : vector<16xi1>, vector<16xf32>
        %swap3A_407 = arith.index_cast %add3A_273 : i32 to index
        %swap3A_408 = arith.constant 0 : index
        %swap3A_409 = tpu.vector_load %arg20[%swap3A_407, %swap3A_408] {strides = array<i32>} : memref<40x128xf32, #tpu.memory_space<vmem>>, vector<16xf32>,
        tpu.vector_store %arg20[%swap3A_407, %swap3A_408], %select_n3A_406 {strides = array<i32>} : memref<40x128xf32, #tpu.memory_space<vmem>>, vector<16xf32>,
      }
      %scan3A_136 = arith.constant 20 : i32
      "tpu.region"() ({
        %run_scoped3A = tpu.sem_alloc : memref<!tpu.dma_semaphore, #tpu.memory_space<semaphore_mem>>
        %dma_start3A_137 = arith.constant 0 : i32
        %dma_start3A_138 = tpu.memref_slice %arg8[%add3A_130, %dma_start3A_137] : memref<320000x16xf32, #tpu.memory_space<hbm>> -> memref<40x16xf32, #tpu.memory_space<hbm>>
        %dma_start3A_139 = arith.constant 0 : i32
        %dma_start3A_140 = tpu.memref_slice %arg8[%add3A_130, %dma_start3A_139] : memref<320000x16xf32, #tpu.memory_space<hbm>> -> memref<40x16xf32, #tpu.memory_space<hbm>>
        tpu.enqueue_dma source(%arg19 : memref<40x16xf32, #tpu.memory_space<vmem>>) target(%dma_start3A_140 : memref<40x16xf32, #tpu.memory_space<hbm>>) target_semaphore(%run_scoped3A : memref<!tpu.dma_semaphore, #tpu.memory_space<semaphore_mem>>)
        %dma_wait3A_141 = arith.constant 0 : i32
        %dma_wait3A_142 = tpu.memref_slice %arg8[%add3A_130, %dma_wait3A_141] : memref<320000x16xf32, #tpu.memory_space<hbm>> -> memref<40x16xf32, #tpu.memory_space<hbm>>
        %dma_wait3A_143 = arith.constant 0 : i32
        %dma_wait3A_144 = tpu.memref_slice %arg8[%add3A_130, %dma_wait3A_143] : memref<320000x16xf32, #tpu.memory_space<hbm>> -> memref<40x16xf32, #tpu.memory_space<hbm>>
        tpu.wait_dma2 semaphore(%run_scoped3A : memref<!tpu.dma_semaphore, #tpu.memory_space<semaphore_mem>>) src(%arg19 : memref<40x16xf32, #tpu.memory_space<vmem>>) dst(%dma_wait3A_144 : memref<40x16xf32, #tpu.memory_space<hbm>>)
        tpu.yield
      }) : () -> ()
      "tpu.region"() ({
        %run_scoped3A = tpu.sem_alloc : memref<!tpu.dma_semaphore, #tpu.memory_space<semaphore_mem>>
        %dma_start3A_137 = arith.constant 0 : i32
        %dma_start3A_138 = arith.constant 0 : i32
        %dma_start3A_139 = tpu.memref_slice %arg24[%dma_start3A_137, %dma_start3A_138] : memref<10240x128xf32, #tpu.memory_space<vmem_shared>> -> memref<10240x128xf32, #tpu.memory_space<vmem_shared>>
        tpu.enqueue_indirect_dma source(%arg20 : memref<40x128xf32, #tpu.memory_space<vmem>>) target(%dma_start3A_139 : memref<10240x128xf32, #tpu.memory_space<vmem_shared>>) offsets(%arg14 : memref<40xi32, #tpu.memory_space<vmem>>) semaphore(%run_scoped3A : memref<!tpu.dma_semaphore, #tpu.memory_space<semaphore_mem>>) {add = true}
        %dma_wait3A_140 = arith.constant 0 : i32
        %dma_wait3A_141 = arith.constant 0 : i32
        %dma_wait3A_142 = tpu.memref_slice %arg24[%dma_wait3A_140, %dma_wait3A_141] : memref<10240x128xf32, #tpu.memory_space<vmem_shared>> -> memref<10240x128xf32, #tpu.memory_space<vmem_shared>>
        tpu.wait_indirect_dma semaphore(%run_scoped3A : memref<!tpu.dma_semaphore, #tpu.memory_space<semaphore_mem>>) src(%arg20 : memref<40x128xf32, #tpu.memory_space<vmem>>) dst(%dma_wait3A_142 : memref<10240x128xf32, #tpu.memory_space<vmem_shared>>)
        tpu.yield
      }) : () -> ()
    }
    %scan3A_77 = arith.constant 125 : i32
    %barrier3A_78 = arith.constant 0 : index
    tpu.barrier barrier_id(%barrier3A_78)
    %eq3A_79 = arith.constant 0 : i32
    %eq3A_80 = arith.cmpi eq, %arg0, %eq3A_79 : i32
    %convert_element_type3A = arith.extui %eq3A_80 : i1 to i32
    %cond3A = arith.constant 0 : i32
    %cond3A_81 = arith.cmpi ne, %convert_element_type3A, %cond3A : i32
    scf.if %cond3A_81 {
      %mul3A_87 = arith.constant 640 : i32
      %mul3A_88 = arith.muli %arg1, %mul3A_87 : i32
      %mul3A_89 = arith.constant 640 : i32
      %mul3A_90 = arith.muli %arg1, %mul3A_89 : i32
      "tpu.region"() ({
        %run_scoped3A = tpu.sem_alloc : memref<!tpu.dma_semaphore, #tpu.memory_space<semaphore_mem>>
        %dma_start3A_91 = arith.constant 0 : i32
        %dma_start3A_92 = tpu.memref_slice %arg9[%mul3A_90, %dma_start3A_91] : memref<10240x128xf32, #tpu.memory_space<hbm>> -> memref<640x128xf32, #tpu.memory_space<hbm>>
        %dma_start3A_93 = arith.constant 0 : i32
        %dma_start3A_94 = tpu.memref_slice %arg24[%mul3A_88, %dma_start3A_93] : memref<10240x128xf32, #tpu.memory_space<vmem_shared>> -> memref<640x128xf32, #tpu.memory_space<vmem_shared>>
        tpu.enqueue_dma source(%dma_start3A_94 : memref<640x128xf32, #tpu.memory_space<vmem_shared>>) target(%dma_start3A_92 : memref<640x128xf32, #tpu.memory_space<hbm>>) target_semaphore(%run_scoped3A : memref<!tpu.dma_semaphore, #tpu.memory_space<semaphore_mem>>)
        %dma_wait3A = arith.constant 0 : i32
        %dma_wait3A_95 = tpu.memref_slice %arg9[%mul3A_90, %dma_wait3A] : memref<10240x128xf32, #tpu.memory_space<hbm>> -> memref<640x128xf32, #tpu.memory_space<hbm>>
        %dma_wait3A_96 = arith.constant 0 : i32
        %dma_wait3A_97 = tpu.memref_slice %arg24[%mul3A_88, %dma_wait3A_96] : memref<10240x128xf32, #tpu.memory_space<vmem_shared>> -> memref<640x128xf32, #tpu.memory_space<vmem_shared>>
        tpu.wait_dma2 semaphore(%run_scoped3A : memref<!tpu.dma_semaphore, #tpu.memory_space<semaphore_mem>>) src(%dma_wait3A_97 : memref<640x128xf32, #tpu.memory_space<vmem_shared>>) dst(%dma_wait3A_95 : memref<640x128xf32, #tpu.memory_space<hbm>>)
        tpu.yield
      }) : () -> ()
    } else {
    }
    %eq3A_82 = arith.constant 1 : i32
    %eq3A_83 = arith.cmpi eq, %arg0, %eq3A_82 : i32
    %convert_element_type3A_84 = arith.extui %eq3A_83 : i1 to i32
    %cond3A_85 = arith.constant 0 : i32
    %cond3A_86 = arith.cmpi ne, %convert_element_type3A_84, %cond3A_85 : i32
    scf.if %cond3A_86 {
      %mul3A_87 = arith.constant 640 : i32
      %mul3A_88 = arith.muli %arg1, %mul3A_87 : i32
      %mul3A_89 = arith.constant 640 : i32
      %mul3A_90 = arith.muli %arg1, %mul3A_89 : i32
      "tpu.region"() ({
        %run_scoped3A = tpu.sem_alloc : memref<!tpu.dma_semaphore, #tpu.memory_space<semaphore_mem>>
        %dma_start3A_91 = arith.constant 0 : i32
        %dma_start3A_92 = tpu.memref_slice %arg10[%mul3A_90, %dma_start3A_91] : memref<10240x128xf32, #tpu.memory_space<hbm>> -> memref<640x128xf32, #tpu.memory_space<hbm>>
        %dma_start3A_93 = arith.constant 0 : i32
        %dma_start3A_94 = tpu.memref_slice %arg24[%mul3A_88, %dma_start3A_93] : memref<10240x128xf32, #tpu.memory_space<vmem_shared>> -> memref<640x128xf32, #tpu.memory_space<vmem_shared>>
        tpu.enqueue_dma source(%dma_start3A_94 : memref<640x128xf32, #tpu.memory_space<vmem_shared>>) target(%dma_start3A_92 : memref<640x128xf32, #tpu.memory_space<hbm>>) target_semaphore(%run_scoped3A : memref<!tpu.dma_semaphore, #tpu.memory_space<semaphore_mem>>)
        %dma_wait3A = arith.constant 0 : i32
        %dma_wait3A_95 = tpu.memref_slice %arg10[%mul3A_90, %dma_wait3A] : memref<10240x128xf32, #tpu.memory_space<hbm>> -> memref<640x128xf32, #tpu.memory_space<hbm>>
        %dma_wait3A_96 = arith.constant 0 : i32
        %dma_wait3A_97 = tpu.memref_slice %arg24[%mul3A_88, %dma_wait3A_96] : memref<10240x128xf32, #tpu.memory_space<vmem_shared>> -> memref<640x128xf32, #tpu.memory_space<vmem_shared>>
        tpu.wait_dma2 semaphore(%run_scoped3A : memref<!tpu.dma_semaphore, #tpu.memory_space<semaphore_mem>>) src(%dma_wait3A_97 : memref<640x128xf32, #tpu.memory_space<vmem_shared>>) dst(%dma_wait3A_95 : memref<640x128xf32, #tpu.memory_space<hbm>>)
        tpu.yield
      }) : () -> ()
    } else {
    }
    return
  }
}

#map = affine_map<(d0, d1) -> (0, 0)>
#map1 = affine_map<(d0, d1) -> (0)>
module attributes {stable_mosaic.version = 14 : i64} {
  func.func @_sc_aggregate(%arg0: i32, %arg1: i32, %arg2: memref<10000x128xf32, #tpu.memory_space<hbm>>, %arg3: memref<320000xi32, #tpu.memory_space<hbm>>, %arg4: memref<320000xi32, #tpu.memory_space<hbm>>, %arg5: memref<320000x16xf32, #tpu.memory_space<hbm>>, %arg6: memref<10240x128xf32, #tpu.memory_space<hbm>>, %arg7: memref<10240x128xf32, #tpu.memory_space<hbm>>, %arg8: memref<10240x128xf32, #tpu.memory_space<hbm>>, %arg9: memref<40xi32, #tpu.memory_space<vmem>>, %arg10: memref<40xi32, #tpu.memory_space<vmem>>, %arg11: memref<40xi32, #tpu.memory_space<vmem>>, %arg12: memref<40xi32, #tpu.memory_space<vmem>>, %arg13: memref<40x128xf32, #tpu.memory_space<vmem>>, %arg14: memref<40x128xf32, #tpu.memory_space<vmem>>, %arg15: memref<40x16xf32, #tpu.memory_space<vmem>>, %arg16: memref<40x16xf32, #tpu.memory_space<vmem>>, %arg17: memref<40x128xf32, #tpu.memory_space<vmem>>, %arg18: memref<!tpu.dma_semaphore, #tpu.memory_space<semaphore_mem>>, %arg19: memref<!tpu.dma_semaphore, #tpu.memory_space<semaphore_mem>>, %arg20: memref<10240x128xf32, #tpu.memory_space<vmem_shared>>) attributes {dimension_semantics = [#tpu.dimension_semantics<core_parallel>, #tpu.dimension_semantics<subcore_parallel>], iteration_bounds = array<i64: 2, 16>, scalar_prefetch = 0 : i64, scratch_operands = 12 : i64, tpu.core_type = #tpu.core_type<sc_vector_subcore>, window_params = [{transform_indices = #map}, {transform_indices = #map1}, {transform_indices = #map1}, {transform_indices = #map}, {transform_indices = #map}, {transform_indices = #map}, {transform_indices = #map}]} {
    %mul3A = arith.constant 16 : i32
    %mul3A_0 = arith.muli %arg0, %mul3A : i32
    %add3A = arith.addi %mul3A_0, %arg1 : i32
    %mul3A_1 = arith.constant 640 : i32
    %mul3A_2 = arith.muli %arg1, %mul3A_1 : i32
    %mul3A_3 = arith.constant 640 : i32
    %mul3A_4 = arith.muli %arg1, %mul3A_3 : i32
    "tpu.region"() ({
      %run_scoped3A = tpu.sem_alloc : memref<!tpu.dma_semaphore, #tpu.memory_space<semaphore_mem>>
      %dma_start3A_28 = arith.constant 0 : i32
      %dma_start3A_29 = tpu.memref_slice %arg20[%mul3A_4, %dma_start3A_28] : memref<10240x128xf32, #tpu.memory_space<vmem_shared>> -> memref<640x128xf32, #tpu.memory_space<vmem_shared>>
      %dma_start3A_30 = arith.constant 0 : i32
      %dma_start3A_31 = tpu.memref_slice %arg6[%mul3A_2, %dma_start3A_30] : memref<10240x128xf32, #tpu.memory_space<hbm>> -> memref<640x128xf32, #tpu.memory_space<hbm>>
      tpu.enqueue_dma source(%dma_start3A_31 : memref<640x128xf32, #tpu.memory_space<hbm>>) target(%dma_start3A_29 : memref<640x128xf32, #tpu.memory_space<vmem_shared>>) target_semaphore(%run_scoped3A : memref<!tpu.dma_semaphore, #tpu.memory_space<semaphore_mem>>)
      %dma_wait3A = arith.constant 0 : i32
      %dma_wait3A_32 = tpu.memref_slice %arg20[%mul3A_4, %dma_wait3A] : memref<10240x128xf32, #tpu.memory_space<vmem_shared>> -> memref<640x128xf32, #tpu.memory_space<vmem_shared>>
      %dma_wait3A_33 = arith.constant 0 : i32
      %dma_wait3A_34 = tpu.memref_slice %arg6[%mul3A_2, %dma_wait3A_33] : memref<10240x128xf32, #tpu.memory_space<hbm>> -> memref<640x128xf32, #tpu.memory_space<hbm>>
      tpu.wait_dma2 semaphore(%run_scoped3A : memref<!tpu.dma_semaphore, #tpu.memory_space<semaphore_mem>>) src(%dma_wait3A_34 : memref<640x128xf32, #tpu.memory_space<hbm>>) dst(%dma_wait3A_32 : memref<640x128xf32, #tpu.memory_space<vmem_shared>>)
      tpu.yield
    }) : () -> ()
    %barrier3A = arith.constant 0 : index
    tpu.barrier barrier_id(%barrier3A)
    %mul3A_5 = arith.constant 10000 : i32
    %mul3A_6 = arith.muli %add3A, %mul3A_5 : i32
    %add3A_7 = arith.constant 0 : i32
    %add3A_8 = arith.addi %mul3A_6, %add3A_7 : i32
    "tpu.region"() ({
      %run_scoped3A = tpu.sem_alloc : memref<!tpu.dma_semaphore, #tpu.memory_space<semaphore_mem>>
      %dma_start3A_28 = tpu.memref_slice %arg3[%add3A_8] : memref<320000xi32, #tpu.memory_space<hbm>> -> memref<40xi32, #tpu.memory_space<hbm>>
      %dma_start3A_29 = tpu.memref_slice %arg3[%add3A_8] : memref<320000xi32, #tpu.memory_space<hbm>> -> memref<40xi32, #tpu.memory_space<hbm>>
      tpu.enqueue_dma source(%dma_start3A_29 : memref<40xi32, #tpu.memory_space<hbm>>) target(%arg9 : memref<40xi32, #tpu.memory_space<vmem>>) target_semaphore(%run_scoped3A : memref<!tpu.dma_semaphore, #tpu.memory_space<semaphore_mem>>)
      %dma_wait3A = tpu.memref_slice %arg3[%add3A_8] : memref<320000xi32, #tpu.memory_space<hbm>> -> memref<40xi32, #tpu.memory_space<hbm>>
      %dma_wait3A_30 = tpu.memref_slice %arg3[%add3A_8] : memref<320000xi32, #tpu.memory_space<hbm>> -> memref<40xi32, #tpu.memory_space<hbm>>
      tpu.wait_dma2 semaphore(%run_scoped3A : memref<!tpu.dma_semaphore, #tpu.memory_space<semaphore_mem>>) src(%dma_wait3A_30 : memref<40xi32, #tpu.memory_space<hbm>>) dst(%arg9 : memref<40xi32, #tpu.memory_space<vmem>>)
      tpu.yield
    }) : () -> ()
    "tpu.region"() ({
      %run_scoped3A = tpu.sem_alloc : memref<!tpu.dma_semaphore, #tpu.memory_space<semaphore_mem>>
      %dma_start3A_28 = tpu.memref_slice %arg4[%add3A_8] : memref<320000xi32, #tpu.memory_space<hbm>> -> memref<40xi32, #tpu.memory_space<hbm>>
      %dma_start3A_29 = tpu.memref_slice %arg4[%add3A_8] : memref<320000xi32, #tpu.memory_space<hbm>> -> memref<40xi32, #tpu.memory_space<hbm>>
      tpu.enqueue_dma source(%dma_start3A_29 : memref<40xi32, #tpu.memory_space<hbm>>) target(%arg11 : memref<40xi32, #tpu.memory_space<vmem>>) target_semaphore(%run_scoped3A : memref<!tpu.dma_semaphore, #tpu.memory_space<semaphore_mem>>)
      %dma_wait3A = tpu.memref_slice %arg4[%add3A_8] : memref<320000xi32, #tpu.memory_space<hbm>> -> memref<40xi32, #tpu.memory_space<hbm>>
      %dma_wait3A_30 = tpu.memref_slice %arg4[%add3A_8] : memref<320000xi32, #tpu.memory_space<hbm>> -> memref<40xi32, #tpu.memory_space<hbm>>
      tpu.wait_dma2 semaphore(%run_scoped3A : memref<!tpu.dma_semaphore, #tpu.memory_space<semaphore_mem>>) src(%dma_wait3A_30 : memref<40xi32, #tpu.memory_space<hbm>>) dst(%arg11 : memref<40xi32, #tpu.memory_space<vmem>>)
      tpu.yield
    }) : () -> ()
    %dma_start3A = arith.constant 0 : i32
    %dma_start3A_9 = arith.constant 0 : i32
    %dma_start3A_10 = tpu.memref_slice %arg2[%dma_start3A, %dma_start3A_9] : memref<10000x128xf32, #tpu.memory_space<hbm>> -> memref<10000x128xf32, #tpu.memory_space<hbm>>
    tpu.enqueue_indirect_dma source(%dma_start3A_10 : memref<10000x128xf32, #tpu.memory_space<hbm>>) target(%arg13 : memref<40x128xf32, #tpu.memory_space<vmem>>) offsets(%arg9 : memref<40xi32, #tpu.memory_space<vmem>>) semaphore(%arg18 : memref<!tpu.dma_semaphore, #tpu.memory_space<semaphore_mem>>)
    %dma_start3A_11 = arith.constant 0 : i32
    %dma_start3A_12 = tpu.memref_slice %arg5[%add3A_8, %dma_start3A_11] : memref<320000x16xf32, #tpu.memory_space<hbm>> -> memref<40x16xf32, #tpu.memory_space<hbm>>
    %dma_start3A_13 = arith.constant 0 : i32
    %dma_start3A_14 = tpu.memref_slice %arg5[%add3A_8, %dma_start3A_13] : memref<320000x16xf32, #tpu.memory_space<hbm>> -> memref<40x16xf32, #tpu.memory_space<hbm>>
    tpu.enqueue_dma source(%dma_start3A_14 : memref<40x16xf32, #tpu.memory_space<hbm>>) target(%arg15 : memref<40x16xf32, #tpu.memory_space<vmem>>) target_semaphore(%arg18 : memref<!tpu.dma_semaphore, #tpu.memory_space<semaphore_mem>>)
    %scan3A = arith.constant 0 : i32
    %scan3A_15 = arith.constant 0 : i32
    %scan3A_16 = arith.constant 125 : i32
    %scan3A_17 = arith.addi %scan3A_15, %scan3A_16 : i32
    %scan3A_18 = arith.constant 1 : i32
    scf.for %scan3A_28 = %scan3A_15 to %scan3A_17 step %scan3A_18  : i32 {
      %mul3A_29 = arith.constant 2 : i32
      %mul3A_30 = arith.muli %mul3A_29, %scan3A_28 : i32
      %add3A_31 = arith.constant 1 : i32
      %add3A_32 = arith.addi %mul3A_30, %add3A_31 : i32
      %mul3A_33 = arith.constant 40 : i32
      %mul3A_34 = arith.muli %add3A_32, %mul3A_33 : i32
      %add3A_35 = arith.addi %mul3A_6, %mul3A_34 : i32
      "tpu.region"() ({
        %run_scoped3A = tpu.sem_alloc : memref<!tpu.dma_semaphore, #tpu.memory_space<semaphore_mem>>
        %dma_start3A_82 = tpu.memref_slice %arg3[%add3A_35] : memref<320000xi32, #tpu.memory_space<hbm>> -> memref<40xi32, #tpu.memory_space<hbm>>
        %dma_start3A_83 = tpu.memref_slice %arg3[%add3A_35] : memref<320000xi32, #tpu.memory_space<hbm>> -> memref<40xi32, #tpu.memory_space<hbm>>
        tpu.enqueue_dma source(%dma_start3A_83 : memref<40xi32, #tpu.memory_space<hbm>>) target(%arg10 : memref<40xi32, #tpu.memory_space<vmem>>) target_semaphore(%run_scoped3A : memref<!tpu.dma_semaphore, #tpu.memory_space<semaphore_mem>>)
        %dma_wait3A_84 = tpu.memref_slice %arg3[%add3A_35] : memref<320000xi32, #tpu.memory_space<hbm>> -> memref<40xi32, #tpu.memory_space<hbm>>
        %dma_wait3A_85 = tpu.memref_slice %arg3[%add3A_35] : memref<320000xi32, #tpu.memory_space<hbm>> -> memref<40xi32, #tpu.memory_space<hbm>>
        tpu.wait_dma2 semaphore(%run_scoped3A : memref<!tpu.dma_semaphore, #tpu.memory_space<semaphore_mem>>) src(%dma_wait3A_85 : memref<40xi32, #tpu.memory_space<hbm>>) dst(%arg10 : memref<40xi32, #tpu.memory_space<vmem>>)
        tpu.yield
      }) : () -> ()
      "tpu.region"() ({
        %run_scoped3A = tpu.sem_alloc : memref<!tpu.dma_semaphore, #tpu.memory_space<semaphore_mem>>
        %dma_start3A_82 = tpu.memref_slice %arg4[%add3A_35] : memref<320000xi32, #tpu.memory_space<hbm>> -> memref<40xi32, #tpu.memory_space<hbm>>
        %dma_start3A_83 = tpu.memref_slice %arg4[%add3A_35] : memref<320000xi32, #tpu.memory_space<hbm>> -> memref<40xi32, #tpu.memory_space<hbm>>
        tpu.enqueue_dma source(%dma_start3A_83 : memref<40xi32, #tpu.memory_space<hbm>>) target(%arg12 : memref<40xi32, #tpu.memory_space<vmem>>) target_semaphore(%run_scoped3A : memref<!tpu.dma_semaphore, #tpu.memory_space<semaphore_mem>>)
        %dma_wait3A_84 = tpu.memref_slice %arg4[%add3A_35] : memref<320000xi32, #tpu.memory_space<hbm>> -> memref<40xi32, #tpu.memory_space<hbm>>
        %dma_wait3A_85 = tpu.memref_slice %arg4[%add3A_35] : memref<320000xi32, #tpu.memory_space<hbm>> -> memref<40xi32, #tpu.memory_space<hbm>>
        tpu.wait_dma2 semaphore(%run_scoped3A : memref<!tpu.dma_semaphore, #tpu.memory_space<semaphore_mem>>) src(%dma_wait3A_85 : memref<40xi32, #tpu.memory_space<hbm>>) dst(%arg12 : memref<40xi32, #tpu.memory_space<vmem>>)
        tpu.yield
      }) : () -> ()
      %dma_start3A_36 = arith.constant 0 : i32
      %dma_start3A_37 = arith.constant 0 : i32
      %dma_start3A_38 = tpu.memref_slice %arg2[%dma_start3A_36, %dma_start3A_37] : memref<10000x128xf32, #tpu.memory_space<hbm>> -> memref<10000x128xf32, #tpu.memory_space<hbm>>
      tpu.enqueue_indirect_dma source(%dma_start3A_38 : memref<10000x128xf32, #tpu.memory_space<hbm>>) target(%arg14 : memref<40x128xf32, #tpu.memory_space<vmem>>) offsets(%arg10 : memref<40xi32, #tpu.memory_space<vmem>>) semaphore(%arg19 : memref<!tpu.dma_semaphore, #tpu.memory_space<semaphore_mem>>)
      %dma_start3A_39 = arith.constant 0 : i32
      %dma_start3A_40 = tpu.memref_slice %arg5[%add3A_35, %dma_start3A_39] : memref<320000x16xf32, #tpu.memory_space<hbm>> -> memref<40x16xf32, #tpu.memory_space<hbm>>
      %dma_start3A_41 = arith.constant 0 : i32
      %dma_start3A_42 = tpu.memref_slice %arg5[%add3A_35, %dma_start3A_41] : memref<320000x16xf32, #tpu.memory_space<hbm>> -> memref<40x16xf32, #tpu.memory_space<hbm>>
      tpu.enqueue_dma source(%dma_start3A_42 : memref<40x16xf32, #tpu.memory_space<hbm>>) target(%arg16 : memref<40x16xf32, #tpu.memory_space<vmem>>) target_semaphore(%arg19 : memref<!tpu.dma_semaphore, #tpu.memory_space<semaphore_mem>>)
      %mul3A_43 = arith.constant 40 : i32
      %mul3A_44 = arith.muli %mul3A_30, %mul3A_43 : i32
      %add3A_45 = arith.addi %mul3A_6, %mul3A_44 : i32
      %dma_wait3A = arith.constant 0 : i32
      %dma_wait3A_46 = arith.constant 0 : i32
      %dma_wait3A_47 = tpu.memref_slice %arg2[%dma_wait3A, %dma_wait3A_46] : memref<10000x128xf32, #tpu.memory_space<hbm>> -> memref<10000x128xf32, #tpu.memory_space<hbm>>
      tpu.wait_indirect_dma semaphore(%arg18 : memref<!tpu.dma_semaphore, #tpu.memory_space<semaphore_mem>>) src(%dma_wait3A_47 : memref<10000x128xf32, #tpu.memory_space<hbm>>) dst(%arg13 : memref<40x128xf32, #tpu.memory_space<vmem>>)
      %dma_wait3A_48 = arith.constant 0 : i32
      %dma_wait3A_49 = tpu.memref_slice %arg5[%add3A_45, %dma_wait3A_48] : memref<320000x16xf32, #tpu.memory_space<hbm>> -> memref<40x16xf32, #tpu.memory_space<hbm>>
      %dma_wait3A_50 = arith.constant 0 : i32
      %dma_wait3A_51 = tpu.memref_slice %arg5[%add3A_45, %dma_wait3A_50] : memref<320000x16xf32, #tpu.memory_space<hbm>> -> memref<40x16xf32, #tpu.memory_space<hbm>>
      tpu.wait_dma2 semaphore(%arg18 : memref<!tpu.dma_semaphore, #tpu.memory_space<semaphore_mem>>) src(%dma_wait3A_51 : memref<40x16xf32, #tpu.memory_space<hbm>>) dst(%arg15 : memref<40x16xf32, #tpu.memory_space<vmem>>)
      %scan3A_52 = arith.constant 0 : i32
      %scan3A_53 = arith.constant 0 : i32
      %scan3A_54 = arith.constant 20 : i32
      %scan3A_55 = arith.addi %scan3A_53, %scan3A_54 : i32
      %scan3A_56 = arith.constant 1 : i32
      scf.for %scan3A_82 = %scan3A_53 to %scan3A_55 step %scan3A_56  : i32 {
        %mul3A_83 = arith.constant 2 : i32
        %mul3A_84 = arith.muli %mul3A_83, %scan3A_82 : i32
        %get3A = arith.index_cast %mul3A_84 : i32 to index
        %get3A_85 = arith.constant 0 : index
        %get3A_86 = tpu.vector_load %arg15[%get3A, %get3A_85] {strides = array<i32>} : memref<40x16xf32, #tpu.memory_space<vmem>>, vector<16xf32>,
        %slice3A = vector.extract_strided_slice %get3A_86 {offsets = [0], sizes = [1], strides = [1]} : vector<16xf32> to vector<1xf32>
        %squeeze3A = vector.extract %slice3A[0] : f32 from vector<1xf32>
        %get3A_87 = arith.index_cast %mul3A_84 : i32 to index
        %get3A_88 = arith.constant 0 : index
        %get3A_89 = tpu.vector_load %arg13[%get3A_87, %get3A_88] {strides = array<i32>} : memref<40x128xf32, #tpu.memory_space<vmem>>, vector<16xf32>,
        %mul3A_90 = vector.broadcast %squeeze3A : f32 to vector<16xf32>
        %mul3A_91 = arith.mulf %get3A_89, %mul3A_90 : vector<16xf32>
        %swap3A = arith.index_cast %mul3A_84 : i32 to index
        %swap3A_92 = arith.constant 0 : index
        %swap3A_93 = tpu.vector_load %arg17[%swap3A, %swap3A_92] {strides = array<i32>} : memref<40x128xf32, #tpu.memory_space<vmem>>, vector<16xf32>,
        tpu.vector_store %arg17[%swap3A, %swap3A_92], %mul3A_91 {strides = array<i32>} : memref<40x128xf32, #tpu.memory_space<vmem>>, vector<16xf32>,
        %get3A_94 = arith.index_cast %mul3A_84 : i32 to index
        %get3A_95 = arith.constant 16 : index
        %get3A_96 = tpu.vector_load %arg13[%get3A_94, %get3A_95] {strides = array<i32>} : memref<40x128xf32, #tpu.memory_space<vmem>>, vector<16xf32>,
        %mul3A_97 = vector.broadcast %squeeze3A : f32 to vector<16xf32>
        %mul3A_98 = arith.mulf %get3A_96, %mul3A_97 : vector<16xf32>
        %swap3A_99 = arith.index_cast %mul3A_84 : i32 to index
        %swap3A_100 = arith.constant 16 : index
        %swap3A_101 = tpu.vector_load %arg17[%swap3A_99, %swap3A_100] {strides = array<i32>} : memref<40x128xf32, #tpu.memory_space<vmem>>, vector<16xf32>,
        tpu.vector_store %arg17[%swap3A_99, %swap3A_100], %mul3A_98 {strides = array<i32>} : memref<40x128xf32, #tpu.memory_space<vmem>>, vector<16xf32>,
        %slice3A_102 = vector.extract_strided_slice %get3A_86 {offsets = [1], sizes = [1], strides = [1]} : vector<16xf32> to vector<1xf32>
        %squeeze3A_103 = vector.extract %slice3A_102[0] : f32 from vector<1xf32>
        %get3A_104 = arith.index_cast %mul3A_84 : i32 to index
        %get3A_105 = arith.constant 32 : index
        %get3A_106 = tpu.vector_load %arg13[%get3A_104, %get3A_105] {strides = array<i32>} : memref<40x128xf32, #tpu.memory_space<vmem>>, vector<16xf32>,
        %mul3A_107 = vector.broadcast %squeeze3A_103 : f32 to vector<16xf32>
        %mul3A_108 = arith.mulf %get3A_106, %mul3A_107 : vector<16xf32>
        %swap3A_109 = arith.index_cast %mul3A_84 : i32 to index
        %swap3A_110 = arith.constant 32 : index
        %swap3A_111 = tpu.vector_load %arg17[%swap3A_109, %swap3A_110] {strides = array<i32>} : memref<40x128xf32, #tpu.memory_space<vmem>>, vector<16xf32>,
        tpu.vector_store %arg17[%swap3A_109, %swap3A_110], %mul3A_108 {strides = array<i32>} : memref<40x128xf32, #tpu.memory_space<vmem>>, vector<16xf32>,
        %get3A_112 = arith.index_cast %mul3A_84 : i32 to index
        %get3A_113 = arith.constant 48 : index
        %get3A_114 = tpu.vector_load %arg13[%get3A_112, %get3A_113] {strides = array<i32>} : memref<40x128xf32, #tpu.memory_space<vmem>>, vector<16xf32>,
        %mul3A_115 = vector.broadcast %squeeze3A_103 : f32 to vector<16xf32>
        %mul3A_116 = arith.mulf %get3A_114, %mul3A_115 : vector<16xf32>
        %swap3A_117 = arith.index_cast %mul3A_84 : i32 to index
        %swap3A_118 = arith.constant 48 : index
        %swap3A_119 = tpu.vector_load %arg17[%swap3A_117, %swap3A_118] {strides = array<i32>} : memref<40x128xf32, #tpu.memory_space<vmem>>, vector<16xf32>,
        tpu.vector_store %arg17[%swap3A_117, %swap3A_118], %mul3A_116 {strides = array<i32>} : memref<40x128xf32, #tpu.memory_space<vmem>>, vector<16xf32>,
        %slice3A_120 = vector.extract_strided_slice %get3A_86 {offsets = [2], sizes = [1], strides = [1]} : vector<16xf32> to vector<1xf32>
        %squeeze3A_121 = vector.extract %slice3A_120[0] : f32 from vector<1xf32>
        %get3A_122 = arith.index_cast %mul3A_84 : i32 to index
        %get3A_123 = arith.constant 64 : index
        %get3A_124 = tpu.vector_load %arg13[%get3A_122, %get3A_123] {strides = array<i32>} : memref<40x128xf32, #tpu.memory_space<vmem>>, vector<16xf32>,
        %mul3A_125 = vector.broadcast %squeeze3A_121 : f32 to vector<16xf32>
        %mul3A_126 = arith.mulf %get3A_124, %mul3A_125 : vector<16xf32>
        %swap3A_127 = arith.index_cast %mul3A_84 : i32 to index
        %swap3A_128 = arith.constant 64 : index
        %swap3A_129 = tpu.vector_load %arg17[%swap3A_127, %swap3A_128] {strides = array<i32>} : memref<40x128xf32, #tpu.memory_space<vmem>>, vector<16xf32>,
        tpu.vector_store %arg17[%swap3A_127, %swap3A_128], %mul3A_126 {strides = array<i32>} : memref<40x128xf32, #tpu.memory_space<vmem>>, vector<16xf32>,
        %get3A_130 = arith.index_cast %mul3A_84 : i32 to index
        %get3A_131 = arith.constant 80 : index
        %get3A_132 = tpu.vector_load %arg13[%get3A_130, %get3A_131] {strides = array<i32>} : memref<40x128xf32, #tpu.memory_space<vmem>>, vector<16xf32>,
        %mul3A_133 = vector.broadcast %squeeze3A_121 : f32 to vector<16xf32>
        %mul3A_134 = arith.mulf %get3A_132, %mul3A_133 : vector<16xf32>
        %swap3A_135 = arith.index_cast %mul3A_84 : i32 to index
        %swap3A_136 = arith.constant 80 : index
        %swap3A_137 = tpu.vector_load %arg17[%swap3A_135, %swap3A_136] {strides = array<i32>} : memref<40x128xf32, #tpu.memory_space<vmem>>, vector<16xf32>,
        tpu.vector_store %arg17[%swap3A_135, %swap3A_136], %mul3A_134 {strides = array<i32>} : memref<40x128xf32, #tpu.memory_space<vmem>>, vector<16xf32>,
        %slice3A_138 = vector.extract_strided_slice %get3A_86 {offsets = [3], sizes = [1], strides = [1]} : vector<16xf32> to vector<1xf32>
        %squeeze3A_139 = vector.extract %slice3A_138[0] : f32 from vector<1xf32>
        %get3A_140 = arith.index_cast %mul3A_84 : i32 to index
        %get3A_141 = arith.constant 96 : index
        %get3A_142 = tpu.vector_load %arg13[%get3A_140, %get3A_141] {strides = array<i32>} : memref<40x128xf32, #tpu.memory_space<vmem>>, vector<16xf32>,
        %mul3A_143 = vector.broadcast %squeeze3A_139 : f32 to vector<16xf32>
        %mul3A_144 = arith.mulf %get3A_142, %mul3A_143 : vector<16xf32>
        %swap3A_145 = arith.index_cast %mul3A_84 : i32 to index
        %swap3A_146 = arith.constant 96 : index
        %swap3A_147 = tpu.vector_load %arg17[%swap3A_145, %swap3A_146] {strides = array<i32>} : memref<40x128xf32, #tpu.memory_space<vmem>>, vector<16xf32>,
        tpu.vector_store %arg17[%swap3A_145, %swap3A_146], %mul3A_144 {strides = array<i32>} : memref<40x128xf32, #tpu.memory_space<vmem>>, vector<16xf32>,
        %get3A_148 = arith.index_cast %mul3A_84 : i32 to index
        %get3A_149 = arith.constant 112 : index
        %get3A_150 = tpu.vector_load %arg13[%get3A_148, %get3A_149] {strides = array<i32>} : memref<40x128xf32, #tpu.memory_space<vmem>>, vector<16xf32>,
        %mul3A_151 = vector.broadcast %squeeze3A_139 : f32 to vector<16xf32>
        %mul3A_152 = arith.mulf %get3A_150, %mul3A_151 : vector<16xf32>
        %swap3A_153 = arith.index_cast %mul3A_84 : i32 to index
        %swap3A_154 = arith.constant 112 : index
        %swap3A_155 = tpu.vector_load %arg17[%swap3A_153, %swap3A_154] {strides = array<i32>} : memref<40x128xf32, #tpu.memory_space<vmem>>, vector<16xf32>,
        tpu.vector_store %arg17[%swap3A_153, %swap3A_154], %mul3A_152 {strides = array<i32>} : memref<40x128xf32, #tpu.memory_space<vmem>>, vector<16xf32>,
        %mul3A_156 = arith.constant 2 : i32
        %mul3A_157 = arith.muli %mul3A_156, %scan3A_82 : i32
        %add3A_158 = arith.constant 1 : i32
        %add3A_159 = arith.addi %mul3A_157, %add3A_158 : i32
        %get3A_160 = arith.index_cast %add3A_159 : i32 to index
        %get3A_161 = arith.constant 0 : index
        %get3A_162 = tpu.vector_load %arg15[%get3A_160, %get3A_161] {strides = array<i32>} : memref<40x16xf32, #tpu.memory_space<vmem>>, vector<16xf32>,
        %slice3A_163 = vector.extract_strided_slice %get3A_162 {offsets = [0], sizes = [1], strides = [1]} : vector<16xf32> to vector<1xf32>
        %squeeze3A_164 = vector.extract %slice3A_163[0] : f32 from vector<1xf32>
        %get3A_165 = arith.index_cast %add3A_159 : i32 to index
        %get3A_166 = arith.constant 0 : index
        %get3A_167 = tpu.vector_load %arg13[%get3A_165, %get3A_166] {strides = array<i32>} : memref<40x128xf32, #tpu.memory_space<vmem>>, vector<16xf32>,
        %mul3A_168 = vector.broadcast %squeeze3A_164 : f32 to vector<16xf32>
        %mul3A_169 = arith.mulf %get3A_167, %mul3A_168 : vector<16xf32>
        %swap3A_170 = arith.index_cast %add3A_159 : i32 to index
        %swap3A_171 = arith.constant 0 : index
        %swap3A_172 = tpu.vector_load %arg17[%swap3A_170, %swap3A_171] {strides = array<i32>} : memref<40x128xf32, #tpu.memory_space<vmem>>, vector<16xf32>,
        tpu.vector_store %arg17[%swap3A_170, %swap3A_171], %mul3A_169 {strides = array<i32>} : memref<40x128xf32, #tpu.memory_space<vmem>>, vector<16xf32>,
        %get3A_173 = arith.index_cast %add3A_159 : i32 to index
        %get3A_174 = arith.constant 16 : index
        %get3A_175 = tpu.vector_load %arg13[%get3A_173, %get3A_174] {strides = array<i32>} : memref<40x128xf32, #tpu.memory_space<vmem>>, vector<16xf32>,
        %mul3A_176 = vector.broadcast %squeeze3A_164 : f32 to vector<16xf32>
        %mul3A_177 = arith.mulf %get3A_175, %mul3A_176 : vector<16xf32>
        %swap3A_178 = arith.index_cast %add3A_159 : i32 to index
        %swap3A_179 = arith.constant 16 : index
        %swap3A_180 = tpu.vector_load %arg17[%swap3A_178, %swap3A_179] {strides = array<i32>} : memref<40x128xf32, #tpu.memory_space<vmem>>, vector<16xf32>,
        tpu.vector_store %arg17[%swap3A_178, %swap3A_179], %mul3A_177 {strides = array<i32>} : memref<40x128xf32, #tpu.memory_space<vmem>>, vector<16xf32>,
        %slice3A_181 = vector.extract_strided_slice %get3A_162 {offsets = [1], sizes = [1], strides = [1]} : vector<16xf32> to vector<1xf32>
        %squeeze3A_182 = vector.extract %slice3A_181[0] : f32 from vector<1xf32>
        %get3A_183 = arith.index_cast %add3A_159 : i32 to index
        %get3A_184 = arith.constant 32 : index
        %get3A_185 = tpu.vector_load %arg13[%get3A_183, %get3A_184] {strides = array<i32>} : memref<40x128xf32, #tpu.memory_space<vmem>>, vector<16xf32>,
        %mul3A_186 = vector.broadcast %squeeze3A_182 : f32 to vector<16xf32>
        %mul3A_187 = arith.mulf %get3A_185, %mul3A_186 : vector<16xf32>
        %swap3A_188 = arith.index_cast %add3A_159 : i32 to index
        %swap3A_189 = arith.constant 32 : index
        %swap3A_190 = tpu.vector_load %arg17[%swap3A_188, %swap3A_189] {strides = array<i32>} : memref<40x128xf32, #tpu.memory_space<vmem>>, vector<16xf32>,
        tpu.vector_store %arg17[%swap3A_188, %swap3A_189], %mul3A_187 {strides = array<i32>} : memref<40x128xf32, #tpu.memory_space<vmem>>, vector<16xf32>,
        %get3A_191 = arith.index_cast %add3A_159 : i32 to index
        %get3A_192 = arith.constant 48 : index
        %get3A_193 = tpu.vector_load %arg13[%get3A_191, %get3A_192] {strides = array<i32>} : memref<40x128xf32, #tpu.memory_space<vmem>>, vector<16xf32>,
        %mul3A_194 = vector.broadcast %squeeze3A_182 : f32 to vector<16xf32>
        %mul3A_195 = arith.mulf %get3A_193, %mul3A_194 : vector<16xf32>
        %swap3A_196 = arith.index_cast %add3A_159 : i32 to index
        %swap3A_197 = arith.constant 48 : index
        %swap3A_198 = tpu.vector_load %arg17[%swap3A_196, %swap3A_197] {strides = array<i32>} : memref<40x128xf32, #tpu.memory_space<vmem>>, vector<16xf32>,
        tpu.vector_store %arg17[%swap3A_196, %swap3A_197], %mul3A_195 {strides = array<i32>} : memref<40x128xf32, #tpu.memory_space<vmem>>, vector<16xf32>,
        %slice3A_199 = vector.extract_strided_slice %get3A_162 {offsets = [2], sizes = [1], strides = [1]} : vector<16xf32> to vector<1xf32>
        %squeeze3A_200 = vector.extract %slice3A_199[0] : f32 from vector<1xf32>
        %get3A_201 = arith.index_cast %add3A_159 : i32 to index
        %get3A_202 = arith.constant 64 : index
        %get3A_203 = tpu.vector_load %arg13[%get3A_201, %get3A_202] {strides = array<i32>} : memref<40x128xf32, #tpu.memory_space<vmem>>, vector<16xf32>,
        %mul3A_204 = vector.broadcast %squeeze3A_200 : f32 to vector<16xf32>
        %mul3A_205 = arith.mulf %get3A_203, %mul3A_204 : vector<16xf32>
        %swap3A_206 = arith.index_cast %add3A_159 : i32 to index
        %swap3A_207 = arith.constant 64 : index
        %swap3A_208 = tpu.vector_load %arg17[%swap3A_206, %swap3A_207] {strides = array<i32>} : memref<40x128xf32, #tpu.memory_space<vmem>>, vector<16xf32>,
        tpu.vector_store %arg17[%swap3A_206, %swap3A_207], %mul3A_205 {strides = array<i32>} : memref<40x128xf32, #tpu.memory_space<vmem>>, vector<16xf32>,
        %get3A_209 = arith.index_cast %add3A_159 : i32 to index
        %get3A_210 = arith.constant 80 : index
        %get3A_211 = tpu.vector_load %arg13[%get3A_209, %get3A_210] {strides = array<i32>} : memref<40x128xf32, #tpu.memory_space<vmem>>, vector<16xf32>,
        %mul3A_212 = vector.broadcast %squeeze3A_200 : f32 to vector<16xf32>
        %mul3A_213 = arith.mulf %get3A_211, %mul3A_212 : vector<16xf32>
        %swap3A_214 = arith.index_cast %add3A_159 : i32 to index
        %swap3A_215 = arith.constant 80 : index
        %swap3A_216 = tpu.vector_load %arg17[%swap3A_214, %swap3A_215] {strides = array<i32>} : memref<40x128xf32, #tpu.memory_space<vmem>>, vector<16xf32>,
        tpu.vector_store %arg17[%swap3A_214, %swap3A_215], %mul3A_213 {strides = array<i32>} : memref<40x128xf32, #tpu.memory_space<vmem>>, vector<16xf32>,
        %slice3A_217 = vector.extract_strided_slice %get3A_162 {offsets = [3], sizes = [1], strides = [1]} : vector<16xf32> to vector<1xf32>
        %squeeze3A_218 = vector.extract %slice3A_217[0] : f32 from vector<1xf32>
        %get3A_219 = arith.index_cast %add3A_159 : i32 to index
        %get3A_220 = arith.constant 96 : index
        %get3A_221 = tpu.vector_load %arg13[%get3A_219, %get3A_220] {strides = array<i32>} : memref<40x128xf32, #tpu.memory_space<vmem>>, vector<16xf32>,
        %mul3A_222 = vector.broadcast %squeeze3A_218 : f32 to vector<16xf32>
        %mul3A_223 = arith.mulf %get3A_221, %mul3A_222 : vector<16xf32>
        %swap3A_224 = arith.index_cast %add3A_159 : i32 to index
        %swap3A_225 = arith.constant 96 : index
        %swap3A_226 = tpu.vector_load %arg17[%swap3A_224, %swap3A_225] {strides = array<i32>} : memref<40x128xf32, #tpu.memory_space<vmem>>, vector<16xf32>,
        tpu.vector_store %arg17[%swap3A_224, %swap3A_225], %mul3A_223 {strides = array<i32>} : memref<40x128xf32, #tpu.memory_space<vmem>>, vector<16xf32>,
        %get3A_227 = arith.index_cast %add3A_159 : i32 to index
        %get3A_228 = arith.constant 112 : index
        %get3A_229 = tpu.vector_load %arg13[%get3A_227, %get3A_228] {strides = array<i32>} : memref<40x128xf32, #tpu.memory_space<vmem>>, vector<16xf32>,
        %mul3A_230 = vector.broadcast %squeeze3A_218 : f32 to vector<16xf32>
        %mul3A_231 = arith.mulf %get3A_229, %mul3A_230 : vector<16xf32>
        %swap3A_232 = arith.index_cast %add3A_159 : i32 to index
        %swap3A_233 = arith.constant 112 : index
        %swap3A_234 = tpu.vector_load %arg17[%swap3A_232, %swap3A_233] {strides = array<i32>} : memref<40x128xf32, #tpu.memory_space<vmem>>, vector<16xf32>,
        tpu.vector_store %arg17[%swap3A_232, %swap3A_233], %mul3A_231 {strides = array<i32>} : memref<40x128xf32, #tpu.memory_space<vmem>>, vector<16xf32>,
      }
      %scan3A_57 = arith.constant 20 : i32
      "tpu.region"() ({
        %run_scoped3A = tpu.sem_alloc : memref<!tpu.dma_semaphore, #tpu.memory_space<semaphore_mem>>
        %dma_start3A_82 = arith.constant 0 : i32
        %dma_start3A_83 = arith.constant 0 : i32
        %dma_start3A_84 = tpu.memref_slice %arg20[%dma_start3A_82, %dma_start3A_83] : memref<10240x128xf32, #tpu.memory_space<vmem_shared>> -> memref<10240x128xf32, #tpu.memory_space<vmem_shared>>
        tpu.enqueue_indirect_dma source(%arg17 : memref<40x128xf32, #tpu.memory_space<vmem>>) target(%dma_start3A_84 : memref<10240x128xf32, #tpu.memory_space<vmem_shared>>) offsets(%arg11 : memref<40xi32, #tpu.memory_space<vmem>>) semaphore(%run_scoped3A : memref<!tpu.dma_semaphore, #tpu.memory_space<semaphore_mem>>) {add = true}
        %dma_wait3A_85 = arith.constant 0 : i32
        %dma_wait3A_86 = arith.constant 0 : i32
        %dma_wait3A_87 = tpu.memref_slice %arg20[%dma_wait3A_85, %dma_wait3A_86] : memref<10240x128xf32, #tpu.memory_space<vmem_shared>> -> memref<10240x128xf32, #tpu.memory_space<vmem_shared>>
        tpu.wait_indirect_dma semaphore(%run_scoped3A : memref<!tpu.dma_semaphore, #tpu.memory_space<semaphore_mem>>) src(%arg17 : memref<40x128xf32, #tpu.memory_space<vmem>>) dst(%dma_wait3A_87 : memref<10240x128xf32, #tpu.memory_space<vmem_shared>>)
        tpu.yield
      }) : () -> ()
      %add3A_58 = arith.constant 2 : i32
      %add3A_59 = arith.addi %mul3A_30, %add3A_58 : i32
      %lt3A = arith.constant 250 : i32
      %lt3A_60 = arith.cmpi slt, %add3A_59, %lt3A : i32
      %convert_element_type3A_61 = arith.extui %lt3A_60 : i1 to i32
      %cond3A_62 = arith.constant 0 : i32
      %cond3A_63 = arith.cmpi ne, %convert_element_type3A_61, %cond3A_62 : i32
      scf.if %cond3A_63 {
        %add3A_82 = arith.constant 2 : i32
        %add3A_83 = arith.addi %mul3A_30, %add3A_82 : i32
        %mul3A_84 = arith.constant 40 : i32
        %mul3A_85 = arith.muli %add3A_83, %mul3A_84 : i32
        %add3A_86 = arith.addi %mul3A_6, %mul3A_85 : i32
        "tpu.region"() ({
          %run_scoped3A = tpu.sem_alloc : memref<!tpu.dma_semaphore, #tpu.memory_space<semaphore_mem>>
          %dma_start3A_94 = tpu.memref_slice %arg3[%add3A_86] : memref<320000xi32, #tpu.memory_space<hbm>> -> memref<40xi32, #tpu.memory_space<hbm>>
          %dma_start3A_95 = tpu.memref_slice %arg3[%add3A_86] : memref<320000xi32, #tpu.memory_space<hbm>> -> memref<40xi32, #tpu.memory_space<hbm>>
          tpu.enqueue_dma source(%dma_start3A_95 : memref<40xi32, #tpu.memory_space<hbm>>) target(%arg9 : memref<40xi32, #tpu.memory_space<vmem>>) target_semaphore(%run_scoped3A : memref<!tpu.dma_semaphore, #tpu.memory_space<semaphore_mem>>)
          %dma_wait3A_96 = tpu.memref_slice %arg3[%add3A_86] : memref<320000xi32, #tpu.memory_space<hbm>> -> memref<40xi32, #tpu.memory_space<hbm>>
          %dma_wait3A_97 = tpu.memref_slice %arg3[%add3A_86] : memref<320000xi32, #tpu.memory_space<hbm>> -> memref<40xi32, #tpu.memory_space<hbm>>
          tpu.wait_dma2 semaphore(%run_scoped3A : memref<!tpu.dma_semaphore, #tpu.memory_space<semaphore_mem>>) src(%dma_wait3A_97 : memref<40xi32, #tpu.memory_space<hbm>>) dst(%arg9 : memref<40xi32, #tpu.memory_space<vmem>>)
          tpu.yield
        }) : () -> ()
        "tpu.region"() ({
          %run_scoped3A = tpu.sem_alloc : memref<!tpu.dma_semaphore, #tpu.memory_space<semaphore_mem>>
          %dma_start3A_94 = tpu.memref_slice %arg4[%add3A_86] : memref<320000xi32, #tpu.memory_space<hbm>> -> memref<40xi32, #tpu.memory_space<hbm>>
          %dma_start3A_95 = tpu.memref_slice %arg4[%add3A_86] : memref<320000xi32, #tpu.memory_space<hbm>> -> memref<40xi32, #tpu.memory_space<hbm>>
          tpu.enqueue_dma source(%dma_start3A_95 : memref<40xi32, #tpu.memory_space<hbm>>) target(%arg11 : memref<40xi32, #tpu.memory_space<vmem>>) target_semaphore(%run_scoped3A : memref<!tpu.dma_semaphore, #tpu.memory_space<semaphore_mem>>)
          %dma_wait3A_96 = tpu.memref_slice %arg4[%add3A_86] : memref<320000xi32, #tpu.memory_space<hbm>> -> memref<40xi32, #tpu.memory_space<hbm>>
          %dma_wait3A_97 = tpu.memref_slice %arg4[%add3A_86] : memref<320000xi32, #tpu.memory_space<hbm>> -> memref<40xi32, #tpu.memory_space<hbm>>
          tpu.wait_dma2 semaphore(%run_scoped3A : memref<!tpu.dma_semaphore, #tpu.memory_space<semaphore_mem>>) src(%dma_wait3A_97 : memref<40xi32, #tpu.memory_space<hbm>>) dst(%arg11 : memref<40xi32, #tpu.memory_space<vmem>>)
          tpu.yield
        }) : () -> ()
        %dma_start3A_87 = arith.constant 0 : i32
        %dma_start3A_88 = arith.constant 0 : i32
        %dma_start3A_89 = tpu.memref_slice %arg2[%dma_start3A_87, %dma_start3A_88] : memref<10000x128xf32, #tpu.memory_space<hbm>> -> memref<10000x128xf32, #tpu.memory_space<hbm>>
        tpu.enqueue_indirect_dma source(%dma_start3A_89 : memref<10000x128xf32, #tpu.memory_space<hbm>>) target(%arg13 : memref<40x128xf32, #tpu.memory_space<vmem>>) offsets(%arg9 : memref<40xi32, #tpu.memory_space<vmem>>) semaphore(%arg18 : memref<!tpu.dma_semaphore, #tpu.memory_space<semaphore_mem>>)
        %dma_start3A_90 = arith.constant 0 : i32
        %dma_start3A_91 = tpu.memref_slice %arg5[%add3A_86, %dma_start3A_90] : memref<320000x16xf32, #tpu.memory_space<hbm>> -> memref<40x16xf32, #tpu.memory_space<hbm>>
        %dma_start3A_92 = arith.constant 0 : i32
        %dma_start3A_93 = tpu.memref_slice %arg5[%add3A_86, %dma_start3A_92] : memref<320000x16xf32, #tpu.memory_space<hbm>> -> memref<40x16xf32, #tpu.memory_space<hbm>>
        tpu.enqueue_dma source(%dma_start3A_93 : memref<40x16xf32, #tpu.memory_space<hbm>>) target(%arg15 : memref<40x16xf32, #tpu.memory_space<vmem>>) target_semaphore(%arg18 : memref<!tpu.dma_semaphore, #tpu.memory_space<semaphore_mem>>)
      } else {
      }
      %add3A_64 = arith.constant 1 : i32
      %add3A_65 = arith.addi %mul3A_30, %add3A_64 : i32
      %mul3A_66 = arith.constant 40 : i32
      %mul3A_67 = arith.muli %add3A_65, %mul3A_66 : i32
      %add3A_68 = arith.addi %mul3A_6, %mul3A_67 : i32
      %dma_wait3A_69 = arith.constant 0 : i32
      %dma_wait3A_70 = arith.constant 0 : i32
      %dma_wait3A_71 = tpu.memref_slice %arg2[%dma_wait3A_69, %dma_wait3A_70] : memref<10000x128xf32, #tpu.memory_space<hbm>> -> memref<10000x128xf32, #tpu.memory_space<hbm>>
      tpu.wait_indirect_dma semaphore(%arg19 : memref<!tpu.dma_semaphore, #tpu.memory_space<semaphore_mem>>) src(%dma_wait3A_71 : memref<10000x128xf32, #tpu.memory_space<hbm>>) dst(%arg14 : memref<40x128xf32, #tpu.memory_space<vmem>>)
      %dma_wait3A_72 = arith.constant 0 : i32
      %dma_wait3A_73 = tpu.memref_slice %arg5[%add3A_68, %dma_wait3A_72] : memref<320000x16xf32, #tpu.memory_space<hbm>> -> memref<40x16xf32, #tpu.memory_space<hbm>>
      %dma_wait3A_74 = arith.constant 0 : i32
      %dma_wait3A_75 = tpu.memref_slice %arg5[%add3A_68, %dma_wait3A_74] : memref<320000x16xf32, #tpu.memory_space<hbm>> -> memref<40x16xf32, #tpu.memory_space<hbm>>
      tpu.wait_dma2 semaphore(%arg19 : memref<!tpu.dma_semaphore, #tpu.memory_space<semaphore_mem>>) src(%dma_wait3A_75 : memref<40x16xf32, #tpu.memory_space<hbm>>) dst(%arg16 : memref<40x16xf32, #tpu.memory_space<vmem>>)
      %scan3A_76 = arith.constant 0 : i32
      %scan3A_77 = arith.constant 0 : i32
      %scan3A_78 = arith.constant 20 : i32
      %scan3A_79 = arith.addi %scan3A_77, %scan3A_78 : i32
      %scan3A_80 = arith.constant 1 : i32
      scf.for %scan3A_82 = %scan3A_77 to %scan3A_79 step %scan3A_80  : i32 {
        %mul3A_83 = arith.constant 2 : i32
        %mul3A_84 = arith.muli %mul3A_83, %scan3A_82 : i32
        %get3A = arith.index_cast %mul3A_84 : i32 to index
        %get3A_85 = arith.constant 0 : index
        %get3A_86 = tpu.vector_load %arg16[%get3A, %get3A_85] {strides = array<i32>} : memref<40x16xf32, #tpu.memory_space<vmem>>, vector<16xf32>,
        %slice3A = vector.extract_strided_slice %get3A_86 {offsets = [0], sizes = [1], strides = [1]} : vector<16xf32> to vector<1xf32>
        %squeeze3A = vector.extract %slice3A[0] : f32 from vector<1xf32>
        %get3A_87 = arith.index_cast %mul3A_84 : i32 to index
        %get3A_88 = arith.constant 0 : index
        %get3A_89 = tpu.vector_load %arg14[%get3A_87, %get3A_88] {strides = array<i32>} : memref<40x128xf32, #tpu.memory_space<vmem>>, vector<16xf32>,
        %mul3A_90 = vector.broadcast %squeeze3A : f32 to vector<16xf32>
        %mul3A_91 = arith.mulf %get3A_89, %mul3A_90 : vector<16xf32>
        %swap3A = arith.index_cast %mul3A_84 : i32 to index
        %swap3A_92 = arith.constant 0 : index
        %swap3A_93 = tpu.vector_load %arg17[%swap3A, %swap3A_92] {strides = array<i32>} : memref<40x128xf32, #tpu.memory_space<vmem>>, vector<16xf32>,
        tpu.vector_store %arg17[%swap3A, %swap3A_92], %mul3A_91 {strides = array<i32>} : memref<40x128xf32, #tpu.memory_space<vmem>>, vector<16xf32>,
        %get3A_94 = arith.index_cast %mul3A_84 : i32 to index
        %get3A_95 = arith.constant 16 : index
        %get3A_96 = tpu.vector_load %arg14[%get3A_94, %get3A_95] {strides = array<i32>} : memref<40x128xf32, #tpu.memory_space<vmem>>, vector<16xf32>,
        %mul3A_97 = vector.broadcast %squeeze3A : f32 to vector<16xf32>
        %mul3A_98 = arith.mulf %get3A_96, %mul3A_97 : vector<16xf32>
        %swap3A_99 = arith.index_cast %mul3A_84 : i32 to index
        %swap3A_100 = arith.constant 16 : index
        %swap3A_101 = tpu.vector_load %arg17[%swap3A_99, %swap3A_100] {strides = array<i32>} : memref<40x128xf32, #tpu.memory_space<vmem>>, vector<16xf32>,
        tpu.vector_store %arg17[%swap3A_99, %swap3A_100], %mul3A_98 {strides = array<i32>} : memref<40x128xf32, #tpu.memory_space<vmem>>, vector<16xf32>,
        %slice3A_102 = vector.extract_strided_slice %get3A_86 {offsets = [1], sizes = [1], strides = [1]} : vector<16xf32> to vector<1xf32>
        %squeeze3A_103 = vector.extract %slice3A_102[0] : f32 from vector<1xf32>
        %get3A_104 = arith.index_cast %mul3A_84 : i32 to index
        %get3A_105 = arith.constant 32 : index
        %get3A_106 = tpu.vector_load %arg14[%get3A_104, %get3A_105] {strides = array<i32>} : memref<40x128xf32, #tpu.memory_space<vmem>>, vector<16xf32>,
        %mul3A_107 = vector.broadcast %squeeze3A_103 : f32 to vector<16xf32>
        %mul3A_108 = arith.mulf %get3A_106, %mul3A_107 : vector<16xf32>
        %swap3A_109 = arith.index_cast %mul3A_84 : i32 to index
        %swap3A_110 = arith.constant 32 : index
        %swap3A_111 = tpu.vector_load %arg17[%swap3A_109, %swap3A_110] {strides = array<i32>} : memref<40x128xf32, #tpu.memory_space<vmem>>, vector<16xf32>,
        tpu.vector_store %arg17[%swap3A_109, %swap3A_110], %mul3A_108 {strides = array<i32>} : memref<40x128xf32, #tpu.memory_space<vmem>>, vector<16xf32>,
        %get3A_112 = arith.index_cast %mul3A_84 : i32 to index
        %get3A_113 = arith.constant 48 : index
        %get3A_114 = tpu.vector_load %arg14[%get3A_112, %get3A_113] {strides = array<i32>} : memref<40x128xf32, #tpu.memory_space<vmem>>, vector<16xf32>,
        %mul3A_115 = vector.broadcast %squeeze3A_103 : f32 to vector<16xf32>
        %mul3A_116 = arith.mulf %get3A_114, %mul3A_115 : vector<16xf32>
        %swap3A_117 = arith.index_cast %mul3A_84 : i32 to index
        %swap3A_118 = arith.constant 48 : index
        %swap3A_119 = tpu.vector_load %arg17[%swap3A_117, %swap3A_118] {strides = array<i32>} : memref<40x128xf32, #tpu.memory_space<vmem>>, vector<16xf32>,
        tpu.vector_store %arg17[%swap3A_117, %swap3A_118], %mul3A_116 {strides = array<i32>} : memref<40x128xf32, #tpu.memory_space<vmem>>, vector<16xf32>,
        %slice3A_120 = vector.extract_strided_slice %get3A_86 {offsets = [2], sizes = [1], strides = [1]} : vector<16xf32> to vector<1xf32>
        %squeeze3A_121 = vector.extract %slice3A_120[0] : f32 from vector<1xf32>
        %get3A_122 = arith.index_cast %mul3A_84 : i32 to index
        %get3A_123 = arith.constant 64 : index
        %get3A_124 = tpu.vector_load %arg14[%get3A_122, %get3A_123] {strides = array<i32>} : memref<40x128xf32, #tpu.memory_space<vmem>>, vector<16xf32>,
        %mul3A_125 = vector.broadcast %squeeze3A_121 : f32 to vector<16xf32>
        %mul3A_126 = arith.mulf %get3A_124, %mul3A_125 : vector<16xf32>
        %swap3A_127 = arith.index_cast %mul3A_84 : i32 to index
        %swap3A_128 = arith.constant 64 : index
        %swap3A_129 = tpu.vector_load %arg17[%swap3A_127, %swap3A_128] {strides = array<i32>} : memref<40x128xf32, #tpu.memory_space<vmem>>, vector<16xf32>,
        tpu.vector_store %arg17[%swap3A_127, %swap3A_128], %mul3A_126 {strides = array<i32>} : memref<40x128xf32, #tpu.memory_space<vmem>>, vector<16xf32>,
        %get3A_130 = arith.index_cast %mul3A_84 : i32 to index
        %get3A_131 = arith.constant 80 : index
        %get3A_132 = tpu.vector_load %arg14[%get3A_130, %get3A_131] {strides = array<i32>} : memref<40x128xf32, #tpu.memory_space<vmem>>, vector<16xf32>,
        %mul3A_133 = vector.broadcast %squeeze3A_121 : f32 to vector<16xf32>
        %mul3A_134 = arith.mulf %get3A_132, %mul3A_133 : vector<16xf32>
        %swap3A_135 = arith.index_cast %mul3A_84 : i32 to index
        %swap3A_136 = arith.constant 80 : index
        %swap3A_137 = tpu.vector_load %arg17[%swap3A_135, %swap3A_136] {strides = array<i32>} : memref<40x128xf32, #tpu.memory_space<vmem>>, vector<16xf32>,
        tpu.vector_store %arg17[%swap3A_135, %swap3A_136], %mul3A_134 {strides = array<i32>} : memref<40x128xf32, #tpu.memory_space<vmem>>, vector<16xf32>,
        %slice3A_138 = vector.extract_strided_slice %get3A_86 {offsets = [3], sizes = [1], strides = [1]} : vector<16xf32> to vector<1xf32>
        %squeeze3A_139 = vector.extract %slice3A_138[0] : f32 from vector<1xf32>
        %get3A_140 = arith.index_cast %mul3A_84 : i32 to index
        %get3A_141 = arith.constant 96 : index
        %get3A_142 = tpu.vector_load %arg14[%get3A_140, %get3A_141] {strides = array<i32>} : memref<40x128xf32, #tpu.memory_space<vmem>>, vector<16xf32>,
        %mul3A_143 = vector.broadcast %squeeze3A_139 : f32 to vector<16xf32>
        %mul3A_144 = arith.mulf %get3A_142, %mul3A_143 : vector<16xf32>
        %swap3A_145 = arith.index_cast %mul3A_84 : i32 to index
        %swap3A_146 = arith.constant 96 : index
        %swap3A_147 = tpu.vector_load %arg17[%swap3A_145, %swap3A_146] {strides = array<i32>} : memref<40x128xf32, #tpu.memory_space<vmem>>, vector<16xf32>,
        tpu.vector_store %arg17[%swap3A_145, %swap3A_146], %mul3A_144 {strides = array<i32>} : memref<40x128xf32, #tpu.memory_space<vmem>>, vector<16xf32>,
        %get3A_148 = arith.index_cast %mul3A_84 : i32 to index
        %get3A_149 = arith.constant 112 : index
        %get3A_150 = tpu.vector_load %arg14[%get3A_148, %get3A_149] {strides = array<i32>} : memref<40x128xf32, #tpu.memory_space<vmem>>, vector<16xf32>,
        %mul3A_151 = vector.broadcast %squeeze3A_139 : f32 to vector<16xf32>
        %mul3A_152 = arith.mulf %get3A_150, %mul3A_151 : vector<16xf32>
        %swap3A_153 = arith.index_cast %mul3A_84 : i32 to index
        %swap3A_154 = arith.constant 112 : index
        %swap3A_155 = tpu.vector_load %arg17[%swap3A_153, %swap3A_154] {strides = array<i32>} : memref<40x128xf32, #tpu.memory_space<vmem>>, vector<16xf32>,
        tpu.vector_store %arg17[%swap3A_153, %swap3A_154], %mul3A_152 {strides = array<i32>} : memref<40x128xf32, #tpu.memory_space<vmem>>, vector<16xf32>,
        %mul3A_156 = arith.constant 2 : i32
        %mul3A_157 = arith.muli %mul3A_156, %scan3A_82 : i32
        %add3A_158 = arith.constant 1 : i32
        %add3A_159 = arith.addi %mul3A_157, %add3A_158 : i32
        %get3A_160 = arith.index_cast %add3A_159 : i32 to index
        %get3A_161 = arith.constant 0 : index
        %get3A_162 = tpu.vector_load %arg16[%get3A_160, %get3A_161] {strides = array<i32>} : memref<40x16xf32, #tpu.memory_space<vmem>>, vector<16xf32>,
        %slice3A_163 = vector.extract_strided_slice %get3A_162 {offsets = [0], sizes = [1], strides = [1]} : vector<16xf32> to vector<1xf32>
        %squeeze3A_164 = vector.extract %slice3A_163[0] : f32 from vector<1xf32>
        %get3A_165 = arith.index_cast %add3A_159 : i32 to index
        %get3A_166 = arith.constant 0 : index
        %get3A_167 = tpu.vector_load %arg14[%get3A_165, %get3A_166] {strides = array<i32>} : memref<40x128xf32, #tpu.memory_space<vmem>>, vector<16xf32>,
        %mul3A_168 = vector.broadcast %squeeze3A_164 : f32 to vector<16xf32>
        %mul3A_169 = arith.mulf %get3A_167, %mul3A_168 : vector<16xf32>
        %swap3A_170 = arith.index_cast %add3A_159 : i32 to index
        %swap3A_171 = arith.constant 0 : index
        %swap3A_172 = tpu.vector_load %arg17[%swap3A_170, %swap3A_171] {strides = array<i32>} : memref<40x128xf32, #tpu.memory_space<vmem>>, vector<16xf32>,
        tpu.vector_store %arg17[%swap3A_170, %swap3A_171], %mul3A_169 {strides = array<i32>} : memref<40x128xf32, #tpu.memory_space<vmem>>, vector<16xf32>,
        %get3A_173 = arith.index_cast %add3A_159 : i32 to index
        %get3A_174 = arith.constant 16 : index
        %get3A_175 = tpu.vector_load %arg14[%get3A_173, %get3A_174] {strides = array<i32>} : memref<40x128xf32, #tpu.memory_space<vmem>>, vector<16xf32>,
        %mul3A_176 = vector.broadcast %squeeze3A_164 : f32 to vector<16xf32>
        %mul3A_177 = arith.mulf %get3A_175, %mul3A_176 : vector<16xf32>
        %swap3A_178 = arith.index_cast %add3A_159 : i32 to index
        %swap3A_179 = arith.constant 16 : index
        %swap3A_180 = tpu.vector_load %arg17[%swap3A_178, %swap3A_179] {strides = array<i32>} : memref<40x128xf32, #tpu.memory_space<vmem>>, vector<16xf32>,
        tpu.vector_store %arg17[%swap3A_178, %swap3A_179], %mul3A_177 {strides = array<i32>} : memref<40x128xf32, #tpu.memory_space<vmem>>, vector<16xf32>,
        %slice3A_181 = vector.extract_strided_slice %get3A_162 {offsets = [1], sizes = [1], strides = [1]} : vector<16xf32> to vector<1xf32>
        %squeeze3A_182 = vector.extract %slice3A_181[0] : f32 from vector<1xf32>
        %get3A_183 = arith.index_cast %add3A_159 : i32 to index
        %get3A_184 = arith.constant 32 : index
        %get3A_185 = tpu.vector_load %arg14[%get3A_183, %get3A_184] {strides = array<i32>} : memref<40x128xf32, #tpu.memory_space<vmem>>, vector<16xf32>,
        %mul3A_186 = vector.broadcast %squeeze3A_182 : f32 to vector<16xf32>
        %mul3A_187 = arith.mulf %get3A_185, %mul3A_186 : vector<16xf32>
        %swap3A_188 = arith.index_cast %add3A_159 : i32 to index
        %swap3A_189 = arith.constant 32 : index
        %swap3A_190 = tpu.vector_load %arg17[%swap3A_188, %swap3A_189] {strides = array<i32>} : memref<40x128xf32, #tpu.memory_space<vmem>>, vector<16xf32>,
        tpu.vector_store %arg17[%swap3A_188, %swap3A_189], %mul3A_187 {strides = array<i32>} : memref<40x128xf32, #tpu.memory_space<vmem>>, vector<16xf32>,
        %get3A_191 = arith.index_cast %add3A_159 : i32 to index
        %get3A_192 = arith.constant 48 : index
        %get3A_193 = tpu.vector_load %arg14[%get3A_191, %get3A_192] {strides = array<i32>} : memref<40x128xf32, #tpu.memory_space<vmem>>, vector<16xf32>,
        %mul3A_194 = vector.broadcast %squeeze3A_182 : f32 to vector<16xf32>
        %mul3A_195 = arith.mulf %get3A_193, %mul3A_194 : vector<16xf32>
        %swap3A_196 = arith.index_cast %add3A_159 : i32 to index
        %swap3A_197 = arith.constant 48 : index
        %swap3A_198 = tpu.vector_load %arg17[%swap3A_196, %swap3A_197] {strides = array<i32>} : memref<40x128xf32, #tpu.memory_space<vmem>>, vector<16xf32>,
        tpu.vector_store %arg17[%swap3A_196, %swap3A_197], %mul3A_195 {strides = array<i32>} : memref<40x128xf32, #tpu.memory_space<vmem>>, vector<16xf32>,
        %slice3A_199 = vector.extract_strided_slice %get3A_162 {offsets = [2], sizes = [1], strides = [1]} : vector<16xf32> to vector<1xf32>
        %squeeze3A_200 = vector.extract %slice3A_199[0] : f32 from vector<1xf32>
        %get3A_201 = arith.index_cast %add3A_159 : i32 to index
        %get3A_202 = arith.constant 64 : index
        %get3A_203 = tpu.vector_load %arg14[%get3A_201, %get3A_202] {strides = array<i32>} : memref<40x128xf32, #tpu.memory_space<vmem>>, vector<16xf32>,
        %mul3A_204 = vector.broadcast %squeeze3A_200 : f32 to vector<16xf32>
        %mul3A_205 = arith.mulf %get3A_203, %mul3A_204 : vector<16xf32>
        %swap3A_206 = arith.index_cast %add3A_159 : i32 to index
        %swap3A_207 = arith.constant 64 : index
        %swap3A_208 = tpu.vector_load %arg17[%swap3A_206, %swap3A_207] {strides = array<i32>} : memref<40x128xf32, #tpu.memory_space<vmem>>, vector<16xf32>,
        tpu.vector_store %arg17[%swap3A_206, %swap3A_207], %mul3A_205 {strides = array<i32>} : memref<40x128xf32, #tpu.memory_space<vmem>>, vector<16xf32>,
        %get3A_209 = arith.index_cast %add3A_159 : i32 to index
        %get3A_210 = arith.constant 80 : index
        %get3A_211 = tpu.vector_load %arg14[%get3A_209, %get3A_210] {strides = array<i32>} : memref<40x128xf32, #tpu.memory_space<vmem>>, vector<16xf32>,
        %mul3A_212 = vector.broadcast %squeeze3A_200 : f32 to vector<16xf32>
        %mul3A_213 = arith.mulf %get3A_211, %mul3A_212 : vector<16xf32>
        %swap3A_214 = arith.index_cast %add3A_159 : i32 to index
        %swap3A_215 = arith.constant 80 : index
        %swap3A_216 = tpu.vector_load %arg17[%swap3A_214, %swap3A_215] {strides = array<i32>} : memref<40x128xf32, #tpu.memory_space<vmem>>, vector<16xf32>,
        tpu.vector_store %arg17[%swap3A_214, %swap3A_215], %mul3A_213 {strides = array<i32>} : memref<40x128xf32, #tpu.memory_space<vmem>>, vector<16xf32>,
        %slice3A_217 = vector.extract_strided_slice %get3A_162 {offsets = [3], sizes = [1], strides = [1]} : vector<16xf32> to vector<1xf32>
        %squeeze3A_218 = vector.extract %slice3A_217[0] : f32 from vector<1xf32>
        %get3A_219 = arith.index_cast %add3A_159 : i32 to index
        %get3A_220 = arith.constant 96 : index
        %get3A_221 = tpu.vector_load %arg14[%get3A_219, %get3A_220] {strides = array<i32>} : memref<40x128xf32, #tpu.memory_space<vmem>>, vector<16xf32>,
        %mul3A_222 = vector.broadcast %squeeze3A_218 : f32 to vector<16xf32>
        %mul3A_223 = arith.mulf %get3A_221, %mul3A_222 : vector<16xf32>
        %swap3A_224 = arith.index_cast %add3A_159 : i32 to index
        %swap3A_225 = arith.constant 96 : index
        %swap3A_226 = tpu.vector_load %arg17[%swap3A_224, %swap3A_225] {strides = array<i32>} : memref<40x128xf32, #tpu.memory_space<vmem>>, vector<16xf32>,
        tpu.vector_store %arg17[%swap3A_224, %swap3A_225], %mul3A_223 {strides = array<i32>} : memref<40x128xf32, #tpu.memory_space<vmem>>, vector<16xf32>,
        %get3A_227 = arith.index_cast %add3A_159 : i32 to index
        %get3A_228 = arith.constant 112 : index
        %get3A_229 = tpu.vector_load %arg14[%get3A_227, %get3A_228] {strides = array<i32>} : memref<40x128xf32, #tpu.memory_space<vmem>>, vector<16xf32>,
        %mul3A_230 = vector.broadcast %squeeze3A_218 : f32 to vector<16xf32>
        %mul3A_231 = arith.mulf %get3A_229, %mul3A_230 : vector<16xf32>
        %swap3A_232 = arith.index_cast %add3A_159 : i32 to index
        %swap3A_233 = arith.constant 112 : index
        %swap3A_234 = tpu.vector_load %arg17[%swap3A_232, %swap3A_233] {strides = array<i32>} : memref<40x128xf32, #tpu.memory_space<vmem>>, vector<16xf32>,
        tpu.vector_store %arg17[%swap3A_232, %swap3A_233], %mul3A_231 {strides = array<i32>} : memref<40x128xf32, #tpu.memory_space<vmem>>, vector<16xf32>,
      }
      %scan3A_81 = arith.constant 20 : i32
      "tpu.region"() ({
        %run_scoped3A = tpu.sem_alloc : memref<!tpu.dma_semaphore, #tpu.memory_space<semaphore_mem>>
        %dma_start3A_82 = arith.constant 0 : i32
        %dma_start3A_83 = arith.constant 0 : i32
        %dma_start3A_84 = tpu.memref_slice %arg20[%dma_start3A_82, %dma_start3A_83] : memref<10240x128xf32, #tpu.memory_space<vmem_shared>> -> memref<10240x128xf32, #tpu.memory_space<vmem_shared>>
        tpu.enqueue_indirect_dma source(%arg17 : memref<40x128xf32, #tpu.memory_space<vmem>>) target(%dma_start3A_84 : memref<10240x128xf32, #tpu.memory_space<vmem_shared>>) offsets(%arg12 : memref<40xi32, #tpu.memory_space<vmem>>) semaphore(%run_scoped3A : memref<!tpu.dma_semaphore, #tpu.memory_space<semaphore_mem>>) {add = true}
        %dma_wait3A_85 = arith.constant 0 : i32
        %dma_wait3A_86 = arith.constant 0 : i32
        %dma_wait3A_87 = tpu.memref_slice %arg20[%dma_wait3A_85, %dma_wait3A_86] : memref<10240x128xf32, #tpu.memory_space<vmem_shared>> -> memref<10240x128xf32, #tpu.memory_space<vmem_shared>>
        tpu.wait_indirect_dma semaphore(%run_scoped3A : memref<!tpu.dma_semaphore, #tpu.memory_space<semaphore_mem>>) src(%arg17 : memref<40x128xf32, #tpu.memory_space<vmem>>) dst(%dma_wait3A_87 : memref<10240x128xf32, #tpu.memory_space<vmem_shared>>)
        tpu.yield
      }) : () -> ()
    }
    %scan3A_19 = arith.constant 125 : i32
    %barrier3A_20 = arith.constant 0 : index
    tpu.barrier barrier_id(%barrier3A_20)
    %eq3A = arith.constant 0 : i32
    %eq3A_21 = arith.cmpi eq, %arg0, %eq3A : i32
    %convert_element_type3A = arith.extui %eq3A_21 : i1 to i32
    %cond3A = arith.constant 0 : i32
    %cond3A_22 = arith.cmpi ne, %convert_element_type3A, %cond3A : i32
    scf.if %cond3A_22 {
      %mul3A_28 = arith.constant 640 : i32
      %mul3A_29 = arith.muli %arg1, %mul3A_28 : i32
      %mul3A_30 = arith.constant 640 : i32
      %mul3A_31 = arith.muli %arg1, %mul3A_30 : i32
      "tpu.region"() ({
        %run_scoped3A = tpu.sem_alloc : memref<!tpu.dma_semaphore, #tpu.memory_space<semaphore_mem>>
        %dma_start3A_32 = arith.constant 0 : i32
        %dma_start3A_33 = tpu.memref_slice %arg7[%mul3A_31, %dma_start3A_32] : memref<10240x128xf32, #tpu.memory_space<hbm>> -> memref<640x128xf32, #tpu.memory_space<hbm>>
        %dma_start3A_34 = arith.constant 0 : i32
        %dma_start3A_35 = tpu.memref_slice %arg20[%mul3A_29, %dma_start3A_34] : memref<10240x128xf32, #tpu.memory_space<vmem_shared>> -> memref<640x128xf32, #tpu.memory_space<vmem_shared>>
        tpu.enqueue_dma source(%dma_start3A_35 : memref<640x128xf32, #tpu.memory_space<vmem_shared>>) target(%dma_start3A_33 : memref<640x128xf32, #tpu.memory_space<hbm>>) target_semaphore(%run_scoped3A : memref<!tpu.dma_semaphore, #tpu.memory_space<semaphore_mem>>)
        %dma_wait3A = arith.constant 0 : i32
        %dma_wait3A_36 = tpu.memref_slice %arg7[%mul3A_31, %dma_wait3A] : memref<10240x128xf32, #tpu.memory_space<hbm>> -> memref<640x128xf32, #tpu.memory_space<hbm>>
        %dma_wait3A_37 = arith.constant 0 : i32
        %dma_wait3A_38 = tpu.memref_slice %arg20[%mul3A_29, %dma_wait3A_37] : memref<10240x128xf32, #tpu.memory_space<vmem_shared>> -> memref<640x128xf32, #tpu.memory_space<vmem_shared>>
        tpu.wait_dma2 semaphore(%run_scoped3A : memref<!tpu.dma_semaphore, #tpu.memory_space<semaphore_mem>>) src(%dma_wait3A_38 : memref<640x128xf32, #tpu.memory_space<vmem_shared>>) dst(%dma_wait3A_36 : memref<640x128xf32, #tpu.memory_space<hbm>>)
        tpu.yield
      }) : () -> ()
    } else {
    }
    %eq3A_23 = arith.constant 1 : i32
    %eq3A_24 = arith.cmpi eq, %arg0, %eq3A_23 : i32
    %convert_element_type3A_25 = arith.extui %eq3A_24 : i1 to i32
    %cond3A_26 = arith.constant 0 : i32
    %cond3A_27 = arith.cmpi ne, %convert_element_type3A_25, %cond3A_26 : i32
    scf.if %cond3A_27 {
      %mul3A_28 = arith.constant 640 : i32
      %mul3A_29 = arith.muli %arg1, %mul3A_28 : i32
      %mul3A_30 = arith.constant 640 : i32
      %mul3A_31 = arith.muli %arg1, %mul3A_30 : i32
      "tpu.region"() ({
        %run_scoped3A = tpu.sem_alloc : memref<!tpu.dma_semaphore, #tpu.memory_space<semaphore_mem>>
        %dma_start3A_32 = arith.constant 0 : i32
        %dma_start3A_33 = tpu.memref_slice %arg8[%mul3A_31, %dma_start3A_32] : memref<10240x128xf32, #tpu.memory_space<hbm>> -> memref<640x128xf32, #tpu.memory_space<hbm>>
        %dma_start3A_34 = arith.constant 0 : i32
        %dma_start3A_35 = tpu.memref_slice %arg20[%mul3A_29, %dma_start3A_34] : memref<10240x128xf32, #tpu.memory_space<vmem_shared>> -> memref<640x128xf32, #tpu.memory_space<vmem_shared>>
        tpu.enqueue_dma source(%dma_start3A_35 : memref<640x128xf32, #tpu.memory_space<vmem_shared>>) target(%dma_start3A_33 : memref<640x128xf32, #tpu.memory_space<hbm>>) target_semaphore(%run_scoped3A : memref<!tpu.dma_semaphore, #tpu.memory_space<semaphore_mem>>)
        %dma_wait3A = arith.constant 0 : i32
        %dma_wait3A_36 = tpu.memref_slice %arg8[%mul3A_31, %dma_wait3A] : memref<10240x128xf32, #tpu.memory_space<hbm>> -> memref<640x128xf32, #tpu.memory_space<hbm>>
        %dma_wait3A_37 = arith.constant 0 : i32
        %dma_wait3A_38 = tpu.memref_slice %arg20[%mul3A_29, %dma_wait3A_37] : memref<10240x128xf32, #tpu.memory_space<vmem_shared>> -> memref<640x128xf32, #tpu.memory_space<vmem_shared>>
        tpu.wait_dma2 semaphore(%run_scoped3A : memref<!tpu.dma_semaphore, #tpu.memory_space<semaphore_mem>>) src(%dma_wait3A_38 : memref<640x128xf32, #tpu.memory_space<vmem_shared>>) dst(%dma_wait3A_36 : memref<640x128xf32, #tpu.memory_space<hbm>>)
        tpu.yield
      }) : () -> ()
    } else {
    }
    return
  }
}

module attributes {stable_mosaic.version = 14 : i64} {
  func.func @_pre_body(%arg0: i32, %arg1: memref<2000x128xf32, #tpu.memory_space<vmem>>, %arg2: memref<1x128xf32, #tpu.memory_space<vmem>>, %arg3: memref<1x128xf32, #tpu.memory_space<vmem>>, %arg4: memref<128x128xf32, #tpu.memory_space<vmem>>, %arg5: memref<1x128xf32, #tpu.memory_space<vmem>>, %arg6: memref<128x128xf32, #tpu.memory_space<vmem>>, %arg7: memref<1x128xf32, #tpu.memory_space<vmem>>, %arg8: memref<2000x128xf32, #tpu.memory_space<vmem>>, %arg9: memref<2000x128xf32, #tpu.memory_space<vmem>>) attributes {dimension_semantics = [#tpu.dimension_semantics<arbitrary>], iteration_bounds = array<i64: 5>, scalar_prefetch = 0 : i64, scratch_operands = 0 : i64, tpu.core_type = #tpu.core_type<tc>, window_params = [{transform_indices = @transform_0, window_bounds = array<i64: 2000, 128>}, {pipeline_mode = #tpu.pipeline_mode<synchronous>, transform_indices = @transform_1, window_bounds = array<i64: 1, 128>}, {pipeline_mode = #tpu.pipeline_mode<synchronous>, transform_indices = @transform_2, window_bounds = array<i64: 1, 128>}, {pipeline_mode = #tpu.pipeline_mode<synchronous>, transform_indices = @transform_3, window_bounds = array<i64: 128, 128>}, {pipeline_mode = #tpu.pipeline_mode<synchronous>, transform_indices = @transform_4, window_bounds = array<i64: 1, 128>}, {pipeline_mode = #tpu.pipeline_mode<synchronous>, transform_indices = @transform_5, window_bounds = array<i64: 128, 128>}, {pipeline_mode = #tpu.pipeline_mode<synchronous>, transform_indices = @transform_6, window_bounds = array<i64: 1, 128>}, {transform_indices = @transform_7, window_bounds = array<i64: 2000, 128>}, {transform_indices = @transform_8, window_bounds = array<i64: 2000, 128>}]} {
    %get3A = arith.constant 0 : index
    %get3A_0 = arith.constant 0 : index
    %get3A_1 = vector.load %arg1[%get3A, %get3A_0] : memref<2000x128xf32, #tpu.memory_space<vmem>>, vector<2000x128xf32>
    %reduce_sum3A = arith.constant dense<0.000000e+00> : vector<2000xf32>
    %reduce_sum3A_2 = vector.multi_reduction <add>, %get3A_1, %reduce_sum3A [1] : vector<2000x128xf32> to vector<2000xf32>
    %broadcast_in_dim3A = vector.shape_cast %reduce_sum3A_2 : vector<2000xf32> to vector<2000x1xf32>
    %div3A = arith.constant 1.280000e+02 : f32
    %div3A_3 = vector.broadcast %div3A : f32 to vector<2000x1xf32>
    %div3A_4 = arith.divf %broadcast_in_dim3A, %div3A_3 : vector<2000x1xf32>
    %sub3A = vector.broadcast %div3A_4 : vector<2000x1xf32> to vector<2000x128xf32>
    %sub3A_5 = arith.subf %get3A_1, %sub3A : vector<2000x128xf32>
    %mul3A = arith.mulf %sub3A_5, %sub3A_5 : vector<2000x128xf32>
    %reduce_sum3A_6 = arith.constant dense<0.000000e+00> : vector<2000xf32>
    %reduce_sum3A_7 = vector.multi_reduction <add>, %mul3A, %reduce_sum3A_6 [1] : vector<2000x128xf32> to vector<2000xf32>
    %broadcast_in_dim3A_8 = vector.shape_cast %reduce_sum3A_7 : vector<2000xf32> to vector<2000x1xf32>
    %div3A_9 = arith.constant 1.280000e+02 : f32
    %div3A_10 = vector.broadcast %div3A_9 : f32 to vector<2000x1xf32>
    %div3A_11 = arith.divf %broadcast_in_dim3A_8, %div3A_10 : vector<2000x1xf32>
    %add3A = arith.constant 9.99999974E-6 : f32
    %add3A_12 = vector.broadcast %add3A : f32 to vector<2000x1xf32>
    %add3A_13 = arith.addf %div3A_11, %add3A_12 : vector<2000x1xf32>
    %rsqrt3A = math.rsqrt %add3A_13 : vector<2000x1xf32>
    %mul3A_14 = vector.broadcast %rsqrt3A : vector<2000x1xf32> to vector<2000x128xf32>
    %mul3A_15 = arith.mulf %sub3A_5, %mul3A_14 : vector<2000x128xf32>
    %get3A_16 = arith.constant 0 : index
    %get3A_17 = arith.constant 0 : index
    %get3A_18 = vector.load %arg2[%get3A_16, %get3A_17] : memref<1x128xf32, #tpu.memory_space<vmem>>, vector<1x128xf32>
    %mul3A_19 = vector.broadcast %get3A_18 : vector<1x128xf32> to vector<2000x128xf32>
    %mul3A_20 = arith.mulf %mul3A_15, %mul3A_19 : vector<2000x128xf32>
    %get3A_21 = arith.constant 0 : index
    %get3A_22 = arith.constant 0 : index
    %get3A_23 = vector.load %arg3[%get3A_21, %get3A_22] : memref<1x128xf32, #tpu.memory_space<vmem>>, vector<1x128xf32>
    %add3A_24 = vector.broadcast %get3A_23 : vector<1x128xf32> to vector<2000x128xf32>
    %add3A_25 = arith.addf %mul3A_20, %add3A_24 : vector<2000x128xf32>
    %get3A_26 = arith.constant 0 : index
    %get3A_27 = arith.constant 0 : index
    %get3A_28 = vector.load %arg4[%get3A_26, %get3A_27] : memref<128x128xf32, #tpu.memory_space<vmem>>, vector<128x128xf32>
    %dot_general3A = arith.constant dense<0.000000e+00> : vector<2000x128xf32>
    %dot_general3A_29 = tpu.matmul %add3A_25, %get3A_28, %dot_general3A {dimension_numbers = #tpu.dot_dimension_numbers<[1], [0], [0], [1], [0, 0, 1, 1], [], []>, transpose_lhs_hint = false} : vector<2000x128xf32>, vector<128x128xf32>, vector<2000x128xf32> -> vector<2000x128xf32>
    %get3A_30 = arith.constant 0 : index
    %get3A_31 = arith.constant 0 : index
    %get3A_32 = vector.load %arg5[%get3A_30, %get3A_31] : memref<1x128xf32, #tpu.memory_space<vmem>>, vector<1x128xf32>
    %add3A_33 = vector.broadcast %get3A_32 : vector<1x128xf32> to vector<2000x128xf32>
    %add3A_34 = arith.addf %dot_general3A_29, %add3A_33 : vector<2000x128xf32>
    %swap3A = arith.constant 0 : index
    %swap3A_35 = arith.constant 0 : index
    %swap3A_36 = vector.load %arg8[%swap3A, %swap3A_35] : memref<2000x128xf32, #tpu.memory_space<vmem>>, vector<2000x128xf32>
    tpu.vector_store %arg8[%swap3A, %swap3A_35], %add3A_34 {strides = array<i32>} : memref<2000x128xf32, #tpu.memory_space<vmem>>, vector<2000x128xf32>,
    %get3A_37 = arith.constant 0 : index
    %get3A_38 = arith.constant 0 : index
    %get3A_39 = vector.load %arg6[%get3A_37, %get3A_38] : memref<128x128xf32, #tpu.memory_space<vmem>>, vector<128x128xf32>
    %dot_general3A_40 = arith.constant dense<0.000000e+00> : vector<2000x128xf32>
    %dot_general3A_41 = tpu.matmul %add3A_25, %get3A_39, %dot_general3A_40 {dimension_numbers = #tpu.dot_dimension_numbers<[1], [0], [0], [1], [0, 0, 1, 1], [], []>, transpose_lhs_hint = false} : vector<2000x128xf32>, vector<128x128xf32>, vector<2000x128xf32> -> vector<2000x128xf32>
    %get3A_42 = arith.constant 0 : index
    %get3A_43 = arith.constant 0 : index
    %get3A_44 = vector.load %arg7[%get3A_42, %get3A_43] : memref<1x128xf32, #tpu.memory_space<vmem>>, vector<1x128xf32>
    %add3A_45 = vector.broadcast %get3A_44 : vector<1x128xf32> to vector<2000x128xf32>
    %add3A_46 = arith.addf %dot_general3A_41, %add3A_45 : vector<2000x128xf32>
    %swap3A_47 = arith.constant 0 : index
    %swap3A_48 = arith.constant 0 : index
    %swap3A_49 = vector.load %arg9[%swap3A_47, %swap3A_48] : memref<2000x128xf32, #tpu.memory_space<vmem>>, vector<2000x128xf32>
    tpu.vector_store %arg9[%swap3A_47, %swap3A_48], %add3A_46 {strides = array<i32>} : memref<2000x128xf32, #tpu.memory_space<vmem>>, vector<2000x128xf32>,
    return
  }
  func.func @transform_0(%arg0: i32) -> (i32, i32) {
    %c0_i32 = arith.constant 0 : i32
    %c0_i32_0 = arith.constant 0 : i32
    return %arg0, %c0_i32 : i32, i32
  }
  func.func @transform_1(%arg0: i32) -> (i32, i32) {
    %c0_i32 = arith.constant 0 : i32
    %c0_i32_0 = arith.constant 0 : i32
    %c0_i32_1 = arith.constant 0 : i32
    return %c0_i32, %c0_i32_0 : i32, i32
  }
  func.func @transform_2(%arg0: i32) -> (i32, i32) {
    %c0_i32 = arith.constant 0 : i32
    %c0_i32_0 = arith.constant 0 : i32
    %c0_i32_1 = arith.constant 0 : i32
    return %c0_i32, %c0_i32_0 : i32, i32
  }
  func.func @transform_3(%arg0: i32) -> (i32, i32) {
    %c0_i32 = arith.constant 0 : i32
    %c0_i32_0 = arith.constant 0 : i32
    %c0_i32_1 = arith.constant 0 : i32
    return %c0_i32, %c0_i32_0 : i32, i32
  }
  func.func @transform_4(%arg0: i32) -> (i32, i32) {
    %c0_i32 = arith.constant 0 : i32
    %c0_i32_0 = arith.constant 0 : i32
    %c0_i32_1 = arith.constant 0 : i32
    return %c0_i32, %c0_i32_0 : i32, i32
  }
  func.func @transform_5(%arg0: i32) -> (i32, i32) {
    %c0_i32 = arith.constant 0 : i32
    %c0_i32_0 = arith.constant 0 : i32
    %c0_i32_1 = arith.constant 0 : i32
    return %c0_i32, %c0_i32_0 : i32, i32
  }
  func.func @transform_6(%arg0: i32) -> (i32, i32) {
    %c0_i32 = arith.constant 0 : i32
    %c0_i32_0 = arith.constant 0 : i32
    %c0_i32_1 = arith.constant 0 : i32
    return %c0_i32, %c0_i32_0 : i32, i32
  }
  func.func @transform_7(%arg0: i32) -> (i32, i32) {
    %c0_i32 = arith.constant 0 : i32
    %c0_i32_0 = arith.constant 0 : i32
    return %arg0, %c0_i32 : i32, i32
  }
  func.func @transform_8(%arg0: i32) -> (i32, i32) {
    %c0_i32 = arith.constant 0 : i32
    %c0_i32_0 = arith.constant 0 : i32
    return %arg0, %c0_i32 : i32, i32
  }
}

module attributes {stable_mosaic.version = 14 : i64} {
  func.func @_post_body(%arg0: i32, %arg1: memref<2000x128xf32, #tpu.memory_space<vmem>>, %arg2: memref<2000x128xf32, #tpu.memory_space<vmem>>, %arg3: memref<2000x128xf32, #tpu.memory_space<vmem>>, %arg4: memref<2000x128xf32, #tpu.memory_space<vmem>>, %arg5: memref<2000x128xf32, #tpu.memory_space<vmem>>, %arg6: memref<128x128xf32, #tpu.memory_space<vmem>>, %arg7: memref<1x128xf32, #tpu.memory_space<vmem>>, %arg8: memref<2000x128xf32, #tpu.memory_space<vmem>>) attributes {dimension_semantics = [#tpu.dimension_semantics<arbitrary>], iteration_bounds = array<i64: 5>, scalar_prefetch = 0 : i64, scratch_operands = 0 : i64, tpu.core_type = #tpu.core_type<tc>, window_params = [{transform_indices = @transform_0, window_bounds = array<i64: 2000, 128>}, {transform_indices = @transform_1, window_bounds = array<i64: 2000, 128>}, {transform_indices = @transform_2, window_bounds = array<i64: 2000, 128>}, {transform_indices = @transform_3, window_bounds = array<i64: 2000, 128>}, {transform_indices = @transform_4, window_bounds = array<i64: 2000, 128>}, {pipeline_mode = #tpu.pipeline_mode<synchronous>, transform_indices = @transform_5, window_bounds = array<i64: 128, 128>}, {pipeline_mode = #tpu.pipeline_mode<synchronous>, transform_indices = @transform_6, window_bounds = array<i64: 1, 128>}, {transform_indices = @transform_7, window_bounds = array<i64: 2000, 128>}]} {
    %get3A = arith.constant 0 : index
    %get3A_0 = arith.constant 0 : index
    %get3A_1 = vector.load %arg4[%get3A, %get3A_0] : memref<2000x128xf32, #tpu.memory_space<vmem>>, vector<2000x128xf32>
    %get3A_2 = arith.constant 0 : index
    %get3A_3 = arith.constant 0 : index
    %get3A_4 = vector.load %arg5[%get3A_2, %get3A_3] : memref<2000x128xf32, #tpu.memory_space<vmem>>, vector<2000x128xf32>
    %add3A = arith.addf %get3A_1, %get3A_4 : vector<2000x128xf32>
    %get3A_5 = arith.constant 0 : index
    %get3A_6 = arith.constant 0 : index
    %get3A_7 = vector.load %arg6[%get3A_5, %get3A_6] : memref<128x128xf32, #tpu.memory_space<vmem>>, vector<128x128xf32>
    %dot_general3A = arith.constant dense<0.000000e+00> : vector<2000x128xf32>
    %dot_general3A_8 = tpu.matmul %add3A, %get3A_7, %dot_general3A {dimension_numbers = #tpu.dot_dimension_numbers<[1], [0], [0], [1], [0, 0, 1, 1], [], []>, transpose_lhs_hint = false} : vector<2000x128xf32>, vector<128x128xf32>, vector<2000x128xf32> -> vector<2000x128xf32>
    %get3A_9 = arith.constant 0 : index
    %get3A_10 = arith.constant 0 : index
    %get3A_11 = vector.load %arg2[%get3A_9, %get3A_10] : memref<2000x128xf32, #tpu.memory_space<vmem>>, vector<2000x128xf32>
    %get3A_12 = arith.constant 0 : index
    %get3A_13 = arith.constant 0 : index
    %get3A_14 = vector.load %arg3[%get3A_12, %get3A_13] : memref<2000x128xf32, #tpu.memory_space<vmem>>, vector<2000x128xf32>
    %add3A_15 = arith.addf %get3A_11, %get3A_14 : vector<2000x128xf32>
    %add3A_16 = arith.constant 1.000000e-16 : f32
    %add3A_17 = vector.broadcast %add3A_16 : f32 to vector<2000x128xf32>
    %add3A_18 = arith.addf %dot_general3A_8, %add3A_17 : vector<2000x128xf32>
    %div3A = arith.divf %add3A_15, %add3A_18 : vector<2000x128xf32>
    %get3A_19 = arith.constant 0 : index
    %get3A_20 = arith.constant 0 : index
    %get3A_21 = vector.load %arg7[%get3A_19, %get3A_20] : memref<1x128xf32, #tpu.memory_space<vmem>>, vector<1x128xf32>
    %add3A_22 = vector.broadcast %get3A_21 : vector<1x128xf32> to vector<2000x128xf32>
    %add3A_23 = arith.addf %div3A, %add3A_22 : vector<2000x128xf32>
    %get3A_24 = arith.constant 0 : index
    %get3A_25 = arith.constant 0 : index
    %get3A_26 = vector.load %arg1[%get3A_24, %get3A_25] : memref<2000x128xf32, #tpu.memory_space<vmem>>, vector<2000x128xf32>
    %max3A = arith.constant 0.000000e+00 : f32
    %max3A_27 = vector.broadcast %max3A : f32 to vector<2000x128xf32>
    %max3A_28 = arith.maximumf %add3A_23, %max3A_27 : vector<2000x128xf32>
    %add3A_29 = arith.addf %get3A_26, %max3A_28 : vector<2000x128xf32>
    %swap3A = arith.constant 0 : index
    %swap3A_30 = arith.constant 0 : index
    %swap3A_31 = vector.load %arg8[%swap3A, %swap3A_30] : memref<2000x128xf32, #tpu.memory_space<vmem>>, vector<2000x128xf32>
    tpu.vector_store %arg8[%swap3A, %swap3A_30], %add3A_29 {strides = array<i32>} : memref<2000x128xf32, #tpu.memory_space<vmem>>, vector<2000x128xf32>,
    return
  }
  func.func @transform_0(%arg0: i32) -> (i32, i32) {
    %c0_i32 = arith.constant 0 : i32
    %c0_i32_0 = arith.constant 0 : i32
    return %arg0, %c0_i32 : i32, i32
  }
  func.func @transform_1(%arg0: i32) -> (i32, i32) {
    %c0_i32 = arith.constant 0 : i32
    %c0_i32_0 = arith.constant 0 : i32
    return %arg0, %c0_i32 : i32, i32
  }
  func.func @transform_2(%arg0: i32) -> (i32, i32) {
    %c0_i32 = arith.constant 0 : i32
    %c0_i32_0 = arith.constant 0 : i32
    return %arg0, %c0_i32 : i32, i32
  }
  func.func @transform_3(%arg0: i32) -> (i32, i32) {
    %c0_i32 = arith.constant 0 : i32
    %c0_i32_0 = arith.constant 0 : i32
    return %arg0, %c0_i32 : i32, i32
  }
  func.func @transform_4(%arg0: i32) -> (i32, i32) {
    %c0_i32 = arith.constant 0 : i32
    %c0_i32_0 = arith.constant 0 : i32
    return %arg0, %c0_i32 : i32, i32
  }
  func.func @transform_5(%arg0: i32) -> (i32, i32) {
    %c0_i32 = arith.constant 0 : i32
    %c0_i32_0 = arith.constant 0 : i32
    %c0_i32_1 = arith.constant 0 : i32
    return %c0_i32, %c0_i32_0 : i32, i32
  }
  func.func @transform_6(%arg0: i32) -> (i32, i32) {
    %c0_i32 = arith.constant 0 : i32
    %c0_i32_0 = arith.constant 0 : i32
    %c0_i32_1 = arith.constant 0 : i32
    return %c0_i32, %c0_i32_0 : i32, i32
  }
  func.func @transform_7(%arg0: i32) -> (i32, i32) {
    %c0_i32 = arith.constant 0 : i32
    %c0_i32_0 = arith.constant 0 : i32
    return %arg0, %c0_i32 : i32, i32
  }
}

</mosaic_0001>

<sc_bundles>
// kernel: kernel.6.cloned.1.call-start
scs
__scs_entry_jumppad:
0x0: {  	(pc) =	sbr.rel $0x88, $3  }
0x1: {  	(tag) =	ssettag $0x0;
	lr =	simm.s32 $0x1  }
0x2: {  	[smem:$0x3F97] =	sst lr;
	_ =	strace $0xD0000000  }
0x3: {  	_ = 	snop  }
0x4: {  	_ = 	snop  }
0x5: {  	_ = 	snop  }
0x6: {  	_ = 	snop  }
0x7: {  	_ = 	snop  }
__scs_overlays_trampoline_lowered:
0x8: {  	[smem:$0x3FA6] =	sst s0  }
0x9: {  	[smem:$0x3FA7] =	sst s1  }
0xa: {  	[smem:$0x3FA8] =	sst s2  }
0xb: {  	[smem:$0x3FA9] =	sst s3  }
0xc: {  	[smem:$0x3FAA] =	sst s4  }
0xd: {  	[smem:$0x3FAB] =	sst s5  }
0xe: {  	[smem:$0x3FAC] =	sst s6  }
0xf: {  	[smem:$0x3FAD] =	sst s7  }
0x10: {  	[smem:$0x3FAE] =	sst s8  }
0x11: {  	[smem:$0x3FAF] =	sst s9;
	s0 =	simm.s32 @!p0 $0x0  }
0x12: {  	s1 =	sld [smem:$0x3F95];
	s0 =	simm.s32 @p0 $0x1  }
0x13: {  	[smem:$0x3FB0] =	sst s0;
	s0 =	simm.s32 @!p1 $0x0  }
0x14: {  	s2 =	sld [smem:$0x3F94];
	s0 =	simm.s32 @p1 $0x1  }
0x15: {  	[smem:$0x3FB1] =	sst s0;
	s0 =	simm.s32 @!p2 $0x0  }
0x16: {  	s3 =	sld [smem:$0x3FDB];
	s0 =	simm.s32 @p2 $0x1  }
0x17: {  	s4 =	simm.s32 $0x1BF5;
	[smem:$0x3FB3] =	sst s0  }
0x18: {  	s0 =	sld [smem:$0x3F96];
	_ =	swait.ge [sflag:s4], $0x0  }
0x19: {  	s7 =	sld [smem:$0x3F97]  }
0x1a: {  	s8 =	sadd.s32 $0xFFFFE003, lr  }
0x1b: {  	s9 =	sadd.s32 $0xFFFFFEF7, lr;
	s5 =	simm.s32 $0xFFFFFFFF;
	p2 =	slt.u32 s8, $0xFFFFF086  }
0x1c: {  	p1 =	slt.u32 s9, $0xF7A;
	s5 =	simm.s32 @!p2 $0x0  }
0x1d: {  	s5 =	simm.s32 @p1 $0x1;
	p0 =	seq.s32 s7, s2  }
0x1e: {  	s7 =	smul.u32 @!p0 $0xF7A, s2;
	p2 =	seq.s32 @!p0 s5, $0x0  }
0x1f: {  	s9 =	smul.u32 $0xF7A, s1;
	s8 =	simm.s32 @!p0 $0x1BF5;
	p2 =	por !p2, p0  }
0x20: {  	[sflag:s8] =	ssyncset.s32 @!p0 $0xFFFFF086;
	s6 =	sadd.s32 @!p0 s3, s7;
	s7 =	simm.s32 @!p0 $0x108  }
0x21: {  	s3 =	sadd.s32 s3, s9;
	s6 =	sadd.s32 @!p0 $0x88, s6;
	s7 =	simm.s32 @p2 $0x1082  }
0x22: {  	[simem:s7], [sflag:s8] =	dma.local @!p0 [hbm:s6], $0xF7A  }
0x23: {  	s9 =	sor.u32 $0xD0000000, s2;
	s6 =	simm.s32 $0x108;
	_ =	swait.ge @!p0 [sflag:s8], $0x0  }
0x24: {  	s3 =	sadd.s32 $0x88, s3;
	s6 =	simm.s32 @!p1 $0x1082;
	[sflag:s4] =	ssyncset.s32 $0xFFFFF086  }
0x25: {  	[simem:s6], [sflag:s4] =	dma.local [hbm:s3], $0xF7A  }
0x26: {  	[smem:$0x3F97] =	sst s1;
	(tag) =	ssettag s2;
	_ =	strace s9  }
0x27: {  	s1 =	sld [smem:$0x3FA7]  }
0x28: {  	s2 =	sld [smem:$0x3FA8]  }
0x29: {  	s4 =	sld [smem:$0x3FAA]  }
0x2a: {  	p0 =	seq.s32 s5, $0x0;
	s5 =	sld [smem:$0x3FAB]  }
0x2b: {  	s6 =	sld [smem:$0x3FAC]  }
0x2c: {  	s7 =	sld [smem:$0x3FAD]  }
0x2d: {  	s3 =	simm.s32 $0x108;
	s8 =	sld [smem:$0x3FAE]  }
0x2e: {  	s3 =	simm.s32 @!p0 $0x1082;
	s9 =	sld [smem:$0x3FAF]  }
0x2f: {  	lr =	sadd.s32 s0, s3;
	s0 =	sld [smem:$0x3FA6]  }
0x30: {  	s3 =	sld [smem:$0x3FA9]  }
0x31: {  	[smem:$0x3FB2] =	sst s10  }
0x32: {  	s10 =	sld [smem:$0x3FB0];
	_ =	sdelay $0x3  }
0x33: {  	p0 =	seq.s32 s10, $0x1;
	s10 =	sld [smem:$0x3FB2];
	_ =	sdelay $0x3  }
0x34: {  	[smem:$0x3FB2] =	sst s10  }
0x35: {  	s10 =	sld [smem:$0x3FB1];
	_ =	sdelay $0x3  }
0x36: {  	p1 =	seq.s32 s10, $0x1;
	s10 =	sld [smem:$0x3FB2];
	_ =	sdelay $0x3  }
0x37: {  	[smem:$0x3FB2] =	sst s10  }
0x38: {  	s10 =	sld [smem:$0x3FB3]  }
0x39: {  	_ = 	snop;
	(pc) =	sbr.ind lr, $3  }
0x3a: {  	_ = 	snop  }
0x3b: {  	_ = 	snop  }
0x3c: {  	p2 =	seq.s32 s10, $0x1;
	s10 =	sld [smem:$0x3FB2]  }
0x3d: {  	_ =	shalt  }
0x3e: {  	_ =	shalt  }
0x3f: {  	_ =	shalt  }
0x40: {  	_ =	shalt  }
0x41: {  	_ =	shalt  }
0x42: {  	_ =	shalt  }
0x43: {  	_ =	shalt  }
0x44: {  	_ =	shalt  }
0x45: {  	_ =	shalt  }
0x46: {  	_ =	shalt  }
0x47: {  	_ =	shalt  }
0x48: {  	_ =	shalt  }
0x49: {  	_ =	shalt  }
0x4a: {  	_ =	shalt  }
0x4b: {  	_ =	shalt  }
0x4c: {  	_ =	shalt  }
0x4d: {  	_ =	shalt  }
0x4e: {  	_ =	shalt  }
0x4f: {  	_ =	shalt  }
0x50: {  	_ =	shalt  }
0x51: {  	_ =	shalt  }
0x52: {  	_ =	shalt  }
0x53: {  	_ =	shalt  }
0x54: {  	_ =	shalt  }
0x55: {  	_ =	shalt  }
0x56: {  	_ =	shalt  }
0x57: {  	_ =	shalt  }
0x58: {  	_ =	shalt  }
0x59: {  	_ =	shalt  }
0x5a: {  	_ =	shalt  }
0x5b: {  	_ =	shalt  }
0x5c: {  	_ =	shalt  }
0x5d: {  	_ =	shalt  }
0x5e: {  	_ =	shalt  }
0x5f: {  	_ =	shalt  }
0x60: {  	_ =	shalt  }
0x61: {  	_ =	shalt  }
0x62: {  	_ =	shalt  }
0x63: {  	_ =	shalt  }
0x64: {  	_ =	shalt  }
0x65: {  	_ =	shalt  }
0x66: {  	_ =	shalt  }
0x67: {  	_ =	shalt  }
0x68: {  	_ =	shalt  }
0x69: {  	_ =	shalt  }
0x6a: {  	_ =	shalt  }
0x6b: {  	_ =	shalt  }
0x6c: {  	_ =	shalt  }
0x6d: {  	_ =	shalt  }
0x6e: {  	_ =	shalt  }
0x6f: {  	_ =	shalt  }
0x70: {  	_ =	shalt  }
0x71: {  	_ =	shalt  }
0x72: {  	_ =	shalt  }
0x73: {  	_ =	shalt  }
0x74: {  	_ =	shalt  }
0x75: {  	_ =	shalt  }
0x76: {  	_ =	shalt  }
0x77: {  	_ =	shalt  }
0x78: {  	_ =	shalt  }
0x79: {  	_ =	shalt  }
0x7a: {  	_ =	shalt  }
0x7b: {  	_ =	shalt  }
0x7c: {  	_ =	shalt  }
0x7d: {  	_ =	shalt  }
0x7e: {  	_ =	shalt  }
0x7f: {  	_ =	shalt  }
0x80: {  	_ =	shalt  }
0x81: {  	_ =	shalt  }
0x82: {  	_ =	shalt  }
0x83: {  	_ =	shalt  }
0x84: {  	_ =	shalt  }
0x85: {  	_ =	shalt  }
0x86: {  	_ =	shalt  }
0x87: {  	_ =	shalt  }
.Lfunc_end0:
.L_simem_size_0:
called_computation_lowered:
.L_overlay_start_0:
0x88: {  	s2 =	sld [smem:$0x3FD9]  }
0x89: {  	s3 =	sld [smem:$0x3FFE];
	_ =	sdelay $0x1  }
0x8a: {  	s1 =	srdreg.scid  }
0x8b: {  	s0 =	sand.u32 $0x1, s1  }
0x8c: {  	s17 =	sshll.u32 s0, $0xA;
	s2 =	sadd.s32 s3, s2  }
0x8d: {  	s2 =	sadd.s32 s2, s17  }
0x8e: {  	[smem:$0x3FBE] =	sst s2  }
0x8f: {  	_ = 	snop  }
0x90: {  	s2 =	sld [smem:$0x3FD0];
	(tm) =	ssettm $0x1  }
0x91: {  	s18 =	sld [smem:$0x3FFB];
	_ =	sdelay $0x3  }
0x92: {  	_ =	strace s18  }
0x93: {  	s3 =	sld [smem:$0x3FFC];
	_ =	sdelay $0x3  }
0x94: {  	_ =	strace s3  }
0x95: {  	s3 =	sld [smem:$0x3FFD];
	_ =	sdelay $0x3  }
0x96: {  	_ =	strace s3  }
0x97: {  	_ =	strace $0x8FFFFFFF  }
0x98: {  	s19 =	sld [smem:$0x3FDB];
	_ =	sdelay $0x1  }
0x99: {  	s4 =	simm.s32 $_scs_section_size  }
0x9a: {  	s5 =	simm.s32 $_size__tile_overlayer_lowered;
	s6 =	simm.s32 $_tile_overlayer_lowered  }
0x9b: {  	s22 =	simm.s32 $0x1BFF;
	s21 =	sshll.u32 s6, $0x1;
	s3 =	sadd.s32 s4, s19  }
0x9c: {  	s7 =	simm.s32 $0x0;
	s20 =	sshll.u32 s5, $0x1;
	s5 =	sadd.s32 s21, s3  }
0x9d: {  	[timem:s7], [sflag:s22] =	dma.local [hbm:s5], s20  }
0x9e: {  	_ =	swait.ge [sflag:s22], s20  }
0x9f: {  	s4 =	ssub.s32 $0x0, s20;
	[sflag:s22] =	ssyncset.done $0x0  }
0xa0: {  	[sflag:s22] =	ssyncadd.s32 s4;
	_ =	sdelay $0x1  }
0xa1: {  	s23 =	simm.s32 $0x1B8B  }
0xa2: {  	_ =	swait.ge [sflag:s23], $0x1  }
0xa3: {  	[sflag:s23] =	ssyncset.done $0x0  }
0xa4: {  	s25 =	simm.s32 $0x1B8E;
	s24 =	sld [smem:$0x3FFE];
	[sflag:s23] =	ssyncadd.s32 $0xFFFFFFFF  }
0xa5: {  	s26 =	simm.s32 $execute0_lowered;
	[smem:$0x3FD2] =	sst s25  }
0xa6: {  	s5 =	sshll.u32 s26, $0x1;
	_ =	strace $0x80000046;
	[dreg:$0x1] =	wrdreg $0xFFFFFFFF  }
0xa7: {  	s28 =	simm.s32 $_size_execute0_lowered;
	s3 =	sadd.s32 s3, s5;
	[dreg:$0x0] =	wrdreg $0x0  }
0xa8: {  	s5 =	sshll.u32 s28, $0x1;
	[dreg:$0x2] =	wrdreg s3  }
0xa9: {  	[dreg:$0x3] =	wrdreg s5  }
0xaa: {  	[dreg:$0x4] =	wrdreg $0xC0  }
0xab: {  	_ =	task [dreg:s7], $0x5FFFF  }
0xac: {  	[dreg:$0x1] =	wrdreg $0xFFFFFFFF  }
0xad: {  	[dreg:$0x0] =	wrdreg $0x60  }
0xae: {  	[dreg:$0x2] =	wrdreg s2  }
0xaf: {  	[dreg:$0x3] =	wrdreg s24  }
0xb0: {  	[dreg:$0x4] =	wrdreg $0x7A800  }
0xb1: {  	[dreg:$0x5] =	wrdreg $0x9  }
0xb2: {  	_ =	task.clear_ibuf [dreg:s7], $0x6FFFF;
	_ =	strace $0x90000046  }
0xb3: {  	s29 =	simm.s32 $0x9;
	_ =	strace $0x80000048  }
0xb4: {  	_ =	swait.ge [sflag:s29], $0x1  }
0xb5: {  	[sflag:s29] =	ssyncadd.s32 $0xFFFFFFFF  }
0xb6: {  	_ =	strace $0x90000048  }
0xb7: {  	_ =	sfence  }
0xb8: {  	s30 =	sld [smem:$0x0];
	_ =	sdelay $0x2  }
0xb9: {  	s31 =	sshll.u32 s1, $0xD;
	s1 =	sshrl.u32 s1, $0x2  }
0xba: {  	s3 =	sand.u32 $0x4000, s31;
	s1 =	sadd.s32 s1, s30  }
0xbb: {  	s0 =	sor.u32 s3, s0;
	s1 =	sshll.u32 s1, $0x11  }
0xbc: {  	s0 =	sor.u32 s1, s0  }
0xbd: {  	s0 =	sadd.s32 $0x8F2B, s0  }
0xbe: {  	[sflag:s0] =	ssyncadd.remote.s32 $0x1  }
0xbf: {  	_ =	sfence.sel $0xFFFF  }
0xc0: {  	[dreg:$0x0] =	wrdreg $0xFFFFFFFF;
	(pc) =	sbr.abs _section_cstart, $3  }
0xc1: {  	[dreg:$0x1] =	wrdreg $0xFFFFFFFF  }
0xc2: {  	_ =	task.clear_ibuf [dreg:s7], $0x2FFFF;
	_ =	strace $0x9FFFFFFF  }
0xc3: {  	(tm) =	ssettm $0x7FFFFFFF  }
tec
execute0_lowered:
.L_overlay_start_1:
0x0: {  	(tag) =	ssettag $0x1  }
0x1: {  	s1 =	rddreg [dreg:$0x0]  }
0x2: {  	s0 =	rddreg [dreg:$0x1]  }
0x3: {  	s2 =	rddreg [dreg:$0x2]  }
0x4: {  	s3 =	simm.s32 $0x0;
	s4 =	srdreg.scid;
	s14 =	stileid.u32  }
0x5: {  	s28 =	simm.s32 $0x180;
	s29 =	simm.s32 $0x1600;
	s30 =	simm.s32 $0x3E00  }
0x6: {  	s31 =	simm.s32 $0x1;
	[smem:$0x7FF] =	sst s3;
	s5 =	sadd.s32 $0x16600, s0  }
0x7: {  	s6 =	sadd.s32 $0xC600, s0;
	s7 =	sadd.s32 $0x2800, s0;
	s19 =	smul.u32 $0x2800, s14  }
0x8: {  	s4 =	sand.u32 $0x1, s4;
	s8 =	sadd.s32 $0x16400, s0;
	s12 =	smul.u32 $0x50000, s14  }
0x9: {  	s10 =	sadd.s32 $0x65800, s0;
	s22 =	sshll.u32 s14, $0x6;
	_ =	strace $0x80000047  }
0xa: {  	[dreg:$0x4] =	wrdreg s8;
	s9 =	sshll.u32 s4, $0x4;
	s11 =	ssub.s32 $0x2, s4  }
0xb: {  	p0 =	seq.s32 s4, $0x1;
	s4 =	simm.s32 $0x56F800;
	s9 =	sor.u32 s14, s9  }
0xc: {  	s8 =	sadd.s32 s19, s0;
	s13 =	sshrl.u32 s11, $0x1;
	s21 =	sshrl.u32 s12, $0x2  }
0xd: {  	s12 =	sor.u32 $0x1C03, s22;
	s4 =	simm.s32 @!p0 $0x547800;
	s22 =	simm.s32 $0x100  }
0xe: {  	s9 =	smul.u32 $0x2710, s9;
	s20 =	ssub.s32 s11, s13;
	s11 =	sadd.s32 s21, s2  }
0xf: {  	s24 =	sadd.s32 $0x3D800, s8;
	s26 =	sadd.s32 s4, s8;
	[dreg:$0x6] =	wrdreg s12  }
0x10: {  	s4 =	simm.s32 $0x6600;
	s21 =	simm.s32 $0x2;
	[dreg:$0x5] =	wrdreg s24  }
0x11: {  	s0 =	smax.u32 s20, $0x1;
	[dreg:$0xa] =	wrdreg s26;
	s11 =	sshrl.u32 s11, $0x3  }
0x12: {  	s20 =	simm.s32 $0x3;
	s26 =	simm.s32 $0x80;
	s23 =	sshrl.u32 s9, $0x3  }
0x13: {  	s15 =	sadd.s32 $0x28, s9;
	s16 =	sadd.s32 $0x50, s9;
	[dreg:$0x9] =	wrdreg s0  }
0x14: {  	s0 =	simm.s32 $0x5200;
	[dreg:$0xb] =	wrdreg s11;
	s25 =	sadd.s32 s6, s23  }
0x15: {  	v0 =	vimm.f32 $0.0e+00;
	vm0 =	vmmov $0x1;
	vm1 =	vcmask $0x310;
	s13 =	sadd.s32 s7, s23;
	s23 =	simm.s32 $0x28;
	[dreg:$0x7] =	wrdreg s25  }
0x16: {  	vm2 =	vcmask $0x710;
	vm3 =	vcmask $0xB10;
	vm4 =	vmmov $0xf;
	[dreg:$0x8] =	wrdreg s13;
	s13 =	simm.s32 $0x0;
	s25 =	simm.s32 $0x0  }
.LBB2_1:
0x17: {  	[dreg:$0xc] =	wrdreg s13  }
0x18: {  	s8 =	rddreg [dreg:$0x5]  }
0x19: {  	[spmem:s11], [sflag:s12] =	dma.local [hbm:s8], $0x2800  }
0x1a: {  	_ =	swait.ge [sflag:s20], $0x2800  }
0x1b: {  	[sflag:s20] =	ssyncset.done $0x0  }
0x1c: {  	s24 =	simm.s32 $0x7A00;
	s19 =	rddreg [dreg:$0x4];
	[sflag:s20] =	ssyncadd.s32 $0xFFFFD800  }
0x1d: {  	[tilespmem:s24], [sflag:$0x3] =	stream.linear.gather [hbm4b:s19+s3], $0x80, $0x38;
	[tilespmem:$0x1BA80] =	vst v63  }
0x1e: {  	_ =	swait.ge [sflag:s20], $0x80  }
0x1f: {  	[sflag:s20] =	ssyncset.done $0x0  }
0x20: {  	s8 =	simm.s32 $0x0;
	s11 =	simm.s32 $0x200;
	[sflag:s20] =	ssyncadd.s32 $0xFFFFFF80  }
.LBB2_2:
0x21: {  	p0 =	sne.s32 s11, $0x4E00;
	[tilespmem:s8+$0x6670] =	vst v0  }
0x22: {  	[tilespmem:s8+$0x6600] =	vst v0  }
0x23: {  	[tilespmem:s8+$0x6610] =	vst v0  }
.Ltmp0:
0x24: {  	[tilespmem:s8+$0x6620] =	vst v0;
	(pc) =	sbr.rel @p0 .LBB2_2-.Ltmp0, $4  }
0x25: {  	[tilespmem:s8+$0x6630] =	vst v0  }
0x26: {  	[tilespmem:s8+$0x6640] =	vst v0  }
0x27: {  	[tilespmem:s8+$0x6650] =	vst v0  }
0x28: {  	[tilespmem:s8+$0x6660] =	vst v0;
	s8 =	sshra.s32 s11, $0x2;
	s11 =	sadd.s32 $0x200, s11  }
0x29: {  	[tilespmem:s8+$0x6670] =	vst v0  }
0x2a: {  	[tilespmem:s8+$0x6600] =	vst v0  }
0x2b: {  	[tilespmem:s8+$0x6610] =	vst v0  }
0x2c: {  	[tilespmem:s8+$0x6620] =	vst v0  }
0x2d: {  	[tilespmem:s8+$0x6630] =	vst v0  }
0x2e: {  	[tilespmem:s8+$0x6640] =	vst v0  }
0x2f: {  	[tilespmem:s8+$0x6650] =	vst v0  }
0x30: {  	[tilespmem:s8+$0x6660] =	vst v0  }
0x31: {  	[bflag:$0x0] =	sbarrier.arrive $0xFFFF  }
0x32: {  	v1 =	vld [tilespmem:$0x7A00]  }
0x33: {  	v2 =	vld [tilespmem:$0x7A10]  }
0x34: {  	v3 =	vld [tilespmem:$0x7A20]  }
0x35: {  	v4 =	vld [tilespmem:$0x7A30]  }
0x36: {  	v5 =	vld [tilespmem:$0x7A40]  }
0x37: {  	v6 =	vld [tilespmem:$0x7A50]  }
0x38: {  	v7 =	vld [tilespmem:$0x7A60];
	s17 =	rddreg [dreg:$0x7]  }
0x39: {  	v8 =	vld [tilespmem:$0x7A70];
	[tilespmem:s25], [sflag:$0x3] =	stream.linear.gather [hbm4b:s17+s25], $0x28, $0x38  }
0x3a: {  	_ =	swait.ge [sflag:s20], $0x28  }
0x3b: {  	[sflag:s20] =	ssyncset.done $0x0  }
0x3c: {  	s18 =	rddreg [dreg:$0x8];
	[sflag:s20] =	ssyncadd.s32 $0xFFFFFFD8  }
0x3d: {  	[tilespmem:s22], [sflag:$0x3] =	stream.linear.gather [hbm4b:s18+s25], $0x28, $0x38;
	[tilespmem:$0x1BA80] =	vst v63  }
0x3e: {  	_ =	swait.ge [sflag:s20], $0x28  }
0x3f: {  	[sflag:s20] =	ssyncset.done $0x0  }
0x40: {  	s19 =	simm.s32 $0x200;
	v9 =	vmul.f32 $1.500000060e-01, v1;
	v10 =	vmul.f32 $1.500000060e-01, v2;
	[sflag:s20] =	ssyncadd.s32 $0xFFFFFFD8  }
0x41: {  	v11 =	vmul.f32 $1.500000060e-01, v3;
	v12 =	vmul.f32 $1.500000060e-01, v4;
	[tilespmem:s19], [sflag:$0x1] =	stream.indirect.gather [hbm4b:s1+s23], $0x80, s25, s23, $0xb8;
	[tilespmem:$0x1BA80] =	vst v63  }
0x42: {  	s24 =	simm.s32 $0x2A00;
	s8 =	simm.s32 $0x0;
	v13 =	vmul.f32 $1.500000060e-01, v5;
	v14 =	vmul.f32 $1.500000060e-01, v6  }
0x43: {  	v15 =	vmul.f32 $1.500000060e-01, v7;
	v16 =	vmul.f32 $1.500000060e-01, v8;
	[tilespmem:s24], [sflag:$0x1] =	stream.indirect.gather [hbm4b:s5+s23], $0x80, s22, s23, $0xb8;
	[tilespmem:$0x1BA80] =	vst v63  }
.LBB2_4:
0x44: {  	s13 =	smul.u32 $0x50, s8;
	_ =	sdelay $0x1  }
0x45: {  	s11 =	sadd.s32 s13, s15  }
0x46: {  	s12 =	sshrl.u32 s11, $0x3  }
0x47: {  	s14 =	sadd.s32 s6, s12  }
0x48: {  	[tilespmem:s26], [sflag:$0x3] =	stream.linear.gather [hbm4b:s14+s25], $0x28, $0x38;
	[tilespmem:$0x1BA80] =	vst v63  }
0x49: {  	_ =	swait.ge [sflag:s20], $0x28  }
0x4a: {  	[sflag:s20] =	ssyncset.done $0x0  }
0x4b: {  	s12 =	sadd.s32 s7, s12;
	[sflag:s20] =	ssyncadd.s32 $0xFFFFFFD8  }
0x4c: {  	[tilespmem:s28], [sflag:$0x3] =	stream.linear.gather [hbm4b:s12+s25], $0x28, $0x38;
	[tilespmem:$0x1BA80] =	vst v63  }
0x4d: {  	_ =	swait.ge [sflag:s20], $0x28  }
0x4e: {  	[sflag:s20] =	ssyncset.done $0x0  }
0x4f: {  	[sflag:s20] =	ssyncadd.s32 $0xFFFFFFD8  }
0x50: {  	[tilespmem:s29], [sflag:$0x2] =	stream.indirect.gather [hbm4b:s1+s23], $0x80, s26, s23, $0xb8;
	[tilespmem:$0x1BA80] =	vst v63  }
0x51: {  	_ = 	snop  }
0x52: {  	[tilespmem:s30], [sflag:$0x2] =	stream.indirect.gather [hbm4b:s5+s23], $0x80, s28, s23, $0xb8;
	[tilespmem:$0x1BA80] =	vst v63  }
0x53: {  	_ =	swait.ge [sflag:s31], $0x1400  }
0x54: {  	[sflag:s31] =	ssyncset.done $0x0  }
0x55: {  	[sflag:s31] =	ssyncadd.s32 $0xFFFFEC00  }
0x56: {  	_ =	swait.ge [sflag:s31], $0x1400  }
0x57: {  	[sflag:s31] =	ssyncset.done $0x0  }
0x58: {  	s14 =	simm.s32 $0x0;
	[sflag:s31] =	ssyncadd.s32 $0xFFFFEC00  }
0x59: {  	v18 =	vld [tilespmem:s14+$0x2C0]  }
0x5a: {  	v19 =	vld [tilespmem:s14+$0x2AC0]  }
0x5b: {  	v20 =	vld [tilespmem:s14+$0x2D0]  }
0x5c: {  	v21 =	vld [tilespmem:s14+$0x2AD0]  }
0x5d: {  	v22 =	vld [tilespmem:s14+$0x2A0]  }
0x5e: {  	v23 =	vld [tilespmem:s14+$0x2AA0]  }
0x5f: {  	v24 =	vld [tilespmem:s14+$0x2B0]  }
0x60: {  	v25 =	vld [tilespmem:s14+$0x2AB0]  }
0x61: {  	v26 =	vld [tilespmem:s14+$0x280]  }
0x62: {  	v27 =	vld [tilespmem:s14+$0x2A80]  }
0x63: {  	v28 =	vld [tilespmem:s14+$0x290]  }
0x64: {  	v29 =	vld [tilespmem:s14+$0x2A90]  }
0x65: {  	v17 =	vld [tilespmem:s14+$0x2E0]  }
0x66: {  	v30 =	vld [tilespmem:s14+$0x200];
	v18 =	vadd.f32 v19, v18  }
0x67: {  	v19 =	vld [tilespmem:s14+$0x2AE0];
	v20 =	vadd.f32 v21, v20;
	v22 =	vadd.f32 v23, v22  }
0x68: {  	v21 =	vld [tilespmem:s14+$0x2F0];
	v24 =	vadd.f32 v25, v24;
	v26 =	vadd.f32 v27, v26;
	vm5 =	vgt.f32 v18, $0.0e+00  }
0x69: {  	v23 =	vld [tilespmem:s14+$0x2AF0];
	v28 =	vadd.f32 v29, v28;
	vm6 =	vgt.f32 v20, $0.0e+00;
	v25 =	vsel vm5, v5, v13  }
0x6a: {  	v32 =	vld [tilespmem:s14+$0x2A10];
	v31 =	vsel vm6, v6, v14;
	vm5 =	vgt.f32 v22, $0.0e+00;
	vm6 =	vgt.f32 v24, $0.0e+00  }
0x6b: {  	s17 =	simm.s32 $0x100;
	v33 =	vld [tilespmem:s14+$0x230];
	v18 =	vmul.f32 v25, v18;
	v20 =	vmul.f32 v31, v20;
	v29 =	vsel vm5, v3, v11  }
0x6c: {  	v63 =	vld [tilespmem:s17+$0x2AC0];
	v31 =	vsel vm6, v4, v12;
	vm5 =	vgt.f32 v26, $0.0e+00;
	vm6 =	vgt.f32 v28, $0.0e+00  }
0x6d: {  	v42 =	vld [tilespmem:s17+$0x2D0];
	v22 =	vmul.f32 v29, v22;
	v24 =	vmul.f32 v31, v24;
	v17 =	vadd.f32 v19, v17  }
0x6e: {  	v35 =	vld [tilespmem:s17+$0x2AD0];
	v21 =	vadd.f32 v23, v21;
	v23 =	vsel vm5, v1, v9;
	v31 =	vsel vm6, v2, v10  }
0x6f: {  	v27 =	vld [tilespmem:s14+$0x210];
	v18 =	vadd.f32 v20, v18;
	v20 =	vmul.f32 v23, v26;
	v23 =	vmul.f32 v31, v28  }
0x70: {  	v25 =	vld [tilespmem:s14+$0x2A00];
	v22 =	vadd.f32 v24, v22;
	vm5 =	vgt.f32 v17, $0.0e+00;
	vm6 =	vgt.f32 v21, $0.0e+00  }
0x71: {  	v29 =	vld [tilespmem:s14+$0x220];
	(xrf2) =	vadd.scan.msk.f32 $0xffff, v18;
	v18 =	vadd.f32 v23, v20;
	v20 =	vsel vm5, v7, v15;
	v23 =	vsel vm6, v8, v16  }
0x72: {  	v19 =	vld [tilespmem:s14+$0x2A20];
	(xrf2) =	vadd.scan.msk.f32 $0xffff, v22;
	v17 =	vmul.f32 v20, v17;
	v20 =	vmul.f32 v23, v21  }
0x73: {  	v26 =	vld [tilespmem:s14+$0x2A30];
	(xrf2) =	vadd.scan.msk.f32 $0xffff, v18  }
0x74: {  	v28 =	vld [tilespmem:s14+$0x2A40];
	v17 =	vadd.f32 v20, v17  }
0x75: {  	v24 =	vld [tilespmem:s14+$0x240];
	v23 =	vadd.f32 v25, v30  }
0x76: {  	v36 =	vld [tilespmem:s17+$0x2A0];
	(xrf2) =	vadd.scan.msk.f32 $0xffff, v17  }
0x77: {  	v21 =	vld [tilespmem:s14+$0x250];
	v25 =	vadd.f32 v32, v27;
	vm5 =	vgt.f32 v23, $0.0e+00  }
0x78: {  	v22 =	vld [tilespmem:s14+$0x2A60];
	v19 =	vadd.f32 v19, v29;
	v31 =	vsel vm5, v1, v9  }
0x79: {  	v18 =	vld [tilespmem:s14+$0x2A50];
	vm6 =	vgt.f32 v25, $0.0e+00;
	v26 =	vadd.f32 v26, v33  }
0x7a: {  	v20 =	vld [tilespmem:s14+$0x260];
	v62 =	vsel vm6, v2, v10;
	vm5 =	vgt.f32 v19, $0.0e+00;
	v24 =	vadd.f32 v28, v24  }
0x7b: {  	v44 =	vld [tilespmem:s17+$0x2AA0];
	v23 =	vmul.f32 v31, v23;
	v25 =	vmul.f32 v62, v25;
	v34 =	vsel vm5, v3, v11;
	v31, _, _ =	vpop (xrf2)  }
0x7c: {  	v27 =	vld [tilespmem:s14+$0x2A70];
	vm5 =	vgt.f32 v26, $0.0e+00;
	v19 =	vmul.f32 v34, v19;
	v28, _, _ =	vpop (xrf2)  }
0x7d: {  	v17 =	vld [tilespmem:s14+$0x270];
	v23 =	vadd.f32 v25, v23;
	v25 =	vsel vm5, v4, v12;
	vm5 =	vgt.f32 v24, $0.0e+00;
	v43, _, _ =	vpop (xrf2)  }
0x7e: {  	v37 =	vld [tilespmem:s17+$0x2B0];
	v18 =	vadd.f32 v18, v21;
	v25 =	vmul.f32 v25, v26;
	v26 =	vbroadcast v43, $0xF  }
0x7f: {  	v29 =	vld [tilespmem:s17+$0x2C0];
	v21 =	vsel vm5, v5, v13;
	v20 =	vadd.f32 v22, v20;
	v28 =	vbroadcast v28, $0xF  }
0x80: {  	v38 =	vld [tilespmem:s17+$0x2AB0];
	v21 =	vmul.f32 v21, v24;
	v24 =	vnsel vm0, $0x0, v26;
	v26 =	vbroadcast v31, $0xF;
	v31, _, _ =	vpop (xrf2)  }
0x81: {  	v39 =	vld [tilespmem:s17+$0x2A90];
	vm5 =	vgt.f32 v18, $0.0e+00;
	v22 =	vsel vm1, v24, v28;
	v24 =	vbroadcast v31, $0xF  }
0x82: {  	v45 =	vld [tilespmem:s17+$0x2A00];
	v17 =	vadd.f32 v27, v17;
	v27 =	vsel vm5, v6, v14;
	v22 =	vsel vm2, v22, v26  }
0x83: {  	v49 =	vld [tilespmem:s17+$0x210];
	vm5 =	vgt.f32 v20, $0.0e+00;
	v18 =	vmul.f32 v27, v18;
	v22 =	vsel vm3, v22, v24  }
0x84: {  	v30 =	vld [tilespmem:s17+$0x2E0];
	v19 =	vadd.f32 v25, v19;
	v25 =	vadd.f32 v63, v29;
	v22 =	vmul.f32 $1.442695020e+00, v22  }
0x85: {  	v18 =	vadd.f32 v18, v21;
	v28 =	vld [tilespmem:s17+$0x280];
	v31 =	vsel vm5, v7, v15;
	vm5 =	vgt.f32 v17, $0.0e+00  }
0x86: {  	v21 =	vadd.f32 v44, v36;
	v26 =	vld [tilespmem:s17+$0x2A80];
	v27 =	vsel vm5, v8, v16;
	(erf) = vpow2.f32 v22  }
0x87: {  	v20 =	vmul.f32 v31, v20;
	vm5 =	vgt.f32 v25, $0.0e+00;
	v24 =	vld [tilespmem:s17+$0x290];
	v17 =	vmul.f32 v27, v17  }
0x88: {  	v31 =	vld [tilespmem:s17+$0x2AE0];
	v27 =	vadd.f32 v35, v42;
	v47 =	vsel vm5, v5, v13;
	vm5 =	vgt.f32 v21, $0.0e+00  }
0x89: {  	v46 =	vadd.f32 v38, v37;
	v29 =	vld [tilespmem:s17+$0x2AF0];
	(xrf2) =	vadd.scan.msk.f32 $0xffff, v23;
	v25 =	vmul.f32 v47, v25;
	v23 =	vsel vm5, v3, v11  }
0x8a: {  	v17 =	vadd.f32 v17, v20;
	vm6 =	vgt.f32 v27, $0.0e+00;
	v21 =	vmul.f32 v23, v21;
	v22 =	vld [tilespmem:s17+$0x2F0]  }
0x8b: {  	v50 =	vld [tilespmem:s17+$0x220];
	v48 =	vsel vm6, v6, v14;
	vm6 =	vgt.f32 v46, $0.0e+00;
	v26 =	vadd.f32 v26, v28  }
0x8c: {  	v54 =	vld [tilespmem:s17+$0x240];
	v27 =	vmul.f32 v48, v27;
	v51 =	vsel vm6, v4, v12;
	v24 =	vadd.f32 v39, v24  }
0x8d: {  	(xrf2) =	vadd.scan.msk.f32 $0xffff, v19;
	v20 =	vld [tilespmem:s17+$0x200];
	v30 =	vadd.f32 v31, v30;
	v23 =	vmul.f32 v51, v46;
	vm5 =	vgt.f32 v26, $0.0e+00  }
0x8e: {  	(xrf2) =	vadd.scan.msk.f32 $0xffff, v18;
	v28 =	vld [tilespmem:s17+$0x2A10];
	v25 =	vadd.f32 v27, v25;
	vm6 =	vgt.f32 v24, $0.0e+00;
	v18 =	vsel vm5, v1, v9  }
0x8f: {  	v27 =	vld [tilespmem:s17+$0x2A20];
	v21 =	vadd.f32 v23, v21;
	v19 =	vadd.f32 v29, v22;
	v52 =	vsel vm6, v2, v10;
	v22 =	vpop (erf)  }
0x90: {  	v31 =	vld [tilespmem:s17+$0x230];
	(xrf2) =	vadd.scan.msk.f32 $0xffff, v17;
	v17 =	vmul.f32 v18, v26;
	v18 =	vmul.f32 v52, v24;
	v53 =	vnsel vm4, $0x0, v22  }
0x91: {  	vm5 =	vgt.f32 v30, $0.0e+00;
	v29 =	vld [tilespmem:s17+$0x2A30];
	(xrf2) =	vadd.scan.msk.f32 $0xffff, v25;
	vm6 =	vgt.f32 v19, $0.0e+00;
	[tilespmem:s14+$0x6680] =	vst v53  }
0x92: {  	v17 =	vadd.f32 v18, v17;
	v18 =	vsel vm5, v7, v15;
	v24 =	vsel vm6, v8, v16;
	v23 =	vld [tilespmem:s17+$0x2A40];
	[tilespmem:s14+$0x5280] =	vst v22  }
0x93: {  	v20 =	vadd.f32 v45, v20;
	(xrf2) =	vadd.scan.msk.f32 $0xffff, v21;
	v18 =	vmul.f32 v18, v30;
	v19 =	vmul.f32 v24, v19;
	v21 =	vld [tilespmem:s17+$0x250]  }
0x94: {  	v25 =	vadd.f32 v27, v50;
	(xrf2) =	vadd.scan.msk.f32 $0xffff, v17;
	v17 =	vld [tilespmem:s17+$0x2A50]  }
0x95: {  	vm5 =	vgt.f32 v20, $0.0e+00;
	v18 =	vadd.f32 v19, v18;
	v22 =	vadd.f32 v28, v49;
	v19 =	vld [tilespmem:s17+$0x260]  }
0x96: {  	v27 =	vsel vm5, v1, v9;
	v29 =	vadd.f32 v29, v31;
	v26 =	vld [tilespmem:s17+$0x2A60]  }
0x97: {  	vm5 =	vgt.f32 v25, $0.0e+00;
	v20 =	vmul.f32 v27, v20;
	v24, _, _ =	vpop (xrf2);
	(xrf2) =	vadd.scan.msk.f32 $0xffff, v18;
	v18 =	vld [tilespmem:s17+$0x270];
	vm6 =	vgt.f32 v22, $0.0e+00  }
0x98: {  	s18 =	simm.s32 $0x200;
	v56 =	vsel vm5, v3, v11;
	vm5 =	vgt.f32 v29, $0.0e+00;
	v30 =	vld [tilespmem:s17+$0x2A70];
	v28 =	vsel vm6, v2, v10  }
0x99: {  	v24 =	vbroadcast v24, $0xF;
	v55, _, _ =	vpop (xrf2);
	v25 =	vmul.f32 v56, v25;
	v60 =	vsel vm5, v4, v12;
	v61 =	vld [tilespmem:s18+$0x2D0]  }
0x9a: {  	v31 =	vbroadcast v55, $0xF;
	v63 =	vld [tilespmem:s18+$0x2AD0];
	v29 =	vmul.f32 v60, v29  }
0x9b: {  	v44 =	vld [tilespmem:s18+$0x2B0];
	v24 =	vnsel vm0, $0x0, v24;
	v22 =	vmul.f32 v28, v22;
	v23 =	vadd.f32 v23, v54;
	v28, _, _ =	vpop (xrf2)  }
0x9c: {  	v40 =	vld [tilespmem:s18+$0x2AB0];
	v24 =	vsel vm1, v24, v31;
	v25 =	vadd.f32 v29, v25;
	v58, _, _ =	vpop (xrf2)  }
0x9d: {  	v20 =	vadd.f32 v22, v20;
	v17 =	vadd.f32 v17, v21;
	vm5 =	vgt.f32 v23, $0.0e+00;
	v59, _, _ =	vpop (xrf2)  }
0x9e: {  	v27 =	vld [tilespmem:s18+$0x2E0];
	v19 =	vadd.f32 v26, v19;
	v18 =	vadd.f32 v30, v18;
	v21 =	vsel vm5, v5, v13;
	v62, _, _ =	vpop (xrf2)  }
0x9f: {  	v57 =	vld [tilespmem:s18+$0x2C0];
	v49 =	vadd.f32 v63, v61;
	v28 =	vbroadcast v28, $0xF;
	v21 =	vmul.f32 v21, v23;
	v23, _, _ =	vpop (xrf2)  }
0xa0: {  	v46 =	vld [tilespmem:s18+$0x280];
	vm5 =	vgt.f32 v17, $0.0e+00;
	v34 =	vbroadcast v58, $0xF;
	v23 =	vbroadcast v23, $0xF  }
0xa1: {  	v48 =	vld [tilespmem:s18+$0x2A90];
	vm6 =	vgt.f32 v49, $0.0e+00;
	(xrf2) =	vadd.scan.msk.f32 $0xffff, v20;
	v20 =	vadd.f32 v40, v44;
	v35 =	vbroadcast v62, $0xF  }
0xa2: {  	v31 =	vld [tilespmem:s18+$0x2A0];
	v29 =	vsel vm5, v6, v14;
	v32 =	vbroadcast v59, $0xF;
	v45, _, _ =	vpop (xrf2);
	v23 =	vnsel vm0, $0x0, v23  }
0xa3: {  	v22 =	vld [tilespmem:s18+$0x2AC0];
	vm5 =	vgt.f32 v19, $0.0e+00;
	v30 =	vbroadcast v45, $0xF;
	v23 =	vsel vm1, v23, v35  }
0xa4: {  	v26 =	vld [tilespmem:s18+$0x2AA0];
	v24 =	vsel vm2, v24, v28;
	v50 =	vsel vm6, v6, v14;
	v23 =	vsel vm2, v23, v32  }
0xa5: {  	v51 =	vld [tilespmem:s18+$0x2A00];
	v47 =	vsel vm5, v7, v15;
	vm5 =	vgt.f32 v18, $0.0e+00;
	v23 =	vsel vm3, v23, v30  }
0xa6: {  	v17 =	vmul.f32 v29, v17;
	v29 =	vld [tilespmem:s18+$0x2A80];
	v28 =	vsel vm5, v8, v16;
	v23 =	vmul.f32 $1.442695020e+00, v23  }
0xa7: {  	v52 =	vld [tilespmem:s18+$0x2A10];
	v24 =	vsel vm3, v24, v34;
	v19 =	vmul.f32 v47, v19;
	v18 =	vmul.f32 v28, v18  }
0xa8: {  	vm6 =	vgt.f32 v20, $0.0e+00;
	v22 =	vadd.f32 v22, v57;
	v30 =	vld [tilespmem:s18+$0x290];
	(erf) = vpow2.f32 v23  }
0xa9: {  	v28 =	vld [tilespmem:s18+$0x2AE0];
	v19 =	vadd.f32 v18, v19;
	v18 =	vmul.f32 $1.442695020e+00, v24;
	v24 =	vadd.f32 v26, v31  }
0xaa: {  	v54 =	vsel vm6, v4, v12;
	v17 =	vadd.f32 v17, v21;
	v21 =	vld [tilespmem:s18+$0x2AF0];
	vm5 =	vgt.f32 v22, $0.0e+00  }
0xab: {  	(xrf2) =	vadd.scan.msk.f32 $0xffff, v25;
	v31 =	vsel vm5, v5, v13;
	v25 =	vadd.f32 v29, v46;
	vm5 =	vgt.f32 v24, $0.0e+00;
	v23 =	vld [tilespmem:s18+$0x2F0]  }
0xac: {  	v26 =	vld [tilespmem:s18+$0x200];
	v22 =	vmul.f32 v31, v22;
	v29 =	vmul.f32 v50, v49;
	v53 =	vsel vm5, v3, v11  }
0xad: {  	(xrf2) =	vadd.scan.msk.f32 $0xffff, v17;
	v31 =	vld [tilespmem:s18+$0x210];
	vm5 =	vgt.f32 v25, $0.0e+00;
	v24 =	vmul.f32 v53, v24;
	v30 =	vadd.f32 v48, v30  }
0xae: {  	v55 =	vld [tilespmem:s18+$0x2A30];
	v20 =	vmul.f32 v54, v20;
	(xrf2) =	vadd.scan.msk.f32 $0xffff, v19;
	v22 =	vadd.f32 v29, v22;
	v19 =	vsel vm5, v1, v9  }
0xaf: {  	v29 =	vld [tilespmem:s18+$0x220];
	v27 =	vadd.f32 v28, v27;
	v19 =	vmul.f32 v19, v25;
	vm6 =	vgt.f32 v30, $0.0e+00  }
0xb0: {  	v28 =	vld [tilespmem:s18+$0x2A20];
	v20 =	vadd.f32 v20, v24;
	v17 =	vadd.f32 v21, v23;
	v23 =	vsel vm6, v2, v10  }
0xb1: {  	(xrf2) =	vadd.scan.msk.f32 $0xffff, v22;
	v26 =	vadd.f32 v51, v26;
	vm5 =	vgt.f32 v27, $0.0e+00;
	v21 =	vld [tilespmem:s18+$0x230];
	v22 =	vmul.f32 v23, v30;
	v24 =	vpop (erf)  }
0xb2: {  	v31 =	vadd.f32 v52, v31;
	(xrf2) =	vadd.scan.msk.f32 $0xffff, v20;
	vm6 =	vgt.f32 v17, $0.0e+00;
	v23 =	vnsel vm4, $0x0, v24  }
0xb3: {  	v25 =	vld [tilespmem:s18+$0x240];
	v20 =	vsel vm5, v7, v15;
	v19 =	vadd.f32 v22, v19;
	v22 =	vsel vm6, v8, v16;
	[tilespmem:s17+$0x6680] =	vst v23  }
0xb4: {  	vm5 =	vgt.f32 v26, $0.0e+00;
	v20 =	vmul.f32 v20, v27;
	v30, _, _ =	vpop (xrf2);
	v17 =	vmul.f32 v22, v17;
	v23 =	vld [tilespmem:s18+$0x2A40];
	[tilespmem:s17+$0x5280] =	vst v24  }
0xb5: {  	v27 =	vadd.f32 v28, v29;
	vm6 =	vgt.f32 v31, $0.0e+00;
	v22 =	vbroadcast v30, $0xF;
	v28 =	vld [tilespmem:s18+$0x250]  }
0xb6: {  	(xrf2) =	vadd.scan.msk.f32 $0xffff, v19;
	v19 =	vsel vm5, v1, v9;
	v21 =	vadd.f32 v55, v21;
	v17 =	vadd.f32 v17, v20;
	v29 =	vld [tilespmem:s18+$0x2A50]  }
0xb7: {  	vm5 =	vgt.f32 v27, $0.0e+00;
	v20 =	vsel vm6, v2, v10;
	v19 =	vmul.f32 v19, v26;
	v30 =	vld [tilespmem:s18+$0x260]  }
0xb8: {  	v24, _, _ =	vpop (xrf2);
	v20 =	vmul.f32 v20, v31;
	v26 =	vld [tilespmem:s18+$0x2A60];
	(xrf2) =	vadd.scan.msk.f32 $0xffff, v17;
	v17 =	vsel vm5, v3, v11;
	vm5 =	vgt.f32 v21, $0.0e+00  }
0xb9: {  	v17 =	vmul.f32 v17, v27;
	v27 =	vsel vm5, v4, v12  }
0xba: {  	v24 =	vbroadcast v24, $0xF;
	v31 =	vld [tilespmem:s18+$0x2A70];
	v20 =	vadd.f32 v20, v19;
	v21 =	vmul.f32 v27, v21  }
0xbb: {  	s12 =	simm.s32 $0x300;
	v22 =	vnsel vm0, $0x0, v22;
	v56, _, _ =	vpop (xrf2);
	v23 =	vadd.f32 v23, v25;
	v25 =	vld [tilespmem:s18+$0x270]  }
0xbc: {  	v57 =	vld [tilespmem:s12+$0x2C0];
	v21 =	vadd.f32 v21, v17;
	v28 =	vadd.f32 v29, v28;
	v29, _, _ =	vpop (xrf2);
	(xrf2) =	vadd.scan.msk.f32 $0xffff, v20;
	v20 =	vsel vm1, v22, v24  }
0xbd: {  	v59 =	vld [tilespmem:s12+$0x2AC0];
	v24 =	vbroadcast v56, $0xF;
	v26 =	vadd.f32 v26, v30;
	vm5 =	vgt.f32 v23, $0.0e+00  }
0xbe: {  	v60 =	vld [tilespmem:s12+$0x2D0];
	v58, _, _ =	vpop (xrf2);
	v29 =	vbroadcast v29, $0xF;
	v27 =	vsel vm5, v5, v13;
	vm5 =	vgt.f32 v28, $0.0e+00  }
0xbf: {  	v61 =	vld [tilespmem:s12+$0x2AD0];
	v30, _, _ =	vpop (xrf2);
	v20 =	vsel vm2, v20, v24;
	v27 =	vmul.f32 v27, v23;
	v17 =	vsel vm5, v6, v14  }
0xc0: {  	v19 =	vld [tilespmem:s12+$0x2E0];
	vm5 =	vgt.f32 v26, $0.0e+00;
	v23, _, _ =	vpop (xrf2);
	v20 =	vsel vm3, v20, v29;
	v25 =	vadd.f32 v31, v25  }
0xc1: {  	v22 =	vld [tilespmem:s12+$0x2A0];
	(xrf2) =	vadd.scan.msk.f32 $0xffff, v21;
	v17 =	vmul.f32 v17, v28;
	v28 =	vsel vm5, v7, v15;
	v31 =	vbroadcast v23, $0xF  }
0xc2: {  	v24 =	vld [tilespmem:s12+$0x2AA0];
	v28 =	vmul.f32 v28, v26;
	v26 =	vbroadcast v30, $0xF;
	v62, _, _ =	vpop (xrf2);
	vm5 =	vgt.f32 v25, $0.0e+00  }
0xc3: {  	v23 =	vld [tilespmem:s12+$0x2B0];
	v30 =	vnsel vm0, $0x0, v31;
	v31 =	vbroadcast v58, $0xF;
	v32 =	vbroadcast v62, $0xF  }
0xc4: {  	v29 =	vadd.f32 v17, v27;
	v27 =	vld [tilespmem:s12+$0x2A80];
	v63 =	vsel vm5, v8, v16;
	v30 =	vsel vm1, v30, v26  }
0xc5: {  	v26 =	vld [tilespmem:s12+$0x2AB0];
	v34 =	vmul.f32 v63, v25;
	v30 =	vsel vm2, v30, v31  }
0xc6: {  	(erf) = vpow2.f32 v18;
	v25 =	vld [tilespmem:s12+$0x280];
	v30 =	vsel vm3, v30, v32  }
0xc7: {  	v17 =	vmul.f32 $1.442695020e+00, v20;
	v21 =	vadd.f32 v34, v28;
	v28 =	vld [tilespmem:s12+$0x290];
	v32 =	vmul.f32 $1.442695020e+00, v30;
	v20, _, _ =	vpop (xrf2);
	(xrf2) =	vadd.scan.msk.f32 $0xffff, v29  }
0xc8: {  	s19 =	simm.s32 $0x1000;
	v31 =	vadd.f32 v61, v60;
	v29 =	vld [tilespmem:s12+$0x2A90];
	v30 =	vadd.f32 v59, v57;
	v18 =	vbroadcast v20, $0xF  }
.LBB2_5:
0xc9: {  	p0 =	sne.s32 s19, $0x4C00;
	v20 =	vld [tilespmem:s12+$0x2AE0];
	(erf) = vpow2.f32 v32;
	s24 =	smov.u32 s18;
	s18 =	smov.u32 s12  }
0xca: {  	v22 =	vadd.f32 v24, v22;
	vm5 =	vgt.f32 v30, $0.0e+00;
	vm6 =	vgt.f32 v31, $0.0e+00;
	v24 =	vld [tilespmem:s18+$0x2F0];
	(xrf2) =	vadd.scan.msk.f32 $0xffff, v21  }
0xcb: {  	v21 =	vadd.f32 v26, v23;
	v23 =	vsel vm5, v5, v13;
	v26 =	vsel vm6, v6, v14;
	v32 =	vld [tilespmem:s18+$0x2AF0];
	v33, _, _ =	vpop (xrf2)  }
0xcc: {  	v25 =	vadd.f32 v27, v25;
	v34 =	vld [tilespmem:s18+$0x200];
	v23 =	vmul.f32 v23, v30;
	v26 =	vmul.f32 v26, v31  }
0xcd: {  	vm5 =	vgt.f32 v22, $0.0e+00;
	vm6 =	vgt.f32 v21, $0.0e+00;
	v27 =	vld [tilespmem:s18+$0x2A00];
	v28 =	vadd.f32 v29, v28  }
0xce: {  	v30 =	vsel vm5, v3, v11;
	v31 =	vsel vm6, v4, v12;
	v29 =	vld [tilespmem:s18+$0x210];
	v23 =	vadd.f32 v26, v23  }
0xcf: {  	v35 =	vmul.f32 v30, v22;
	v21 =	vmul.f32 v31, v21;
	v19 =	vadd.f32 v20, v19;
	v26 =	vld [tilespmem:s18+$0x2A10]  }
0xd0: {  	vm5 =	vgt.f32 v25, $0.0e+00;
	vm6 =	vgt.f32 v28, $0.0e+00;
	v30 =	vld [tilespmem:s18+$0x220];
	v24 =	vadd.f32 v32, v24;
	(xrf2) =	vadd.scan.msk.f32 $0xffff, v23;
	v20 =	vpop (erf)  }
0xd1: {  	v36 =	vsel vm5, v1, v9;
	v32 =	vsel vm6, v2, v10;
	v38 =	vadd.f32 v21, v35;
	v23 =	vld [tilespmem:s18+$0x2A20];
	v22, _, _ =	vpop (xrf2);
	[tilespmem:s14+$0x5200] =	vst v20  }
0xd2: {  	v25 =	vmul.f32 v36, v25;
	v28 =	vmul.f32 v32, v28;
	v27 =	vadd.f32 v27, v34;
	v34 =	vld [tilespmem:s18+$0x230];
	v31 =	vpop (erf)  }
0xd3: {  	vm5 =	vgt.f32 v19, $0.0e+00;
	vm6 =	vgt.f32 v24, $0.0e+00;
	v32 =	vld [tilespmem:s18+$0x2A30];
	(xrf2) =	vadd.scan.msk.f32 $0xffff, v38;
	v37 =	vnsel vm4, $0x0, v31  }
0xd4: {  	v25 =	vadd.f32 v28, v25;
	v28 =	vsel vm5, v7, v15;
	v36 =	vsel vm6, v8, v16;
	v35 =	vld [tilespmem:s18+$0x240];
	[tilespmem:s24+$0x6680] =	vst v37;
	v21, _, _ =	vpop (xrf2)  }
0xd5: {  	v26 =	vadd.f32 v26, v29;
	v19 =	vmul.f32 v28, v19;
	v24 =	vmul.f32 v36, v24;
	v29 =	vld [tilespmem:s18+$0x2A40];
	[tilespmem:s24+$0x5280] =	vst v31  }
0xd6: {  	vm5 =	vgt.f32 v27, $0.0e+00;
	v23 =	vadd.f32 v23, v30;
	v28 =	vld [tilespmem:s18+$0x250];
	(xrf2) =	vadd.scan.msk.f32 $0xffff, v25;
	v25 =	vbroadcast v33, $0xF  }
0xd7: {  	v30 =	vsel vm5, v1, v9;
	vm5 =	vgt.f32 v26, $0.0e+00;
	v19 =	vadd.f32 v24, v19;
	v31 =	vld [tilespmem:s18+$0x2A50]  }
0xd8: {  	v24 =	vsel vm5, v2, v10;
	vm5 =	vgt.f32 v23, $0.0e+00;
	v32 =	vadd.f32 v32, v34;
	v33 =	vld [tilespmem:s18+$0x260]  }
0xd9: {  	v27 =	vmul.f32 v30, v27;
	v24 =	vmul.f32 v24, v26;
	v26 =	vsel vm5, v3, v11;
	v30 =	vld [tilespmem:s18+$0x2A60];
	(xrf2) =	vadd.scan.msk.f32 $0xffff, v19  }
0xda: {  	v23 =	vmul.f32 v26, v23;
	vm5 =	vgt.f32 v32, $0.0e+00;
	v26 =	vadd.f32 v29, v35;
	v29 =	vld [tilespmem:s18+$0x270];
	v34, _, _ =	vpop (xrf2)  }
0xdb: {  	s12 =	sshra.s32 s19, $0x2;
	v18 =	vnsel vm0, $0x0, v18;
	v24 =	vadd.f32 v24, v27;
	v27 =	vsel vm5, v4, v12;
	v35 =	vld [tilespmem:s18+$0x2A70]  }
0xdc: {  	v19 =	vld [tilespmem:s12+$0x2E0];
	v27 =	vmul.f32 v27, v32;
	vm5 =	vgt.f32 v26, $0.0e+00;
	v28 =	vadd.f32 v31, v28  }
0xdd: {  	v18 =	vsel vm1, v18, v25;
	v31 =	vld [tilespmem:s12+$0x2C0];
	v32 =	vsel vm5, v5, v13;
	(xrf2) =	vadd.scan.msk.f32 $0xffff, v24;
	v36, _, _ =	vpop (xrf2);
	v24 =	vbroadcast v22, $0xF  }
0xde: {  	v37 =	vld [tilespmem:s12+$0x2AC0];
	v32 =	vmul.f32 v32, v26;
	vm5 =	vgt.f32 v28, $0.0e+00;
	v25 =	vadd.f32 v30, v33  }
0xdf: {  	v21 =	vbroadcast v21, $0xF;
	v23 =	vadd.f32 v27, v23;
	v33 =	vld [tilespmem:s12+$0x2D0];
	v22 =	vsel vm5, v6, v14  }
0xe0: {  	v38 =	vld [tilespmem:s12+$0x2AD0];
	v27 =	vmul.f32 v22, v28;
	vm5 =	vgt.f32 v25, $0.0e+00;
	v28 =	vadd.f32 v35, v29;
	v26, _, _ =	vpop (xrf2)  }
0xe1: {  	v18 =	vsel vm2, v18, v24;
	v22 =	vld [tilespmem:s12+$0x2A0];
	v29 =	vsel vm5, v7, v15;
	v26 =	vbroadcast v26, $0xF;
	(xrf2) =	vadd.scan.msk.f32 $0xffff, v23  }
0xe2: {  	v24 =	vld [tilespmem:s12+$0x2AA0];
	v29 =	vmul.f32 v29, v25;
	vm5 =	vgt.f32 v28, $0.0e+00;
	v25 =	vbroadcast v36, $0xF  }
0xe3: {  	v34 =	vbroadcast v34, $0xF;
	v23 =	vld [tilespmem:s12+$0x2B0];
	v30 =	vsel vm5, v8, v16;
	v35 =	vnsel vm0, $0x0, v26;
	v36, _, _ =	vpop (xrf2)  }
.Ltmp1:
0xe4: {  	v26 =	vld [tilespmem:s12+$0x2AB0];
	v28 =	vmul.f32 v30, v28;
	v30 =	vsel vm1, v35, v25;
	v35 =	vbroadcast v36, $0xF;
	(pc) =	sbr.rel @p0 .LBB2_5-.Ltmp1, $4  }
0xe5: {  	v39 =	vsel vm3, v18, v21;
	v36 =	vadd.f32 v27, v32;
	v25 =	vld [tilespmem:s12+$0x280];
	v30 =	vsel vm2, v30, v34  }
0xe6: {  	v34 =	vmul.f32 $1.442695020e+00, v39;
	v27 =	vld [tilespmem:s12+$0x2A80];
	v21 =	vadd.f32 v28, v29;
	v29 =	vsel vm3, v30, v35  }
0xe7: {  	v20 =	vnsel vm4, $0x0, v20;
	v28 =	vld [tilespmem:s12+$0x290];
	v32 =	vmul.f32 $1.442695020e+00, v29;
	v18, _, _ =	vpop (xrf2);
	(xrf2) =	vadd.scan.msk.f32 $0xffff, v36;
	(erf) = vpow2.f32 v17  }
0xe8: {  	s19 =	sadd.s32 $0x400, s19;
	v30 =	vadd.f32 v37, v31;
	v31 =	vadd.f32 v38, v33;
	v17 =	vmovc v34;
	v29 =	vld [tilespmem:s12+$0x2A90];
	v18 =	vbroadcast v18, $0xF;
	[tilespmem:s14+$0x6600] =	vst v20;
	s14 =	smov.u32 s17;
	s17 =	smov.u32 s24  }
0xe9: {  	v33 =	vld [tilespmem:s12+$0x2AE0];
	(erf) = vpow2.f32 v32  }
0xea: {  	v34 =	vld [tilespmem:s12+$0x2F0]  }
0xeb: {  	v62 =	vld [tilespmem:s12+$0x2AF0]  }
0xec: {  	v35 =	vld [tilespmem:s12+$0x200]  }
0xed: {  	v36 =	vld [tilespmem:s12+$0x2A00];
	v22 =	vadd.f32 v24, v22  }
0xee: {  	v37 =	vld [tilespmem:s12+$0x210];
	v23 =	vadd.f32 v26, v23;
	vm5 =	vgt.f32 v30, $0.0e+00;
	vm6 =	vgt.f32 v31, $0.0e+00  }
0xef: {  	v38 =	vld [tilespmem:s12+$0x2A10];
	v26 =	vsel vm5, v5, v13;
	v40 =	vsel vm6, v6, v14  }
0xf0: {  	v39 =	vld [tilespmem:s12+$0x220];
	v25 =	vadd.f32 v27, v25;
	vm5 =	vgt.f32 v22, $0.0e+00;
	vm6 =	vgt.f32 v23, $0.0e+00;
	v20 =	vpop (erf)  }
0xf1: {  	v24 =	vld [tilespmem:s12+$0x2A20];
	v26 =	vmul.f32 v26, v30;
	v27 =	vmul.f32 v40, v31;
	v63 =	vsel vm5, v3, v11;
	[tilespmem:s14+$0x5200] =	vst v20  }
0xf2: {  	v41 =	vsel vm6, v4, v12;
	v28 =	vadd.f32 v29, v28;
	v22 =	vmul.f32 v63, v22;
	v30 =	vld [tilespmem:s12+$0x230];
	v29 =	vpop (erf)  }
0xf3: {  	v23 =	vmul.f32 v41, v23;
	vm5 =	vgt.f32 v25, $0.0e+00;
	v31 =	vld [tilespmem:s12+$0x2A30];
	v42 =	vnsel vm4, $0x0, v29  }
0xf4: {  	v26 =	vadd.f32 v27, v26;
	v32 =	vadd.f32 v62, v34;
	vm6 =	vgt.f32 v28, $0.0e+00;
	v43 =	vld [tilespmem:s12+$0x240];
	[tilespmem:s18+$0x6680] =	vst v42  }
0xf5: {  	v46 =	vadd.f32 v38, v37;
	v44 =	vsel vm6, v2, v10;
	v42 =	vsel vm5, v1, v9;
	v27 =	vld [tilespmem:s12+$0x2A40];
	[tilespmem:s18+$0x5280] =	vst v29  }
0xf6: {  	v22 =	vadd.f32 v23, v22;
	v23 =	vmul.f32 v42, v25;
	v25 =	vmul.f32 v44, v28;
	v28 =	vld [tilespmem:s12+$0x250]  }
0xf7: {  	v19 =	vadd.f32 v33, v19;
	vm6 =	vgt.f32 v32, $0.0e+00;
	v45 =	vld [tilespmem:s12+$0x2A50]  }
0xf8: {  	v24 =	vadd.f32 v24, v39;
	v48 =	vsel vm6, v8, v16;
	vm6 =	vgt.f32 v46, $0.0e+00;
	v47 =	vld [tilespmem:s12+$0x260]  }
0xf9: {  	v32 =	vmul.f32 v48, v32;
	vm5 =	vgt.f32 v19, $0.0e+00;
	v29 =	vadd.f32 v36, v35;
	v49 =	vld [tilespmem:s12+$0x270]  }
0xfa: {  	v51 =	vsel vm6, v2, v10;
	v52 =	vld [tilespmem:s12+$0x2A70];
	v23 =	vadd.f32 v25, v23;
	v25 =	vsel vm5, v7, v15  }
0xfb: {  	(xrf2) =	vadd.scan.msk.f32 $0xffff, v21;
	vm5 =	vgt.f32 v29, $0.0e+00;
	v21 =	vadd.f32 v31, v30;
	v19 =	vmul.f32 v25, v19;
	v25 =	vld [tilespmem:s12+$0x2A60]  }
0xfc: {  	v30 =	vmul.f32 v51, v46;
	v50 =	vsel vm5, v1, v9;
	vm5 =	vgt.f32 v24, $0.0e+00  }
0xfd: {  	(xrf2) =	vadd.scan.msk.f32 $0xffff, v26;
	v29 =	vmul.f32 v50, v29;
	v26 =	vsel vm5, v3, v11;
	vm5 =	vgt.f32 v21, $0.0e+00  }
0xfe: {  	(xrf2) =	vadd.scan.msk.f32 $0xffff, v22;
	v19 =	vadd.f32 v32, v19;
	v27 =	vadd.f32 v27, v43;
	v22 =	vmul.f32 v26, v24  }
0xff: {  	(xrf2) =	vadd.scan.msk.f32 $0xffff, v23;
	v23 =	vsel vm5, v4, v12;
	v24 =	vadd.f32 v30, v29;
	v26 =	vadd.f32 v45, v28  }
0x100: {  	v29 =	vadd.f32 v52, v49;
	vm5 =	vgt.f32 v27, $0.0e+00;
	v25 =	vadd.f32 v25, v47  }
0x101: {  	v21 =	vmul.f32 v23, v21;
	v28 =	vsel vm5, v5, v13;
	vm5 =	vgt.f32 v26, $0.0e+00  }
0x102: {  	(xrf2) =	vadd.scan.msk.f32 $0xffff, v19;
	vm6 =	vgt.f32 v29, $0.0e+00;
	v19 =	vsel vm5, v6, v14;
	vm5 =	vgt.f32 v25, $0.0e+00  }
0x103: {  	v23 =	vmul.f32 v28, v27;
	v19 =	vmul.f32 v19, v26;
	v26 =	vsel vm5, v7, v15  }
0x104: {  	v27 =	vsel vm6, v8, v16  }
0x105: {  	v21 =	vadd.f32 v21, v22;
	v28, _, _ =	vpop (xrf2);
	v22 =	vmul.f32 v26, v25;
	v25 =	vmul.f32 v27, v29  }
0x106: {  	v19 =	vadd.f32 v19, v23;
	v26, _, _ =	vpop (xrf2);
	(xrf2) =	vadd.scan.msk.f32 $0xffff, v24  }
0x107: {  	v23, _, _ =	vpop (xrf2);
	(xrf2) =	vadd.scan.msk.f32 $0xffff, v21;
	v21 =	vadd.f32 v25, v22;
	_ =	sdelay $0x1  }
0x108: {  	v22, _, _ =	vpop (xrf2)  }
0x109: {  	(xrf2) =	vadd.scan.msk.f32 $0xffff, v19;
	v19, _, _ =	vpop (xrf2)  }
0x10a: {  	(xrf2) =	vadd.scan.msk.f32 $0xffff, v21;
	v21, _, _ =	vpop (xrf2)  }
0x10b: {  	v21 =	vbroadcast v21, $0xF  }
0x10c: {  	v19 =	vbroadcast v19, $0xF  }
0x10d: {  	v22 =	vbroadcast v22, $0xF;
	v24, _, _ =	vpop (xrf2);
	v21 =	vnsel vm0, $0x0, v21  }
0x10e: {  	v19 =	vsel vm1, v21, v19;
	v21 =	vbroadcast v24, $0xF  }
0x10f: {  	v24 =	vbroadcast v28, $0xF;
	v19 =	vsel vm2, v19, v22  }
0x110: {  	v19 =	vsel vm3, v19, v21  }
0x111: {  	v18 =	vnsel vm0, $0x0, v18;
	v22 =	vbroadcast v26, $0xF;
	v19 =	vmul.f32 $1.442695020e+00, v19  }
0x112: {  	v23 =	vbroadcast v23, $0xF;
	v18 =	vsel vm1, v18, v24;
	v21, _, _ =	vpop (xrf2)  }
0x113: {  	v18 =	vsel vm2, v18, v22;
	v21 =	vbroadcast v21, $0xF;
	v24, _, _ =	vpop (xrf2)  }
0x114: {  	(erf) = vpow2.f32 v17;
	v18 =	vsel vm3, v18, v23;
	v17, _, _ =	vpop (xrf2);
	v22 =	vbroadcast v24, $0xF  }
0x115: {  	(erf) = vpow2.f32 v19;
	v19, _, _ =	vpop (xrf2);
	v21 =	vnsel vm0, $0x0, v21;
	v17 =	vbroadcast v17, $0xF  }
0x116: {  	v18 =	vmul.f32 $1.442695020e+00, v18;
	v21 =	vsel vm1, v21, v22;
	v19 =	vbroadcast v19, $0xF  }
0x117: {  	v17 =	vsel vm2, v21, v17  }
0x118: {  	(erf) = vpow2.f32 v18;
	v17 =	vsel vm3, v17, v19  }
0x119: {  	v17 =	vmul.f32 $1.442695020e+00, v17;
	_ =	sdelay $0x2  }
0x11a: {  	v18 =	vnsel vm4, $0x0, v20;
	(erf) = vpow2.f32 v17  }
0x11b: {  	[tilespmem:s14+$0x6600] =	vst v18;
	v17 =	vpop (erf)  }
0x11c: {  	v19 =	vpop (erf);
	[tilespmem:s17+$0x5200] =	vst v17;
	v17 =	vnsel vm4, $0x0, v17  }
0x11d: {  	v18 =	vnsel vm4, $0x0, v19;
	[tilespmem:s12+$0x5280] =	vst v19  }
0x11e: {  	[tilespmem:s12+$0x6680] =	vst v18  }
0x11f: {  	[tilespmem:s17+$0x6600] =	vst v17;
	v17 =	vpop (erf)  }
0x120: {  	[tilespmem:s18+$0x5200] =	vst v17;
	v17 =	vnsel vm4, $0x0, v17;
	_ =	sdelay $0x2  }
0x121: {  	s19 =	sadd.s32 s9, s13;
	[tilespmem:s18+$0x6600] =	vst v17;
	v17 =	vpop (erf)  }
0x122: {  	s14 =	sshll.u32 s19, $0x4;
	[tilespmem:s12+$0x5200] =	vst v17;
	v17 =	vnsel vm4, $0x0, v17  }
0x123: {  	s24 =	sadd.s32 s10, s14;
	[tilespmem:s12+$0x6600] =	vst v17  }
0x124: {  	[hbm4b:s24+s3] =	stream.linear.scatter [tilespmem:s0], [sflag:$0x3], $0x1400, $0x38;
	[tilespmem:$0x1BA80] =	vst v63  }
0x125: {  	_ =	swait.ge [sflag:s20], $0x1400  }
0x126: {  	[sflag:s20] =	ssyncset.done $0x0  }
0x127: {  	p0 =	seq.s32 s8, $0x7C;
	[sflag:s20] =	ssyncadd.s32 $0xFFFFEC00  }
0x128: {  	[spmem:s2] =	stream.indirect.scatter.add.f32 [tilespmem:s4], [sflag:$0x3], $0x80, s22, s23, $0xb8;
	[tilespmem:$0x1BA80] =	vst v63  }
0x129: {  	s12 =	sadd.s32 @!p0 s13, s16;
	_ =	swait.ge [sflag:s20], $0x1400  }
0x12a: {  	s12 =	sshrl.u32 @!p0 s12, $0x3;
	[sflag:s20] =	ssyncset.done $0x0  }
0x12b: {  	s14 =	simm.s32 @!p0 $0x0;
	s13 =	sadd.s32 @!p0 s6, s12;
	[sflag:s20] =	ssyncadd.s32 $0xFFFFEC00  }
0x12c: {  	[tilespmem:s14], [sflag:$0x3] =	stream.linear.gather @!p0 [hbm4b:s13+s14], $0x28, $0x38;
	[tilespmem:$0x1BA80] =	vst v63  }
0x12d: {  	s13 =	simm.s32 @!p0 $0x3  }
0x12e: {  	_ =	swait.ge @!p0 [sflag:s13], $0x28  }
0x12f: {  	[sflag:s13] =	ssyncset.done @!p0 $0x0  }
0x130: {  	s17 =	simm.s32 @!p0 $0x100;
	s12 =	sadd.s32 @!p0 s7, s12;
	[sflag:s13] =	ssyncadd.s32 @!p0 $0xFFFFFFD8  }
0x131: {  	[tilespmem:s17], [sflag:$0x3] =	stream.linear.gather @!p0 [hbm4b:s12+s14], $0x28, $0x38;
	[tilespmem:$0x1BA80] =	vst v63  }
0x132: {  	_ =	swait.ge @!p0 [sflag:s13], $0x28  }
0x133: {  	[sflag:s13] =	ssyncset.done @!p0 $0x0  }
0x134: {  	s12 =	simm.s32 @!p0 $0x28;
	[sflag:s13] =	ssyncadd.s32 @!p0 $0xFFFFFFD8;
	s13 =	simm.s32 @!p0 $0x200  }
0x135: {  	[tilespmem:s13], [sflag:$0x1] =	stream.indirect.gather @!p0 [hbm4b:s1+s12], $0x80, s14, s12, $0xb8;
	[tilespmem:$0x1BA80] =	vst v63  }
0x136: {  	s13 =	simm.s32 @!p0 $0x2A00  }
0x137: {  	[tilespmem:s13], [sflag:$0x1] =	stream.indirect.gather @!p0 [hbm4b:s5+s12], $0x80, s17, s12, $0xb8;
	[tilespmem:$0x1BA80] =	vst v63  }
0x138: {  	_ =	swait.ge [sflag:s21], $0x1400  }
0x139: {  	[sflag:s21] =	ssyncset.done $0x0  }
0x13a: {  	[sflag:s21] =	ssyncadd.s32 $0xFFFFEC00  }
0x13b: {  	_ =	swait.ge [sflag:s21], $0x1400  }
0x13c: {  	[sflag:s21] =	ssyncset.done $0x0  }
0x13d: {  	s13 =	simm.s32 $0x0;
	[sflag:s21] =	ssyncadd.s32 $0xFFFFEC00  }
0x13e: {  	v18 =	vld [tilespmem:s13+$0x16C0]  }
0x13f: {  	v19 =	vld [tilespmem:s13+$0x3EC0]  }
0x140: {  	v20 =	vld [tilespmem:s13+$0x16D0]  }
0x141: {  	v21 =	vld [tilespmem:s13+$0x3ED0]  }
0x142: {  	v22 =	vld [tilespmem:s13+$0x16A0]  }
0x143: {  	v23 =	vld [tilespmem:s13+$0x3EA0]  }
0x144: {  	v24 =	vld [tilespmem:s13+$0x16B0]  }
0x145: {  	v25 =	vld [tilespmem:s13+$0x3EB0]  }
0x146: {  	v26 =	vld [tilespmem:s13+$0x1680]  }
0x147: {  	v27 =	vld [tilespmem:s13+$0x3E80]  }
0x148: {  	v28 =	vld [tilespmem:s13+$0x1690]  }
0x149: {  	v29 =	vld [tilespmem:s13+$0x3E90]  }
0x14a: {  	v17 =	vld [tilespmem:s13+$0x16E0]  }
0x14b: {  	v30 =	vld [tilespmem:s13+$0x1600];
	v18 =	vadd.f32 v19, v18  }
0x14c: {  	v19 =	vld [tilespmem:s13+$0x3EE0];
	v20 =	vadd.f32 v21, v20;
	v22 =	vadd.f32 v23, v22  }
0x14d: {  	v21 =	vld [tilespmem:s13+$0x16F0];
	v24 =	vadd.f32 v25, v24;
	v26 =	vadd.f32 v27, v26;
	vm5 =	vgt.f32 v18, $0.0e+00  }
0x14e: {  	v23 =	vld [tilespmem:s13+$0x3EF0];
	v28 =	vadd.f32 v29, v28;
	vm6 =	vgt.f32 v20, $0.0e+00;
	v25 =	vsel vm5, v5, v13  }
0x14f: {  	v53 =	vld [tilespmem:s13+$0x3E10];
	v31 =	vsel vm6, v6, v14;
	vm5 =	vgt.f32 v22, $0.0e+00;
	vm6 =	vgt.f32 v24, $0.0e+00  }
0x150: {  	s14 =	simm.s32 $0x100;
	v54 =	vld [tilespmem:s13+$0x1630];
	v18 =	vmul.f32 v25, v18;
	v20 =	vmul.f32 v31, v20;
	v29 =	vsel vm5, v3, v11  }
0x151: {  	v56 =	vld [tilespmem:s14+$0x3EC0];
	v31 =	vsel vm6, v4, v12;
	vm5 =	vgt.f32 v26, $0.0e+00;
	vm6 =	vgt.f32 v28, $0.0e+00  }
0x152: {  	v57 =	vld [tilespmem:s14+$0x16D0];
	v22 =	vmul.f32 v29, v22;
	v24 =	vmul.f32 v31, v24;
	v17 =	vadd.f32 v19, v17  }
0x153: {  	v59 =	vld [tilespmem:s14+$0x3ED0];
	v21 =	vadd.f32 v23, v21;
	v23 =	vsel vm5, v1, v9;
	v31 =	vsel vm6, v2, v10  }
0x154: {  	v27 =	vld [tilespmem:s13+$0x1610];
	v18 =	vadd.f32 v20, v18;
	v20 =	vmul.f32 v23, v26;
	v23 =	vmul.f32 v31, v28  }
0x155: {  	v25 =	vld [tilespmem:s13+$0x3E00];
	v22 =	vadd.f32 v24, v22;
	vm5 =	vgt.f32 v17, $0.0e+00;
	vm6 =	vgt.f32 v21, $0.0e+00  }
0x156: {  	v29 =	vld [tilespmem:s13+$0x1620];
	(xrf2) =	vadd.scan.msk.f32 $0xffff, v18;
	v18 =	vadd.f32 v23, v20;
	v20 =	vsel vm5, v7, v15;
	v23 =	vsel vm6, v8, v16  }
0x157: {  	v19 =	vld [tilespmem:s13+$0x3E20];
	(xrf2) =	vadd.scan.msk.f32 $0xffff, v22;
	v17 =	vmul.f32 v20, v17;
	v20 =	vmul.f32 v23, v21  }
0x158: {  	v26 =	vld [tilespmem:s13+$0x3E30];
	(xrf2) =	vadd.scan.msk.f32 $0xffff, v18  }
0x159: {  	v28 =	vld [tilespmem:s13+$0x3E40];
	v17 =	vadd.f32 v20, v17  }
0x15a: {  	v24 =	vld [tilespmem:s13+$0x1640];
	v23 =	vadd.f32 v25, v30  }
0x15b: {  	v61 =	vld [tilespmem:s14+$0x16A0];
	(xrf2) =	vadd.scan.msk.f32 $0xffff, v17  }
0x15c: {  	v21 =	vld [tilespmem:s13+$0x1650];
	v25 =	vadd.f32 v53, v27;
	vm5 =	vgt.f32 v23, $0.0e+00  }
0x15d: {  	v22 =	vld [tilespmem:s13+$0x3E60];
	v19 =	vadd.f32 v19, v29;
	v31 =	vsel vm5, v1, v9  }
0x15e: {  	v18 =	vld [tilespmem:s13+$0x3E50];
	vm6 =	vgt.f32 v25, $0.0e+00;
	v26 =	vadd.f32 v26, v54  }
0x15f: {  	v20 =	vld [tilespmem:s13+$0x1660];
	v55 =	vsel vm6, v2, v10;
	vm5 =	vgt.f32 v19, $0.0e+00;
	v24 =	vadd.f32 v28, v24  }
0x160: {  	v62 =	vld [tilespmem:s14+$0x3EA0];
	v23 =	vmul.f32 v31, v23;
	v25 =	vmul.f32 v55, v25;
	v58 =	vsel vm5, v3, v11;
	v31, _, _ =	vpop (xrf2)  }
0x161: {  	v27 =	vld [tilespmem:s13+$0x3E70];
	vm5 =	vgt.f32 v26, $0.0e+00;
	v19 =	vmul.f32 v58, v19;
	v28, _, _ =	vpop (xrf2)  }
0x162: {  	v17 =	vld [tilespmem:s13+$0x1670];
	v23 =	vadd.f32 v25, v23;
	v25 =	vsel vm5, v4, v12;
	vm5 =	vgt.f32 v24, $0.0e+00;
	v60, _, _ =	vpop (xrf2)  }
0x163: {  	v63 =	vld [tilespmem:s14+$0x16B0];
	v18 =	vadd.f32 v18, v21;
	v25 =	vmul.f32 v25, v26;
	v26 =	vbroadcast v60, $0xF  }
0x164: {  	v29 =	vld [tilespmem:s14+$0x16C0];
	v21 =	vsel vm5, v5, v13;
	v20 =	vadd.f32 v22, v20;
	v28 =	vbroadcast v28, $0xF  }
0x165: {  	v42 =	vld [tilespmem:s14+$0x3EB0];
	v21 =	vmul.f32 v21, v24;
	v24 =	vnsel vm0, $0x0, v26;
	v26 =	vbroadcast v31, $0xF;
	v31, _, _ =	vpop (xrf2)  }
0x166: {  	v43 =	vld [tilespmem:s14+$0x3E90];
	vm5 =	vgt.f32 v18, $0.0e+00;
	v22 =	vsel vm1, v24, v28;
	v24 =	vbroadcast v31, $0xF  }
0x167: {  	v44 =	vld [tilespmem:s14+$0x3E00];
	v17 =	vadd.f32 v27, v17;
	v27 =	vsel vm5, v6, v14;
	v22 =	vsel vm2, v22, v26  }
0x168: {  	v48 =	vld [tilespmem:s14+$0x1610];
	vm5 =	vgt.f32 v20, $0.0e+00;
	v18 =	vmul.f32 v27, v18;
	v22 =	vsel vm3, v22, v24  }
0x169: {  	v30 =	vld [tilespmem:s14+$0x16E0];
	v19 =	vadd.f32 v25, v19;
	v25 =	vadd.f32 v56, v29;
	v22 =	vmul.f32 $1.442695020e+00, v22  }
0x16a: {  	v18 =	vadd.f32 v18, v21;
	v28 =	vld [tilespmem:s14+$0x1680];
	v31 =	vsel vm5, v7, v15;
	vm5 =	vgt.f32 v17, $0.0e+00  }
0x16b: {  	v21 =	vadd.f32 v62, v61;
	v26 =	vld [tilespmem:s14+$0x3E80];
	v27 =	vsel vm5, v8, v16;
	(erf) = vpow2.f32 v22  }
0x16c: {  	v20 =	vmul.f32 v31, v20;
	vm5 =	vgt.f32 v25, $0.0e+00;
	v24 =	vld [tilespmem:s14+$0x1690];
	v17 =	vmul.f32 v27, v17  }
0x16d: {  	v31 =	vld [tilespmem:s14+$0x3EE0];
	v27 =	vadd.f32 v59, v57;
	v46 =	vsel vm5, v5, v13;
	vm5 =	vgt.f32 v21, $0.0e+00  }
0x16e: {  	v45 =	vadd.f32 v42, v63;
	(xrf2) =	vadd.scan.msk.f32 $0xffff, v23;
	v29 =	vld [tilespmem:s14+$0x3EF0];
	v25 =	vmul.f32 v46, v25;
	v23 =	vsel vm5, v3, v11  }
0x16f: {  	v17 =	vadd.f32 v17, v20;
	vm6 =	vgt.f32 v27, $0.0e+00;
	v21 =	vmul.f32 v23, v21;
	v22 =	vld [tilespmem:s14+$0x16F0]  }
0x170: {  	v49 =	vld [tilespmem:s14+$0x1620];
	v47 =	vsel vm6, v6, v14;
	vm6 =	vgt.f32 v45, $0.0e+00;
	v26 =	vadd.f32 v26, v28  }
0x171: {  	v53 =	vld [tilespmem:s14+$0x1640];
	v27 =	vmul.f32 v47, v27;
	v50 =	vsel vm6, v4, v12;
	v24 =	vadd.f32 v43, v24  }
0x172: {  	(xrf2) =	vadd.scan.msk.f32 $0xffff, v19;
	v20 =	vld [tilespmem:s14+$0x1600];
	v30 =	vadd.f32 v31, v30;
	v23 =	vmul.f32 v50, v45;
	vm5 =	vgt.f32 v26, $0.0e+00  }
0x173: {  	(xrf2) =	vadd.scan.msk.f32 $0xffff, v18;
	v28 =	vld [tilespmem:s14+$0x3E10];
	v25 =	vadd.f32 v27, v25;
	vm6 =	vgt.f32 v24, $0.0e+00;
	v18 =	vsel vm5, v1, v9  }
0x174: {  	v27 =	vld [tilespmem:s14+$0x3E20];
	v21 =	vadd.f32 v23, v21;
	v19 =	vadd.f32 v29, v22;
	v51 =	vsel vm6, v2, v10;
	v22 =	vpop (erf)  }
0x175: {  	v31 =	vld [tilespmem:s14+$0x1630];
	(xrf2) =	vadd.scan.msk.f32 $0xffff, v17;
	v17 =	vmul.f32 v18, v26;
	v18 =	vmul.f32 v51, v24;
	v52 =	vnsel vm4, $0x0, v22  }
0x176: {  	vm5 =	vgt.f32 v30, $0.0e+00;
	v29 =	vld [tilespmem:s14+$0x3E30];
	(xrf2) =	vadd.scan.msk.f32 $0xffff, v25;
	vm6 =	vgt.f32 v19, $0.0e+00;
	[tilespmem:s13+$0x6680] =	vst v52  }
0x177: {  	v17 =	vadd.f32 v18, v17;
	v18 =	vsel vm5, v7, v15;
	v24 =	vsel vm6, v8, v16;
	v23 =	vld [tilespmem:s14+$0x3E40];
	[tilespmem:s13+$0x5280] =	vst v22  }
0x178: {  	v20 =	vadd.f32 v44, v20;
	(xrf2) =	vadd.scan.msk.f32 $0xffff, v21;
	v18 =	vmul.f32 v18, v30;
	v19 =	vmul.f32 v24, v19;
	v21 =	vld [tilespmem:s14+$0x1650]  }
0x179: {  	v25 =	vadd.f32 v27, v49;
	(xrf2) =	vadd.scan.msk.f32 $0xffff, v17;
	v17 =	vld [tilespmem:s14+$0x3E50]  }
0x17a: {  	vm5 =	vgt.f32 v20, $0.0e+00;
	v18 =	vadd.f32 v19, v18;
	v22 =	vadd.f32 v28, v48;
	v19 =	vld [tilespmem:s14+$0x1660]  }
0x17b: {  	v27 =	vsel vm5, v1, v9;
	v29 =	vadd.f32 v29, v31;
	v26 =	vld [tilespmem:s14+$0x3E60]  }
0x17c: {  	vm5 =	vgt.f32 v25, $0.0e+00;
	v20 =	vmul.f32 v27, v20;
	v24, _, _ =	vpop (xrf2);
	(xrf2) =	vadd.scan.msk.f32 $0xffff, v18;
	v18 =	vld [tilespmem:s14+$0x1670];
	vm6 =	vgt.f32 v22, $0.0e+00  }
0x17d: {  	s17 =	simm.s32 $0x200;
	v55 =	vsel vm5, v3, v11;
	vm5 =	vgt.f32 v29, $0.0e+00;
	v30 =	vld [tilespmem:s14+$0x3E70];
	v28 =	vsel vm6, v2, v10  }
0x17e: {  	v24 =	vbroadcast v24, $0xF;
	v54, _, _ =	vpop (xrf2);
	v25 =	vmul.f32 v55, v25;
	v59 =	vsel vm5, v4, v12;
	v60 =	vld [tilespmem:s17+$0x16D0]  }
0x17f: {  	v31 =	vbroadcast v54, $0xF;
	v62 =	vld [tilespmem:s17+$0x3ED0];
	v29 =	vmul.f32 v59, v29  }
0x180: {  	v63 =	vld [tilespmem:s17+$0x16B0];
	v24 =	vnsel vm0, $0x0, v24;
	v22 =	vmul.f32 v28, v22;
	v23 =	vadd.f32 v23, v53;
	v28, _, _ =	vpop (xrf2)  }
0x181: {  	v45 =	vld [tilespmem:s17+$0x3EB0];
	v24 =	vsel vm1, v24, v31;
	v25 =	vadd.f32 v29, v25;
	v57, _, _ =	vpop (xrf2)  }
0x182: {  	v20 =	vadd.f32 v22, v20;
	v17 =	vadd.f32 v17, v21;
	vm5 =	vgt.f32 v23, $0.0e+00;
	v58, _, _ =	vpop (xrf2)  }
0x183: {  	v27 =	vld [tilespmem:s17+$0x16E0];
	v19 =	vadd.f32 v26, v19;
	v18 =	vadd.f32 v30, v18;
	v21 =	vsel vm5, v5, v13;
	v61, _, _ =	vpop (xrf2)  }
0x184: {  	v56 =	vld [tilespmem:s17+$0x16C0];
	v49 =	vadd.f32 v62, v60;
	v28 =	vbroadcast v28, $0xF;
	v21 =	vmul.f32 v21, v23;
	v23, _, _ =	vpop (xrf2)  }
0x185: {  	v46 =	vld [tilespmem:s17+$0x1680];
	vm5 =	vgt.f32 v17, $0.0e+00;
	v34 =	vbroadcast v57, $0xF;
	v23 =	vbroadcast v23, $0xF  }
0x186: {  	v48 =	vld [tilespmem:s17+$0x3E90];
	vm6 =	vgt.f32 v49, $0.0e+00;
	(xrf2) =	vadd.scan.msk.f32 $0xffff, v20;
	v20 =	vadd.f32 v45, v63;
	v35 =	vbroadcast v61, $0xF  }
0x187: {  	v31 =	vld [tilespmem:s17+$0x16A0];
	v29 =	vsel vm5, v6, v14;
	v32 =	vbroadcast v58, $0xF;
	v44, _, _ =	vpop (xrf2);
	v23 =	vnsel vm0, $0x0, v23  }
0x188: {  	v22 =	vld [tilespmem:s17+$0x3EC0];
	vm5 =	vgt.f32 v19, $0.0e+00;
	v30 =	vbroadcast v44, $0xF;
	v23 =	vsel vm1, v23, v35  }
0x189: {  	v26 =	vld [tilespmem:s17+$0x3EA0];
	v24 =	vsel vm2, v24, v28;
	v50 =	vsel vm6, v6, v14;
	v23 =	vsel vm2, v23, v32  }
0x18a: {  	v51 =	vld [tilespmem:s17+$0x3E00];
	v47 =	vsel vm5, v7, v15;
	vm5 =	vgt.f32 v18, $0.0e+00;
	v23 =	vsel vm3, v23, v30  }
0x18b: {  	v17 =	vmul.f32 v29, v17;
	v29 =	vld [tilespmem:s17+$0x3E80];
	v28 =	vsel vm5, v8, v16;
	v23 =	vmul.f32 $1.442695020e+00, v23  }
0x18c: {  	v52 =	vld [tilespmem:s17+$0x3E10];
	v24 =	vsel vm3, v24, v34;
	v19 =	vmul.f32 v47, v19;
	v18 =	vmul.f32 v28, v18  }
0x18d: {  	vm6 =	vgt.f32 v20, $0.0e+00;
	v22 =	vadd.f32 v22, v56;
	v30 =	vld [tilespmem:s17+$0x1690];
	(erf) = vpow2.f32 v23  }
0x18e: {  	v28 =	vld [tilespmem:s17+$0x3EE0];
	v19 =	vadd.f32 v18, v19;
	v18 =	vmul.f32 $1.442695020e+00, v24;
	v24 =	vadd.f32 v26, v31  }
0x18f: {  	v54 =	vsel vm6, v4, v12;
	v17 =	vadd.f32 v17, v21;
	v21 =	vld [tilespmem:s17+$0x3EF0];
	vm5 =	vgt.f32 v22, $0.0e+00  }
0x190: {  	(xrf2) =	vadd.scan.msk.f32 $0xffff, v25;
	v31 =	vsel vm5, v5, v13;
	v25 =	vadd.f32 v29, v46;
	vm5 =	vgt.f32 v24, $0.0e+00;
	v23 =	vld [tilespmem:s17+$0x16F0]  }
0x191: {  	v26 =	vld [tilespmem:s17+$0x1600];
	v22 =	vmul.f32 v31, v22;
	v29 =	vmul.f32 v50, v49;
	v53 =	vsel vm5, v3, v11  }
0x192: {  	(xrf2) =	vadd.scan.msk.f32 $0xffff, v17;
	v31 =	vld [tilespmem:s17+$0x1610];
	vm5 =	vgt.f32 v25, $0.0e+00;
	v24 =	vmul.f32 v53, v24;
	v30 =	vadd.f32 v48, v30  }
0x193: {  	v55 =	vld [tilespmem:s17+$0x3E30];
	v20 =	vmul.f32 v54, v20;
	(xrf2) =	vadd.scan.msk.f32 $0xffff, v19;
	v22 =	vadd.f32 v29, v22;
	v19 =	vsel vm5, v1, v9  }
0x194: {  	v29 =	vld [tilespmem:s17+$0x1620];
	v27 =	vadd.f32 v28, v27;
	v19 =	vmul.f32 v19, v25;
	vm6 =	vgt.f32 v30, $0.0e+00  }
0x195: {  	v28 =	vld [tilespmem:s17+$0x3E20];
	v20 =	vadd.f32 v20, v24;
	v17 =	vadd.f32 v21, v23;
	v23 =	vsel vm6, v2, v10  }
0x196: {  	(xrf2) =	vadd.scan.msk.f32 $0xffff, v22;
	v26 =	vadd.f32 v51, v26;
	vm5 =	vgt.f32 v27, $0.0e+00;
	v21 =	vld [tilespmem:s17+$0x1630];
	v22 =	vmul.f32 v23, v30;
	v24 =	vpop (erf)  }
0x197: {  	v31 =	vadd.f32 v52, v31;
	(xrf2) =	vadd.scan.msk.f32 $0xffff, v20;
	vm6 =	vgt.f32 v17, $0.0e+00;
	v23 =	vnsel vm4, $0x0, v24  }
0x198: {  	v25 =	vld [tilespmem:s17+$0x1640];
	v20 =	vsel vm5, v7, v15;
	v19 =	vadd.f32 v22, v19;
	v22 =	vsel vm6, v8, v16;
	[tilespmem:s14+$0x6680] =	vst v23  }
0x199: {  	vm5 =	vgt.f32 v26, $0.0e+00;
	v20 =	vmul.f32 v20, v27;
	v30, _, _ =	vpop (xrf2);
	v17 =	vmul.f32 v22, v17;
	v23 =	vld [tilespmem:s17+$0x3E40];
	[tilespmem:s14+$0x5280] =	vst v24  }
0x19a: {  	v27 =	vadd.f32 v28, v29;
	vm6 =	vgt.f32 v31, $0.0e+00;
	v22 =	vbroadcast v30, $0xF;
	v28 =	vld [tilespmem:s17+$0x1650]  }
0x19b: {  	(xrf2) =	vadd.scan.msk.f32 $0xffff, v19;
	v19 =	vsel vm5, v1, v9;
	v21 =	vadd.f32 v55, v21;
	v17 =	vadd.f32 v17, v20;
	v29 =	vld [tilespmem:s17+$0x3E50]  }
0x19c: {  	vm5 =	vgt.f32 v27, $0.0e+00;
	v20 =	vsel vm6, v2, v10;
	v19 =	vmul.f32 v19, v26;
	v30 =	vld [tilespmem:s17+$0x1660]  }
0x19d: {  	v24, _, _ =	vpop (xrf2);
	v20 =	vmul.f32 v20, v31;
	v26 =	vld [tilespmem:s17+$0x3E60];
	(xrf2) =	vadd.scan.msk.f32 $0xffff, v17;
	v17 =	vsel vm5, v3, v11;
	vm5 =	vgt.f32 v21, $0.0e+00  }
0x19e: {  	v17 =	vmul.f32 v17, v27;
	v27 =	vsel vm5, v4, v12  }
0x19f: {  	v24 =	vbroadcast v24, $0xF;
	v31 =	vld [tilespmem:s17+$0x3E70];
	v20 =	vadd.f32 v20, v19;
	v21 =	vmul.f32 v27, v21  }
0x1a0: {  	s12 =	simm.s32 $0x300;
	v22 =	vnsel vm0, $0x0, v22;
	v56, _, _ =	vpop (xrf2);
	v23 =	vadd.f32 v23, v25;
	v25 =	vld [tilespmem:s17+$0x1670]  }
0x1a1: {  	v57 =	vld [tilespmem:s12+$0x16C0];
	v21 =	vadd.f32 v21, v17;
	v28 =	vadd.f32 v29, v28;
	v29, _, _ =	vpop (xrf2);
	(xrf2) =	vadd.scan.msk.f32 $0xffff, v20;
	v20 =	vsel vm1, v22, v24  }
0x1a2: {  	v59 =	vld [tilespmem:s12+$0x3EC0];
	v24 =	vbroadcast v56, $0xF;
	v26 =	vadd.f32 v26, v30;
	vm5 =	vgt.f32 v23, $0.0e+00  }
0x1a3: {  	v60 =	vld [tilespmem:s12+$0x16D0];
	v58, _, _ =	vpop (xrf2);
	v29 =	vbroadcast v29, $0xF;
	v27 =	vsel vm5, v5, v13;
	vm5 =	vgt.f32 v28, $0.0e+00  }
0x1a4: {  	v61 =	vld [tilespmem:s12+$0x3ED0];
	v30, _, _ =	vpop (xrf2);
	v20 =	vsel vm2, v20, v24;
	v27 =	vmul.f32 v27, v23;
	v17 =	vsel vm5, v6, v14  }
0x1a5: {  	v19 =	vld [tilespmem:s12+$0x16E0];
	vm5 =	vgt.f32 v26, $0.0e+00;
	v23, _, _ =	vpop (xrf2);
	v20 =	vsel vm3, v20, v29;
	v25 =	vadd.f32 v31, v25  }
0x1a6: {  	v22 =	vld [tilespmem:s12+$0x16A0];
	(xrf2) =	vadd.scan.msk.f32 $0xffff, v21;
	v17 =	vmul.f32 v17, v28;
	v28 =	vsel vm5, v7, v15;
	v31 =	vbroadcast v23, $0xF  }
0x1a7: {  	v24 =	vld [tilespmem:s12+$0x3EA0];
	v28 =	vmul.f32 v28, v26;
	v26 =	vbroadcast v30, $0xF;
	v62, _, _ =	vpop (xrf2);
	vm5 =	vgt.f32 v25, $0.0e+00  }
0x1a8: {  	v23 =	vld [tilespmem:s12+$0x16B0];
	v30 =	vnsel vm0, $0x0, v31;
	v31 =	vbroadcast v58, $0xF;
	v32 =	vbroadcast v62, $0xF  }
0x1a9: {  	v29 =	vadd.f32 v17, v27;
	v27 =	vld [tilespmem:s12+$0x3E80];
	v63 =	vsel vm5, v8, v16;
	v30 =	vsel vm1, v30, v26  }
0x1aa: {  	v26 =	vld [tilespmem:s12+$0x3EB0];
	v34 =	vmul.f32 v63, v25;
	v30 =	vsel vm2, v30, v31  }
0x1ab: {  	(erf) = vpow2.f32 v18;
	v25 =	vld [tilespmem:s12+$0x1680];
	v30 =	vsel vm3, v30, v32  }
0x1ac: {  	v17 =	vmul.f32 $1.442695020e+00, v20;
	v21 =	vadd.f32 v34, v28;
	v28 =	vld [tilespmem:s12+$0x1690];
	v32 =	vmul.f32 $1.442695020e+00, v30;
	v20, _, _ =	vpop (xrf2);
	(xrf2) =	vadd.scan.msk.f32 $0xffff, v29  }
0x1ad: {  	s18 =	simm.s32 $0x1000;
	v31 =	vadd.f32 v61, v60;
	v29 =	vld [tilespmem:s12+$0x3E90];
	v30 =	vadd.f32 v59, v57;
	v18 =	vbroadcast v20, $0xF  }
.LBB2_7:
0x1ae: {  	p0 =	sne.s32 s18, $0x4C00;
	v20 =	vld [tilespmem:s12+$0x3EE0];
	(erf) = vpow2.f32 v32;
	s19 =	smov.u32 s17;
	s17 =	smov.u32 s12  }
0x1af: {  	v22 =	vadd.f32 v24, v22;
	vm5 =	vgt.f32 v30, $0.0e+00;
	vm6 =	vgt.f32 v31, $0.0e+00;
	v24 =	vld [tilespmem:s17+$0x16F0];
	(xrf2) =	vadd.scan.msk.f32 $0xffff, v21  }
0x1b0: {  	v21 =	vadd.f32 v26, v23;
	v23 =	vsel vm5, v5, v13;
	v26 =	vsel vm6, v6, v14;
	v32 =	vld [tilespmem:s17+$0x3EF0];
	v33, _, _ =	vpop (xrf2)  }
0x1b1: {  	v25 =	vadd.f32 v27, v25;
	v34 =	vld [tilespmem:s17+$0x1600];
	v23 =	vmul.f32 v23, v30;
	v26 =	vmul.f32 v26, v31  }
0x1b2: {  	vm5 =	vgt.f32 v22, $0.0e+00;
	vm6 =	vgt.f32 v21, $0.0e+00;
	v27 =	vld [tilespmem:s17+$0x3E00];
	v28 =	vadd.f32 v29, v28  }
0x1b3: {  	v30 =	vsel vm5, v3, v11;
	v31 =	vsel vm6, v4, v12;
	v29 =	vld [tilespmem:s17+$0x1610];
	v23 =	vadd.f32 v26, v23  }
0x1b4: {  	v35 =	vmul.f32 v30, v22;
	v21 =	vmul.f32 v31, v21;
	v19 =	vadd.f32 v20, v19;
	v26 =	vld [tilespmem:s17+$0x3E10]  }
0x1b5: {  	vm5 =	vgt.f32 v25, $0.0e+00;
	vm6 =	vgt.f32 v28, $0.0e+00;
	v30 =	vld [tilespmem:s17+$0x1620];
	v24 =	vadd.f32 v32, v24;
	(xrf2) =	vadd.scan.msk.f32 $0xffff, v23;
	v20 =	vpop (erf)  }
0x1b6: {  	v36 =	vsel vm5, v1, v9;
	v32 =	vsel vm6, v2, v10;
	v38 =	vadd.f32 v21, v35;
	v23 =	vld [tilespmem:s17+$0x3E20];
	v22, _, _ =	vpop (xrf2);
	[tilespmem:s13+$0x5200] =	vst v20  }
0x1b7: {  	v25 =	vmul.f32 v36, v25;
	v28 =	vmul.f32 v32, v28;
	v27 =	vadd.f32 v27, v34;
	v34 =	vld [tilespmem:s17+$0x1630];
	v31 =	vpop (erf)  }
0x1b8: {  	vm5 =	vgt.f32 v19, $0.0e+00;
	vm6 =	vgt.f32 v24, $0.0e+00;
	v32 =	vld [tilespmem:s17+$0x3E30];
	(xrf2) =	vadd.scan.msk.f32 $0xffff, v38;
	v37 =	vnsel vm4, $0x0, v31  }
0x1b9: {  	v25 =	vadd.f32 v28, v25;
	v28 =	vsel vm5, v7, v15;
	v36 =	vsel vm6, v8, v16;
	v35 =	vld [tilespmem:s17+$0x1640];
	[tilespmem:s19+$0x6680] =	vst v37;
	v21, _, _ =	vpop (xrf2)  }
0x1ba: {  	v26 =	vadd.f32 v26, v29;
	v19 =	vmul.f32 v28, v19;
	v24 =	vmul.f32 v36, v24;
	v29 =	vld [tilespmem:s17+$0x3E40];
	[tilespmem:s19+$0x5280] =	vst v31  }
0x1bb: {  	vm5 =	vgt.f32 v27, $0.0e+00;
	v23 =	vadd.f32 v23, v30;
	v28 =	vld [tilespmem:s17+$0x1650];
	(xrf2) =	vadd.scan.msk.f32 $0xffff, v25;
	v25 =	vbroadcast v33, $0xF  }
0x1bc: {  	v30 =	vsel vm5, v1, v9;
	vm5 =	vgt.f32 v26, $0.0e+00;
	v19 =	vadd.f32 v24, v19;
	v31 =	vld [tilespmem:s17+$0x3E50]  }
0x1bd: {  	v24 =	vsel vm5, v2, v10;
	vm5 =	vgt.f32 v23, $0.0e+00;
	v32 =	vadd.f32 v32, v34;
	v33 =	vld [tilespmem:s17+$0x1660]  }
0x1be: {  	v27 =	vmul.f32 v30, v27;
	v24 =	vmul.f32 v24, v26;
	v26 =	vsel vm5, v3, v11;
	v30 =	vld [tilespmem:s17+$0x3E60];
	(xrf2) =	vadd.scan.msk.f32 $0xffff, v19  }
0x1bf: {  	v23 =	vmul.f32 v26, v23;
	vm5 =	vgt.f32 v32, $0.0e+00;
	v26 =	vadd.f32 v29, v35;
	v29 =	vld [tilespmem:s17+$0x1670];
	v34, _, _ =	vpop (xrf2)  }
0x1c0: {  	s12 =	sshra.s32 s18, $0x2;
	v18 =	vnsel vm0, $0x0, v18;
	v24 =	vadd.f32 v24, v27;
	v27 =	vsel vm5, v4, v12;
	v35 =	vld [tilespmem:s17+$0x3E70]  }
0x1c1: {  	v19 =	vld [tilespmem:s12+$0x16E0];
	v27 =	vmul.f32 v27, v32;
	vm5 =	vgt.f32 v26, $0.0e+00;
	v28 =	vadd.f32 v31, v28  }
0x1c2: {  	v18 =	vsel vm1, v18, v25;
	v31 =	vld [tilespmem:s12+$0x16C0];
	v32 =	vsel vm5, v5, v13;
	(xrf2) =	vadd.scan.msk.f32 $0xffff, v24;
	v36, _, _ =	vpop (xrf2);
	v24 =	vbroadcast v22, $0xF  }
0x1c3: {  	v37 =	vld [tilespmem:s12+$0x3EC0];
	v32 =	vmul.f32 v32, v26;
	vm5 =	vgt.f32 v28, $0.0e+00;
	v25 =	vadd.f32 v30, v33  }
0x1c4: {  	v21 =	vbroadcast v21, $0xF;
	v23 =	vadd.f32 v27, v23;
	v33 =	vld [tilespmem:s12+$0x16D0];
	v22 =	vsel vm5, v6, v14  }
0x1c5: {  	v38 =	vld [tilespmem:s12+$0x3ED0];
	v27 =	vmul.f32 v22, v28;
	vm5 =	vgt.f32 v25, $0.0e+00;
	v28 =	vadd.f32 v35, v29;
	v26, _, _ =	vpop (xrf2)  }
0x1c6: {  	v18 =	vsel vm2, v18, v24;
	v22 =	vld [tilespmem:s12+$0x16A0];
	v29 =	vsel vm5, v7, v15;
	v26 =	vbroadcast v26, $0xF;
	(xrf2) =	vadd.scan.msk.f32 $0xffff, v23  }
0x1c7: {  	v24 =	vld [tilespmem:s12+$0x3EA0];
	v29 =	vmul.f32 v29, v25;
	vm5 =	vgt.f32 v28, $0.0e+00;
	v25 =	vbroadcast v36, $0xF  }
0x1c8: {  	v34 =	vbroadcast v34, $0xF;
	v23 =	vld [tilespmem:s12+$0x16B0];
	v30 =	vsel vm5, v8, v16;
	v35 =	vnsel vm0, $0x0, v26;
	v36, _, _ =	vpop (xrf2)  }
.Ltmp2:
0x1c9: {  	v26 =	vld [tilespmem:s12+$0x3EB0];
	v28 =	vmul.f32 v30, v28;
	v30 =	vsel vm1, v35, v25;
	v35 =	vbroadcast v36, $0xF;
	(pc) =	sbr.rel @p0 .LBB2_7-.Ltmp2, $4  }
0x1ca: {  	v39 =	vsel vm3, v18, v21;
	v36 =	vadd.f32 v27, v32;
	v25 =	vld [tilespmem:s12+$0x1680];
	v30 =	vsel vm2, v30, v34  }
0x1cb: {  	v34 =	vmul.f32 $1.442695020e+00, v39;
	v27 =	vld [tilespmem:s12+$0x3E80];
	v21 =	vadd.f32 v28, v29;
	v29 =	vsel vm3, v30, v35  }
0x1cc: {  	v20 =	vnsel vm4, $0x0, v20;
	v28 =	vld [tilespmem:s12+$0x1690];
	v32 =	vmul.f32 $1.442695020e+00, v29;
	v18, _, _ =	vpop (xrf2);
	(xrf2) =	vadd.scan.msk.f32 $0xffff, v36;
	(erf) = vpow2.f32 v17  }
0x1cd: {  	s18 =	sadd.s32 $0x400, s18;
	v30 =	vadd.f32 v37, v31;
	v31 =	vadd.f32 v38, v33;
	v17 =	vmovc v34;
	v29 =	vld [tilespmem:s12+$0x3E90];
	v18 =	vbroadcast v18, $0xF;
	[tilespmem:s13+$0x6600] =	vst v20;
	s13 =	smov.u32 s14;
	s14 =	smov.u32 s19  }
0x1ce: {  	v33 =	vld [tilespmem:s12+$0x3EE0]  }
0x1cf: {  	v34 =	vld [tilespmem:s12+$0x16F0];
	(erf) = vpow2.f32 v32  }
0x1d0: {  	v59 =	vld [tilespmem:s12+$0x3EF0]  }
0x1d1: {  	v35 =	vld [tilespmem:s12+$0x1600]  }
0x1d2: {  	v36 =	vld [tilespmem:s12+$0x3E00]  }
0x1d3: {  	v37 =	vld [tilespmem:s12+$0x1610];
	v22 =	vadd.f32 v24, v22;
	vm5 =	vgt.f32 v30, $0.0e+00  }
0x1d4: {  	v38 =	vld [tilespmem:s12+$0x3E10];
	v23 =	vadd.f32 v26, v23;
	vm6 =	vgt.f32 v31, $0.0e+00;
	v61 =	vsel vm5, v5, v13  }
0x1d5: {  	v39 =	vld [tilespmem:s12+$0x1620];
	v40 =	vsel vm6, v6, v14;
	v25 =	vadd.f32 v27, v25;
	vm5 =	vgt.f32 v22, $0.0e+00  }
0x1d6: {  	v60 =	vld [tilespmem:s12+$0x3E20];
	vm6 =	vgt.f32 v23, $0.0e+00;
	v26 =	vmul.f32 v61, v30;
	v62 =	vmul.f32 v40, v31;
	v20 =	vpop (erf)  }
0x1d7: {  	v47 =	vsel vm5, v3, v11;
	v41 =	vsel vm6, v4, v12;
	v28 =	vadd.f32 v29, v28;
	[tilespmem:s13+$0x5200] =	vst v20  }
0x1d8: {  	v22 =	vmul.f32 v47, v22;
	v23 =	vmul.f32 v41, v23;
	vm5 =	vgt.f32 v25, $0.0e+00;
	v63 =	vld [tilespmem:s12+$0x1630];
	v45 =	vpop (erf)  }
0x1d9: {  	v26 =	vadd.f32 v62, v26;
	v19 =	vadd.f32 v33, v19;
	v46 =	vld [tilespmem:s12+$0x3E30];
	v42 =	vnsel vm4, $0x0, v45  }
0x1da: {  	v32 =	vadd.f32 v59, v34;
	v49 =	vsel vm5, v1, v9;
	v51 =	vadd.f32 v36, v35;
	v43 =	vld [tilespmem:s12+$0x1640];
	[tilespmem:s17+$0x6680] =	vst v42  }
0x1db: {  	v56 =	vadd.f32 v38, v37;
	v24 =	vadd.f32 v60, v39;
	vm6 =	vgt.f32 v28, $0.0e+00;
	v48 =	vld [tilespmem:s12+$0x3E40];
	[tilespmem:s17+$0x5280] =	vst v45  }
0x1dc: {  	v22 =	vadd.f32 v23, v22;
	v25 =	vmul.f32 v49, v25;
	v50 =	vsel vm6, v2, v10;
	v52 =	vld [tilespmem:s12+$0x1650]  }
0x1dd: {  	vm5 =	vgt.f32 v19, $0.0e+00;
	vm6 =	vgt.f32 v32, $0.0e+00;
	v28 =	vmul.f32 v50, v28;
	v53 =	vld [tilespmem:s12+$0x3E50]  }
0x1de: {  	v54 =	vsel vm5, v7, v15;
	v55 =	vsel vm6, v8, v16;
	vm5 =	vgt.f32 v51, $0.0e+00;
	v57 =	vld [tilespmem:s12+$0x1660]  }
0x1df: {  	vm6 =	vgt.f32 v56, $0.0e+00;
	v19 =	vmul.f32 v54, v19;
	v58 =	vmul.f32 v55, v32;
	v59 =	vld [tilespmem:s12+$0x3E60]  }
0x1e0: {  	(xrf2) =	vadd.scan.msk.f32 $0xffff, v21;
	v61 =	vsel vm5, v1, v9;
	v62 =	vsel vm6, v2, v10;
	v60 =	vld [tilespmem:s12+$0x1670];
	v30 =	vadd.f32 v46, v63  }
0x1e1: {  	(xrf2) =	vadd.scan.msk.f32 $0xffff, v26;
	vm5 =	vgt.f32 v24, $0.0e+00;
	v25 =	vadd.f32 v28, v25;
	v63 =	vld [tilespmem:s12+$0x3E70];
	v27 =	vadd.f32 v48, v43  }
0x1e2: {  	(xrf2) =	vadd.scan.msk.f32 $0xffff, v22;
	v39 =	vsel vm5, v3, v11;
	vm5 =	vgt.f32 v30, $0.0e+00;
	v42 =	vadd.f32 v53, v52  }
0x1e3: {  	v19 =	vadd.f32 v58, v19;
	(xrf2) =	vadd.scan.msk.f32 $0xffff, v25;
	v41 =	vsel vm5, v4, v12;
	vm5 =	vgt.f32 v27, $0.0e+00  }
0x1e4: {  	v35 =	vmul.f32 v61, v51;
	v43 =	vsel vm5, v5, v13;
	vm5 =	vgt.f32 v42, $0.0e+00  }
0x1e5: {  	v38 =	vmul.f32 v62, v56;
	(xrf2) =	vadd.scan.msk.f32 $0xffff, v19;
	v44 =	vadd.f32 v59, v57;
	v19 =	vsel vm5, v6, v14  }
0x1e6: {  	v45 =	vadd.f32 v63, v60;
	v25 =	vmul.f32 v43, v27;
	v19 =	vmul.f32 v19, v42  }
0x1e7: {  	v40 =	vmul.f32 v39, v24;
	v21 =	vadd.f32 v38, v35;
	v23 =	vmul.f32 v41, v30  }
0x1e8: {  	v48, _, _ =	vpop (xrf2);
	vm5 =	vgt.f32 v44, $0.0e+00;
	vm6 =	vgt.f32 v45, $0.0e+00;
	v19 =	vadd.f32 v19, v25  }
0x1e9: {  	v51, _, _ =	vpop (xrf2);
	v22 =	vadd.f32 v23, v40;
	v46 =	vsel vm5, v7, v15;
	v47 =	vsel vm6, v8, v16  }
0x1ea: {  	(xrf2) =	vadd.scan.msk.f32 $0xffff, v21;
	v52, _, _ =	vpop (xrf2);
	v49 =	vmul.f32 v46, v44;
	v50 =	vmul.f32 v47, v45  }
0x1eb: {  	v54, _, _ =	vpop (xrf2);
	(xrf2) =	vadd.scan.msk.f32 $0xffff, v22  }
0x1ec: {  	v53 =	vadd.f32 v50, v49;
	(xrf2) =	vadd.scan.msk.f32 $0xffff, v19;
	v19, _, _ =	vpop (xrf2)  }
0x1ed: {  	v55, _, _ =	vpop (xrf2)  }
0x1ee: {  	(xrf2) =	vadd.scan.msk.f32 $0xffff, v53;
	v22 =	vbroadcast v55, $0xF  }
0x1ef: {  	v19 =	vbroadcast v19, $0xF  }
0x1f0: {  	v23 =	vbroadcast v54, $0xF;
	v56, _, _ =	vpop (xrf2);
	v22 =	vnsel vm0, $0x0, v22  }
0x1f1: {  	v57 =	vbroadcast v56, $0xF;
	v19 =	vsel vm1, v22, v19  }
0x1f2: {  	v19 =	vsel vm2, v19, v23  }
0x1f3: {  	v58 =	vbroadcast v48, $0xF;
	v19 =	vsel vm3, v19, v57  }
0x1f4: {  	v18 =	vnsel vm0, $0x0, v18;
	v59 =	vbroadcast v51, $0xF;
	v19 =	vmul.f32 $1.442695020e+00, v19  }
0x1f5: {  	v21 =	vbroadcast v52, $0xF;
	v18 =	vsel vm1, v18, v58;
	v60, _, _ =	vpop (xrf2)  }
0x1f6: {  	v18 =	vsel vm2, v18, v59;
	v61, _, _ =	vpop (xrf2);
	v22 =	vbroadcast v60, $0xF  }
0x1f7: {  	(erf) = vpow2.f32 v17;
	v18 =	vsel vm3, v18, v21;
	v62 =	vbroadcast v61, $0xF;
	v17, _, _ =	vpop (xrf2)  }
0x1f8: {  	v22 =	vnsel vm0, $0x0, v22;
	v17 =	vbroadcast v17, $0xF;
	(erf) = vpow2.f32 v19;
	v19, _, _ =	vpop (xrf2)  }
0x1f9: {  	v18 =	vmul.f32 $1.442695020e+00, v18;
	v63 =	vsel vm1, v22, v62;
	v19 =	vbroadcast v19, $0xF  }
0x1fa: {  	v17 =	vsel vm2, v63, v17  }
0x1fb: {  	(erf) = vpow2.f32 v18;
	v17 =	vsel vm3, v17, v19  }
0x1fc: {  	v17 =	vmul.f32 $1.442695020e+00, v17;
	_ =	sdelay $0x2  }
0x1fd: {  	v18 =	vnsel vm4, $0x0, v20;
	(erf) = vpow2.f32 v17  }
0x1fe: {  	[tilespmem:s13+$0x6600] =	vst v18;
	v17 =	vpop (erf)  }
0x1ff: {  	v19 =	vpop (erf);
	[tilespmem:s14+$0x5200] =	vst v17;
	v17 =	vnsel vm4, $0x0, v17  }
0x200: {  	v18 =	vnsel vm4, $0x0, v19;
	[tilespmem:s12+$0x5280] =	vst v19  }
0x201: {  	[tilespmem:s12+$0x6680] =	vst v18  }
0x202: {  	[tilespmem:s14+$0x6600] =	vst v17;
	v17 =	vpop (erf)  }
0x203: {  	[tilespmem:s17+$0x5200] =	vst v17;
	v17 =	vnsel vm4, $0x0, v17;
	_ =	sdelay $0x2  }
0x204: {  	[tilespmem:s17+$0x6600] =	vst v17;
	v17 =	vpop (erf)  }
0x205: {  	s11 =	sshll.u32 s11, $0x4;
	[tilespmem:s12+$0x5200] =	vst v17;
	v17 =	vnsel vm4, $0x0, v17  }
0x206: {  	s11 =	sadd.s32 s10, s11;
	[tilespmem:s12+$0x6600] =	vst v17  }
0x207: {  	[hbm4b:s11+s3] =	stream.linear.scatter [tilespmem:s0], [sflag:$0x3], $0x1400, $0x38;
	[tilespmem:$0x1BA80] =	vst v63  }
0x208: {  	s8 =	sadd.s32 $0x1, s8;
	_ =	swait.ge [sflag:s20], $0x1400  }
0x209: {  	p0 =	sne.s32 s8, $0x7D;
	[sflag:s20] =	ssyncset.done $0x0  }
.Ltmp3:
0x20a: {  	[sflag:s20] =	ssyncadd.s32 $0xFFFFEC00;
	(pc) =	sbr.rel @p0 .LBB2_4-.Ltmp3, $4  }
0x20b: {  	[spmem:s2] =	stream.indirect.scatter.add.f32 [tilespmem:s4], [sflag:$0x3], $0x80, s28, s23, $0xb8;
	[tilespmem:$0x1BA80] =	vst v63  }
0x20c: {  	_ =	swait.ge [sflag:s20], $0x1400  }
0x20d: {  	[sflag:s20] =	ssyncset.done $0x0  }
0x20e: {  	[sflag:s20] =	ssyncadd.s32 $0xFFFFEC00  }
0x20f: {  	[bflag:$0x0] =	sbarrier.arrive $0xFFFF  }
0x210: {  	s12 =	rddreg [dreg:$0x6]  }
0x211: {  	s8 =	rddreg [dreg:$0xa]  }
0x212: {  	s11 =	rddreg [dreg:$0xb]  }
0x213: {  	[hbm:s8], [sflag:s12] =	dma.local [spmem:s11], $0x2800  }
0x214: {  	_ =	swait.ge [sflag:s20], $0x2800  }
0x215: {  	s13 =	rddreg [dreg:$0xc]  }
0x216: {  	s24 =	rddreg [dreg:$0x9];
	s13 =	sadd.s32 $0x1, s13  }
0x217: {  	p0 =	sne.s32 s13, s24  }
.Ltmp4:
0x218: {  	_ = 	snop;
	(pc) =	sbr.rel @p0 .LBB2_1-.Ltmp4, $3  }
0x219: {  	_ =	sdelay $0x1  }
0x21a: {  	[sflag:s20] =	ssyncset.done $0x0  }
0x21b: {  	[sflag:s20] =	ssyncadd.s32 $0xFFFFD800  }
0x21c: {  	_ =	sfence.sel $0x180000  }
0x21d: {  	[bflag:$0x0] =	sbarrier.arrive $0xFFFF  }
0x21e: {  	_ =	strace $0x90000047  }
0x21f: {  	s0 =	stileid.u32;
	[bflag:$0x2] =	sbarrier.arrive $0xFFFF  }
0x220: {  	p0 =	sne.s32 s0, $0x0;
	s0 =	rddreg [dreg:$0x3]  }
0x221: {  	s0 =	sadd.s32 @!p0 $0x100000, s0  }
0x222: {  	[sflag:s0] =	ssyncadd.tile.s32 @!p0 $0x1;
	_ =	shalt  }
.Lfunc_end2:
_tile_overlayer_lowered:
.L_overlay_start_2:
0x223: {  	(tag) =	ssettag $0x2  }
0x224: {  	s0 =	rddreg [dreg:$0x0];
	s2 =	stileid.u32  }
0x225: {  	s1 =	rddreg [dreg:$0x1];
	p0 =	sne.s32 s2, $0x0  }
0x226: {  	s3 =	rddreg [dreg:$0x2];
	[bflag:$0x3] =	sbarrier.arrive $0xFFFF;
	s2 =	simm.s32 @!p0 $0x1C03  }
0x227: {  	[timem:s3], [sflag:s2] =	dma.local @!p0 [hbm:s0], s1  }
0x228: {  	s0 =	simm.s32 @!p0 $0x3  }
0x229: {  	_ =	swait.ge @!p0 [sflag:s0], s1  }
0x22a: {  	s1 =	ssub.s32 @!p0 $0x0, s1;
	[sflag:s0] =	ssyncset.done @!p0 $0x0  }
0x22b: {  	[sflag:s0] =	ssyncadd.s32 @!p0 s1  }
0x22c: {  	[bflag:$0x3] =	sbarrier.arrive $0xFFFF  }
0x22d: {  	_ =	shalt  }

// kernel: kernel.9.cloned.1.call-start
scs
__scs_entry_jumppad:
0x0: {  	(pc) =	sbr.rel $0x88, $3  }
0x1: {  	(tag) =	ssettag $0x0;
	lr =	simm.s32 $0x1  }
0x2: {  	[smem:$0x3F97] =	sst lr;
	_ =	strace $0xD0000000  }
0x3: {  	_ = 	snop  }
0x4: {  	_ = 	snop  }
0x5: {  	_ = 	snop  }
0x6: {  	_ = 	snop  }
0x7: {  	_ = 	snop  }
__scs_overlays_trampoline_lowered:
0x8: {  	[smem:$0x3FA6] =	sst s0  }
0x9: {  	[smem:$0x3FA7] =	sst s1  }
0xa: {  	[smem:$0x3FA8] =	sst s2  }
0xb: {  	[smem:$0x3FA9] =	sst s3  }
0xc: {  	[smem:$0x3FAA] =	sst s4  }
0xd: {  	[smem:$0x3FAB] =	sst s5  }
0xe: {  	[smem:$0x3FAC] =	sst s6  }
0xf: {  	[smem:$0x3FAD] =	sst s7  }
0x10: {  	[smem:$0x3FAE] =	sst s8  }
0x11: {  	[smem:$0x3FAF] =	sst s9;
	s0 =	simm.s32 @!p0 $0x0  }
0x12: {  	s1 =	sld [smem:$0x3F95];
	s0 =	simm.s32 @p0 $0x1  }
0x13: {  	[smem:$0x3FB0] =	sst s0;
	s0 =	simm.s32 @!p1 $0x0  }
0x14: {  	s2 =	sld [smem:$0x3F94];
	s0 =	simm.s32 @p1 $0x1  }
0x15: {  	[smem:$0x3FB1] =	sst s0;
	s0 =	simm.s32 @!p2 $0x0  }
0x16: {  	s3 =	sld [smem:$0x3FDB];
	s0 =	simm.s32 @p2 $0x1  }
0x17: {  	s4 =	simm.s32 $0x1BF5;
	[smem:$0x3FB3] =	sst s0  }
0x18: {  	s0 =	sld [smem:$0x3F96];
	_ =	swait.ge [sflag:s4], $0x0  }
0x19: {  	s7 =	sld [smem:$0x3F97]  }
0x1a: {  	s8 =	sadd.s32 $0xFFFFE003, lr  }
0x1b: {  	s9 =	sadd.s32 $0xFFFFFEF7, lr;
	s5 =	simm.s32 $0xFFFFFFFF;
	p2 =	slt.u32 s8, $0xFFFFF086  }
0x1c: {  	p1 =	slt.u32 s9, $0xF7A;
	s5 =	simm.s32 @!p2 $0x0  }
0x1d: {  	s5 =	simm.s32 @p1 $0x1;
	p0 =	seq.s32 s7, s2  }
0x1e: {  	s7 =	smul.u32 @!p0 $0xF7A, s2;
	p2 =	seq.s32 @!p0 s5, $0x0  }
0x1f: {  	s9 =	smul.u32 $0xF7A, s1;
	s8 =	simm.s32 @!p0 $0x1BF5;
	p2 =	por !p2, p0  }
0x20: {  	[sflag:s8] =	ssyncset.s32 @!p0 $0xFFFFF086;
	s6 =	sadd.s32 @!p0 s3, s7;
	s7 =	simm.s32 @!p0 $0x108  }
0x21: {  	s3 =	sadd.s32 s3, s9;
	s6 =	sadd.s32 @!p0 $0x88, s6;
	s7 =	simm.s32 @p2 $0x1082  }
0x22: {  	[simem:s7], [sflag:s8] =	dma.local @!p0 [hbm:s6], $0xF7A  }
0x23: {  	s9 =	sor.u32 $0xD0000000, s2;
	s6 =	simm.s32 $0x108;
	_ =	swait.ge @!p0 [sflag:s8], $0x0  }
0x24: {  	s3 =	sadd.s32 $0x88, s3;
	s6 =	simm.s32 @!p1 $0x1082;
	[sflag:s4] =	ssyncset.s32 $0xFFFFF086  }
0x25: {  	[simem:s6], [sflag:s4] =	dma.local [hbm:s3], $0xF7A  }
0x26: {  	[smem:$0x3F97] =	sst s1;
	(tag) =	ssettag s2;
	_ =	strace s9  }
0x27: {  	s1 =	sld [smem:$0x3FA7]  }
0x28: {  	s2 =	sld [smem:$0x3FA8]  }
0x29: {  	s4 =	sld [smem:$0x3FAA]  }
0x2a: {  	p0 =	seq.s32 s5, $0x0;
	s5 =	sld [smem:$0x3FAB]  }
0x2b: {  	s6 =	sld [smem:$0x3FAC]  }
0x2c: {  	s7 =	sld [smem:$0x3FAD]  }
0x2d: {  	s3 =	simm.s32 $0x108;
	s8 =	sld [smem:$0x3FAE]  }
0x2e: {  	s3 =	simm.s32 @!p0 $0x1082;
	s9 =	sld [smem:$0x3FAF]  }
0x2f: {  	lr =	sadd.s32 s0, s3;
	s0 =	sld [smem:$0x3FA6]  }
0x30: {  	s3 =	sld [smem:$0x3FA9]  }
0x31: {  	[smem:$0x3FB2] =	sst s10  }
0x32: {  	s10 =	sld [smem:$0x3FB0];
	_ =	sdelay $0x3  }
0x33: {  	p0 =	seq.s32 s10, $0x1;
	s10 =	sld [smem:$0x3FB2];
	_ =	sdelay $0x3  }
0x34: {  	[smem:$0x3FB2] =	sst s10  }
0x35: {  	s10 =	sld [smem:$0x3FB1];
	_ =	sdelay $0x3  }
0x36: {  	p1 =	seq.s32 s10, $0x1;
	s10 =	sld [smem:$0x3FB2];
	_ =	sdelay $0x3  }
0x37: {  	[smem:$0x3FB2] =	sst s10  }
0x38: {  	s10 =	sld [smem:$0x3FB3]  }
0x39: {  	_ = 	snop;
	(pc) =	sbr.ind lr, $3  }
0x3a: {  	_ = 	snop  }
0x3b: {  	_ = 	snop  }
0x3c: {  	p2 =	seq.s32 s10, $0x1;
	s10 =	sld [smem:$0x3FB2]  }
0x3d: {  	_ =	shalt  }
0x3e: {  	_ =	shalt  }
0x3f: {  	_ =	shalt  }
0x40: {  	_ =	shalt  }
0x41: {  	_ =	shalt  }
0x42: {  	_ =	shalt  }
0x43: {  	_ =	shalt  }
0x44: {  	_ =	shalt  }
0x45: {  	_ =	shalt  }
0x46: {  	_ =	shalt  }
0x47: {  	_ =	shalt  }
0x48: {  	_ =	shalt  }
0x49: {  	_ =	shalt  }
0x4a: {  	_ =	shalt  }
0x4b: {  	_ =	shalt  }
0x4c: {  	_ =	shalt  }
0x4d: {  	_ =	shalt  }
0x4e: {  	_ =	shalt  }
0x4f: {  	_ =	shalt  }
0x50: {  	_ =	shalt  }
0x51: {  	_ =	shalt  }
0x52: {  	_ =	shalt  }
0x53: {  	_ =	shalt  }
0x54: {  	_ =	shalt  }
0x55: {  	_ =	shalt  }
0x56: {  	_ =	shalt  }
0x57: {  	_ =	shalt  }
0x58: {  	_ =	shalt  }
0x59: {  	_ =	shalt  }
0x5a: {  	_ =	shalt  }
0x5b: {  	_ =	shalt  }
0x5c: {  	_ =	shalt  }
0x5d: {  	_ =	shalt  }
0x5e: {  	_ =	shalt  }
0x5f: {  	_ =	shalt  }
0x60: {  	_ =	shalt  }
0x61: {  	_ =	shalt  }
0x62: {  	_ =	shalt  }
0x63: {  	_ =	shalt  }
0x64: {  	_ =	shalt  }
0x65: {  	_ =	shalt  }
0x66: {  	_ =	shalt  }
0x67: {  	_ =	shalt  }
0x68: {  	_ =	shalt  }
0x69: {  	_ =	shalt  }
0x6a: {  	_ =	shalt  }
0x6b: {  	_ =	shalt  }
0x6c: {  	_ =	shalt  }
0x6d: {  	_ =	shalt  }
0x6e: {  	_ =	shalt  }
0x6f: {  	_ =	shalt  }
0x70: {  	_ =	shalt  }
0x71: {  	_ =	shalt  }
0x72: {  	_ =	shalt  }
0x73: {  	_ =	shalt  }
0x74: {  	_ =	shalt  }
0x75: {  	_ =	shalt  }
0x76: {  	_ =	shalt  }
0x77: {  	_ =	shalt  }
0x78: {  	_ =	shalt  }
0x79: {  	_ =	shalt  }
0x7a: {  	_ =	shalt  }
0x7b: {  	_ =	shalt  }
0x7c: {  	_ =	shalt  }
0x7d: {  	_ =	shalt  }
0x7e: {  	_ =	shalt  }
0x7f: {  	_ =	shalt  }
0x80: {  	_ =	shalt  }
0x81: {  	_ =	shalt  }
0x82: {  	_ =	shalt  }
0x83: {  	_ =	shalt  }
0x84: {  	_ =	shalt  }
0x85: {  	_ =	shalt  }
0x86: {  	_ =	shalt  }
0x87: {  	_ =	shalt  }
.Lfunc_end0:
.L_simem_size_0:
called_computation.1_lowered:
.L_overlay_start_0:
0x88: {  	s2 =	sld [smem:$0x3FD9]  }
0x89: {  	s3 =	sld [smem:$0x3FFE];
	_ =	sdelay $0x1  }
0x8a: {  	s1 =	srdreg.scid  }
0x8b: {  	s0 =	sand.u32 $0x1, s1  }
0x8c: {  	s17 =	sshll.u32 s0, $0xA;
	s2 =	sadd.s32 s3, s2  }
0x8d: {  	s2 =	sadd.s32 s2, s17  }
0x8e: {  	[smem:$0x3FBE] =	sst s2  }
0x8f: {  	_ = 	snop  }
0x90: {  	s2 =	sld [smem:$0x3FD0];
	(tm) =	ssettm $0x1  }
0x91: {  	s18 =	sld [smem:$0x3FFB];
	_ =	sdelay $0x3  }
0x92: {  	_ =	strace s18  }
0x93: {  	s3 =	sld [smem:$0x3FFC];
	_ =	sdelay $0x3  }
0x94: {  	_ =	strace s3  }
0x95: {  	s3 =	sld [smem:$0x3FFD];
	_ =	sdelay $0x3  }
0x96: {  	_ =	strace s3  }
0x97: {  	_ =	strace $0x8FFFFFFF  }
0x98: {  	s19 =	sld [smem:$0x3FDB];
	_ =	sdelay $0x1  }
0x99: {  	s4 =	simm.s32 $_scs_section_size  }
0x9a: {  	s5 =	simm.s32 $_size__tile_overlayer_lowered;
	s6 =	simm.s32 $_tile_overlayer_lowered  }
0x9b: {  	s22 =	simm.s32 $0x1BFF;
	s21 =	sshll.u32 s6, $0x1;
	s3 =	sadd.s32 s4, s19  }
0x9c: {  	s7 =	simm.s32 $0x0;
	s20 =	sshll.u32 s5, $0x1;
	s5 =	sadd.s32 s21, s3  }
0x9d: {  	[timem:s7], [sflag:s22] =	dma.local [hbm:s5], s20  }
0x9e: {  	_ =	swait.ge [sflag:s22], s20  }
0x9f: {  	s4 =	ssub.s32 $0x0, s20;
	[sflag:s22] =	ssyncset.done $0x0  }
0xa0: {  	[sflag:s22] =	ssyncadd.s32 s4;
	_ =	sdelay $0x1  }
0xa1: {  	s23 =	simm.s32 $0x1B8B  }
0xa2: {  	_ =	swait.ge [sflag:s23], $0x1  }
0xa3: {  	[sflag:s23] =	ssyncset.done $0x0  }
0xa4: {  	s25 =	simm.s32 $0x1B8E;
	s24 =	sld [smem:$0x3FFE];
	[sflag:s23] =	ssyncadd.s32 $0xFFFFFFFF  }
0xa5: {  	s26 =	simm.s32 $execute0_lowered;
	[smem:$0x3FD2] =	sst s25  }
0xa6: {  	s5 =	sshll.u32 s26, $0x1;
	_ =	strace $0x80000049;
	[dreg:$0x1] =	wrdreg $0xFFFFFFFF  }
0xa7: {  	s28 =	simm.s32 $_size_execute0_lowered;
	s3 =	sadd.s32 s3, s5;
	[dreg:$0x0] =	wrdreg $0x0  }
0xa8: {  	s5 =	sshll.u32 s28, $0x1;
	[dreg:$0x2] =	wrdreg s3  }
0xa9: {  	[dreg:$0x3] =	wrdreg s5  }
0xaa: {  	[dreg:$0x4] =	wrdreg $0xC0  }
0xab: {  	_ =	task [dreg:s7], $0x5FFFF  }
0xac: {  	[dreg:$0x1] =	wrdreg $0xFFFFFFFF  }
0xad: {  	[dreg:$0x0] =	wrdreg $0x60  }
0xae: {  	[dreg:$0x2] =	wrdreg s2  }
0xaf: {  	[dreg:$0x3] =	wrdreg s24  }
0xb0: {  	[dreg:$0x4] =	wrdreg $0x66000  }
0xb1: {  	[dreg:$0x5] =	wrdreg $0x9  }
0xb2: {  	_ =	task.clear_ibuf [dreg:s7], $0x6FFFF;
	_ =	strace $0x90000049  }
0xb3: {  	s29 =	simm.s32 $0x9;
	_ =	strace $0x8000004B  }
0xb4: {  	_ =	swait.ge [sflag:s29], $0x1  }
0xb5: {  	[sflag:s29] =	ssyncadd.s32 $0xFFFFFFFF  }
0xb6: {  	_ =	strace $0x9000004B  }
0xb7: {  	_ =	sfence  }
0xb8: {  	s30 =	sld [smem:$0x0];
	_ =	sdelay $0x2  }
0xb9: {  	s31 =	sshll.u32 s1, $0xD;
	s1 =	sshrl.u32 s1, $0x2  }
0xba: {  	s3 =	sand.u32 $0x4000, s31;
	s1 =	sadd.s32 s1, s30  }
0xbb: {  	s0 =	sor.u32 s3, s0;
	s1 =	sshll.u32 s1, $0x11  }
0xbc: {  	s0 =	sor.u32 s1, s0  }
0xbd: {  	s0 =	sadd.s32 $0x8F2B, s0  }
0xbe: {  	[sflag:s0] =	ssyncadd.remote.s32 $0x1  }
0xbf: {  	_ =	sfence.sel $0xFFFF  }
0xc0: {  	[dreg:$0x0] =	wrdreg $0xFFFFFFFF;
	(pc) =	sbr.abs _section_cstart, $3  }
0xc1: {  	[dreg:$0x1] =	wrdreg $0xFFFFFFFF  }
0xc2: {  	_ =	task.clear_ibuf [dreg:s7], $0x2FFFF;
	_ =	strace $0x9FFFFFFF  }
0xc3: {  	(tm) =	ssettm $0x7FFFFFFF  }
tec
execute0_lowered:
.L_overlay_start_1:
0x0: {  	(tag) =	ssettag $0x1  }
0x1: {  	s1 =	rddreg [dreg:$0x0]  }
0x2: {  	s0 =	rddreg [dreg:$0x1]  }
0x3: {  	s2 =	rddreg [dreg:$0x2];
	s3 =	simm.s32 $0x0  }
0x4: {  	s12 =	stileid.u32;
	s4 =	srdreg.scid;
	s18 =	simm.s32 $0x3  }
0x5: {  	s19 =	simm.s32 $0x100;
	s28 =	simm.s32 $0x1;
	s29 =	simm.s32 $0x5200  }
0x6: {  	s30 =	simm.s32 $0x2;
	s31 =	simm.s32 $0x0;
	[smem:$0x7FF] =	sst s3  }
0x7: {  	s5 =	sadd.s32 $0xC600, s0;
	s6 =	sadd.s32 $0x2800, s0;
	s8 =	smul.u32 $0x2800, s12  }
0x8: {  	s7 =	sadd.s32 $0x65800, s0;
	s4 =	sand.u32 $0x1, s4;
	s11 =	smul.u32 $0x50000, s12  }
0x9: {  	s22 =	sshll.u32 s12, $0x6;
	_ =	strace $0x8000004A;
	s9 =	ssub.s32 $0x2, s4  }
0xa: {  	s10 =	sshll.u32 s4, $0x4;
	p0 =	seq.s32 s4, $0x1;
	s4 =	simm.s32 $0x5BF800  }
0xb: {  	s0 =	sadd.s32 s8, s0;
	s20 =	sshrl.u32 s9, $0x1;
	s10 =	sor.u32 s12, s10  }
0xc: {  	s21 =	sshrl.u32 s11, $0x2;
	s4 =	simm.s32 @!p0 $0x597800;
	s14 =	smul.u32 $0x2710, s10  }
0xd: {  	s8 =	ssub.s32 s9, s20;
	s17 =	sadd.s32 s21, s2;
	s23 =	smul.u32 $0x27100, s10  }
0xe: {  	s24 =	sadd.s32 $0x3D800, s0;
	s9 =	sor.u32 $0x1C03, s22;
	s16 =	sadd.s32 s4, s0  }
0xf: {  	s20 =	simm.s32 $0x28;
	[dreg:$0x4] =	wrdreg s24;
	s15 =	smax.u32 s8, $0x1  }
0x10: {  	s17 =	sshrl.u32 s17, $0x3;
	s24 =	simm.s32 $0x180;
	s25 =	sshrl.u32 s14, $0x3  }
0x11: {  	s12 =	sadd.s32 s7, s23;
	s13 =	sadd.s32 $0x28, s14;
	s14 =	sadd.s32 $0x50, s14  }
0x12: {  	s23 =	simm.s32 $0x80;
	s26 =	sadd.s32 s5, s25;
	s11 =	sadd.s32 s6, s25  }
0x13: {  	s25 =	simm.s32 $0x1600;
	[dreg:$0x5] =	wrdreg s26;
	s26 =	simm.s32 $0x3E00  }
.LBB2_1:
0x14: {  	s0 =	rddreg [dreg:$0x4]  }
0x15: {  	[spmem:s17], [sflag:s9] =	dma.local [hbm:s0], $0x2800  }
0x16: {  	_ =	swait.ge [sflag:s18], $0x2800  }
0x17: {  	[sflag:s18] =	ssyncset.done $0x0  }
0x18: {  	[sflag:s18] =	ssyncadd.s32 $0xFFFFD800  }
0x19: {  	[bflag:$0x0] =	sbarrier.arrive $0xFFFF  }
0x1a: {  	s10 =	rddreg [dreg:$0x5]  }
0x1b: {  	[tilespmem:s3], [sflag:$0x3] =	stream.linear.gather [hbm4b:s10+s3], $0x28, $0x38;
	[tilespmem:$0x1A600] =	vst v63  }
0x1c: {  	_ =	swait.ge [sflag:s18], $0x28  }
0x1d: {  	[sflag:s18] =	ssyncset.done $0x0  }
0x1e: {  	[sflag:s18] =	ssyncadd.s32 $0xFFFFFFD8  }
0x1f: {  	[tilespmem:s19], [sflag:$0x3] =	stream.linear.gather [hbm4b:s11+s3], $0x28, $0x38;
	[tilespmem:$0x1A600] =	vst v63  }
0x20: {  	_ =	swait.ge [sflag:s18], $0x28  }
0x21: {  	[sflag:s18] =	ssyncset.done $0x0  }
0x22: {  	s21 =	simm.s32 $0x200;
	[sflag:s18] =	ssyncadd.s32 $0xFFFFFFD8  }
0x23: {  	[tilespmem:s21], [sflag:$0x1] =	stream.indirect.gather [hbm4b:s1+s20], $0x80, s3, s20, $0xb8;
	[tilespmem:$0x1A600] =	vst v63  }
0x24: {  	s22 =	simm.s32 $0x2A00;
	s0 =	simm.s32 $0x0  }
0x25: {  	[tilespmem:s22], [sflag:$0x1] =	stream.linear.gather [hbm4b:s12+s3], $0x1400, $0x38;
	[tilespmem:$0x1A600] =	vst v63  }
.LBB2_2:
0x26: {  	s4 =	smul.u32 $0x50, s0;
	_ =	sdelay $0x1  }
0x27: {  	s8 =	sadd.s32 s4, s13  }
0x28: {  	s21 =	sshrl.u32 s8, $0x3  }
0x29: {  	s10 =	simm.s32 $0x0;
	s22 =	sadd.s32 s5, s21  }
0x2a: {  	[tilespmem:s23], [sflag:$0x3] =	stream.linear.gather [hbm4b:s22+s10], $0x28, $0x38;
	[tilespmem:$0x1A600] =	vst v63  }
0x2b: {  	_ =	swait.ge [sflag:s18], $0x28  }
0x2c: {  	[sflag:s18] =	ssyncset.done $0x0  }
0x2d: {  	s21 =	sadd.s32 s6, s21;
	[sflag:s18] =	ssyncadd.s32 $0xFFFFFFD8  }
0x2e: {  	[tilespmem:s24], [sflag:$0x3] =	stream.linear.gather [hbm4b:s21+s10], $0x28, $0x38;
	[tilespmem:$0x1A600] =	vst v63  }
0x2f: {  	_ =	swait.ge [sflag:s18], $0x28  }
0x30: {  	[sflag:s18] =	ssyncset.done $0x0  }
0x31: {  	s8 =	sshll.u32 s8, $0x4;
	[sflag:s18] =	ssyncadd.s32 $0xFFFFFFD8  }
0x32: {  	[tilespmem:s25], [sflag:$0x2] =	stream.indirect.gather [hbm4b:s1+s20], $0x80, s23, s20, $0xb8;
	[tilespmem:$0x1A600] =	vst v63  }
0x33: {  	s8 =	sadd.s32 s7, s8  }
0x34: {  	[tilespmem:s26], [sflag:$0x2] =	stream.linear.gather [hbm4b:s8+s10], $0x1400, $0x38;
	[tilespmem:$0x1A600] =	vst v63  }
0x35: {  	_ =	swait.ge [sflag:s28], $0x1400  }
0x36: {  	[sflag:s28] =	ssyncset.done $0x0  }
0x37: {  	[sflag:s28] =	ssyncadd.s32 $0xFFFFEC00  }
0x38: {  	_ =	swait.ge [sflag:s28], $0x1400  }
0x39: {  	[sflag:s28] =	ssyncset.done $0x0  }
0x3a: {  	s21 =	simm.s32 $0x0;
	[sflag:s28] =	ssyncadd.s32 $0xFFFFEC00  }
0x3b: {  	v1 =	vld [tilespmem:s21+$0x2A80]  }
0x3c: {  	v2 =	vld [tilespmem:s21+$0x2A00]  }
0x3d: {  	v3 =	vld [tilespmem:s21+$0x2F0]  }
0x3e: {  	v5 =	vld [tilespmem:s21+$0x210]  }
0x3f: {  	v4 =	vld [tilespmem:s21+$0x200]  }
0x40: {  	v6 =	vld [tilespmem:s21+$0x220];
	v0 =	vbroadcast v1, $0x3  }
0x41: {  	v7 =	vld [tilespmem:s21+$0x230];
	v9 =	vbroadcast v2, $0x0  }
0x42: {  	v8 =	vld [tilespmem:s21+$0x240];
	v3 =	vmul.f32 v3, v0  }
0x43: {  	v10 =	vld [tilespmem:s21+$0x250];
	v5 =	vmul.f32 v5, v9  }
0x44: {  	v11 =	vld [tilespmem:s21+$0x260];
	v4 =	vmul.f32 v9, v4;
	[tilespmem:s21+$0x52F0] =	vst v3;
	v3 =	vbroadcast v2, $0x1  }
0x45: {  	v12 =	vld [tilespmem:s21+$0x270];
	[tilespmem:s21+$0x5210] =	vst v5;
	v5 =	vbroadcast v2, $0x2  }
0x46: {  	v13 =	vld [tilespmem:s21+$0x290];
	[tilespmem:s21+$0x5200] =	vst v4;
	v4 =	vmul.f32 v6, v3  }
0x47: {  	v9 =	vld [tilespmem:s21+$0x280];
	v6 =	vmul.f32 v7, v3;
	v7 =	vmul.f32 v8, v5  }
0x48: {  	v3 =	vld [tilespmem:s21+$0x2A0];
	v8 =	vbroadcast v2, $0x3;
	v2 =	vmul.f32 v10, v5;
	[tilespmem:s21+$0x5220] =	vst v4  }
0x49: {  	v10 =	vbroadcast v1, $0x0;
	v4 =	vld [tilespmem:s21+$0x2B0];
	[tilespmem:s21+$0x5240] =	vst v7  }
0x4a: {  	v5 =	vld [tilespmem:s21+$0x2C0];
	v7 =	vmul.f32 v11, v8;
	[tilespmem:s21+$0x5250] =	vst v2;
	v2 =	vbroadcast v1, $0x1  }
0x4b: {  	[tilespmem:s21+$0x5230] =	vst v6;
	v6 =	vld [tilespmem:s21+$0x2D0];
	v1 =	vbroadcast v1, $0x2;
	v8 =	vmul.f32 v12, v8  }
0x4c: {  	s22 =	simm.s32 $0x100;
	s8 =	simm.s32 $0x800;
	v9 =	vmul.f32 v10, v9;
	v10 =	vmul.f32 v13, v10;
	[tilespmem:s21+$0x5260] =	vst v7;
	v7 =	vld [tilespmem:s21+$0x2E0]  }
.LBB2_3:
0x4d: {  	p0 =	sne.s32 s8, $0x4C00;
	v11 =	vld [tilespmem:s22+$0x2A80];
	[tilespmem:s21+$0x5270] =	vst v8;
	v3 =	vmul.f32 v3, v2  }
0x4e: {  	v8 =	vld [tilespmem:s22+$0x2A00];
	[tilespmem:s21+$0x5280] =	vst v9;
	v2 =	vmul.f32 v4, v2  }
0x4f: {  	v4 =	vld [tilespmem:s22+$0x2F0];
	[tilespmem:s21+$0x5290] =	vst v10;
	v5 =	vmul.f32 v5, v1  }
0x50: {  	v9 =	vld [tilespmem:s22+$0x200];
	[tilespmem:s21+$0x52A0] =	vst v3;
	v1 =	vmul.f32 v6, v1  }
0x51: {  	v3 =	vld [tilespmem:s22+$0x210];
	[tilespmem:s21+$0x52B0] =	vst v2;
	v2 =	vmul.f32 v7, v0  }
0x52: {  	v6 =	vld [tilespmem:s22+$0x220];
	v7 =	vbroadcast v11, $0x0;
	v0 =	vbroadcast v11, $0x3;
	[tilespmem:s21+$0x52C0] =	vst v5  }
0x53: {  	v5 =	vbroadcast v8, $0x0;
	v10 =	vbroadcast v8, $0x1;
	v12 =	vld [tilespmem:s22+$0x230];
	[tilespmem:s21+$0x52D0] =	vst v1  }
0x54: {  	v14 =	vbroadcast v8, $0x2;
	v13 =	vld [tilespmem:s22+$0x240];
	v4 =	vmul.f32 v4, v0;
	[tilespmem:s21+$0x52E0] =	vst v2;
	s21 =	smov.u32 s22  }
0x55: {  	v8 =	vbroadcast v8, $0x3;
	v2 =	vbroadcast v11, $0x1;
	v15 =	vld [tilespmem:s21+$0x250]  }
0x56: {  	v1 =	vbroadcast v11, $0x2;
	v9 =	vmul.f32 v5, v9;
	v16 =	vld [tilespmem:s21+$0x260];
	[tilespmem:s21+$0x52F0] =	vst v4  }
0x57: {  	v3 =	vmul.f32 v3, v5;
	v4 =	vmul.f32 v6, v10;
	v5 =	vld [tilespmem:s21+$0x270]  }
0x58: {  	[tilespmem:s21+$0x5200] =	vst v9;
	v6 =	vmul.f32 v12, v10;
	v9 =	vld [tilespmem:s21+$0x280]  }
0x59: {  	[tilespmem:s21+$0x5210] =	vst v3;
	v10 =	vmul.f32 v13, v14;
	v11 =	vld [tilespmem:s21+$0x290]  }
.Ltmp0:
0x5a: {  	[tilespmem:s21+$0x5220] =	vst v4;
	v12 =	vmul.f32 v15, v14;
	v3 =	vld [tilespmem:s21+$0x2A0];
	(pc) =	sbr.rel @p0 .LBB2_3-.Ltmp0, $4  }
0x5b: {  	[tilespmem:s21+$0x5230] =	vst v6;
	v13 =	vmul.f32 v16, v8;
	v4 =	vld [tilespmem:s21+$0x2B0]  }
0x5c: {  	[tilespmem:s21+$0x5240] =	vst v10;
	v8 =	vmul.f32 v5, v8;
	v5 =	vld [tilespmem:s21+$0x2C0]  }
0x5d: {  	[tilespmem:s21+$0x5250] =	vst v12;
	v9 =	vmul.f32 v7, v9;
	v6 =	vld [tilespmem:s21+$0x2D0]  }
0x5e: {  	s22 =	sshra.s32 s8, $0x2;
	s8 =	sadd.s32 $0x400, s8;
	[tilespmem:s21+$0x5260] =	vst v13;
	v10 =	vmul.f32 v11, v7;
	v7 =	vld [tilespmem:s21+$0x2E0]  }
0x5f: {  	v11 =	vld [tilespmem:s22+$0x2A80];
	[tilespmem:s21+$0x5270] =	vst v8  }
0x60: {  	v3 =	vmul.f32 v3, v2;
	v8 =	vld [tilespmem:s22+$0x2A00];
	[tilespmem:s21+$0x5280] =	vst v9  }
0x61: {  	v2 =	vmul.f32 v4, v2;
	v9 =	vld [tilespmem:s22+$0x2F0];
	[tilespmem:s21+$0x5290] =	vst v10  }
0x62: {  	v4 =	vmul.f32 v5, v1;
	v10 =	vld [tilespmem:s22+$0x200];
	[tilespmem:s21+$0x52A0] =	vst v3  }
0x63: {  	v1 =	vmul.f32 v6, v1;
	v3 =	vld [tilespmem:s22+$0x210];
	[tilespmem:s21+$0x52B0] =	vst v2  }
0x64: {  	v0 =	vmul.f32 v7, v0;
	v2 =	vld [tilespmem:s22+$0x220];
	[tilespmem:s21+$0x52C0] =	vst v4  }
0x65: {  	v4 =	vld [tilespmem:s22+$0x230];
	[tilespmem:s21+$0x52D0] =	vst v1;
	v1 =	vbroadcast v11, $0x3  }
0x66: {  	v5 =	vld [tilespmem:s22+$0x240];
	[tilespmem:s21+$0x52E0] =	vst v0;
	v0 =	vbroadcast v8, $0x0  }
0x67: {  	v6 =	vmul.f32 v9, v1;
	v7 =	vld [tilespmem:s22+$0x250]  }
0x68: {  	v12 =	vbroadcast v8, $0x1;
	v10 =	vmul.f32 v0, v10  }
0x69: {  	v9 =	vld [tilespmem:s22+$0x260];
	v0 =	vmul.f32 v3, v0;
	[tilespmem:s22+$0x52F0] =	vst v6  }
0x6a: {  	v6 =	vld [tilespmem:s22+$0x270];
	v2 =	vmul.f32 v2, v12;
	[tilespmem:s22+$0x5200] =	vst v10;
	v10 =	vbroadcast v8, $0x2  }
0x6b: {  	v3 =	vld [tilespmem:s22+$0x280];
	[tilespmem:s22+$0x5210] =	vst v0;
	v4 =	vmul.f32 v4, v12  }
0x6c: {  	v0 =	vld [tilespmem:s22+$0x290];
	v8 =	vbroadcast v8, $0x3;
	[tilespmem:s22+$0x5220] =	vst v2;
	v7 =	vmul.f32 v7, v10  }
0x6d: {  	v2 =	vld [tilespmem:s22+$0x2A0];
	v5 =	vmul.f32 v5, v10;
	[tilespmem:s22+$0x5230] =	vst v4  }
0x6e: {  	v4 =	vld [tilespmem:s22+$0x2B0];
	v9 =	vmul.f32 v9, v8;
	[tilespmem:s22+$0x5250] =	vst v7;
	v7 =	vbroadcast v11, $0x0  }
0x6f: {  	v10 =	vld [tilespmem:s22+$0x2D0];
	[tilespmem:s22+$0x5240] =	vst v5;
	v6 =	vmul.f32 v6, v8  }
0x70: {  	v5 =	vld [tilespmem:s22+$0x2C0];
	[tilespmem:s22+$0x5260] =	vst v9;
	v8 =	vbroadcast v11, $0x1;
	v3 =	vmul.f32 v7, v3  }
0x71: {  	v9 =	vld [tilespmem:s22+$0x2E0];
	v0 =	vmul.f32 v0, v7;
	[tilespmem:s22+$0x5270] =	vst v6  }
0x72: {  	v6 =	vbroadcast v11, $0x2;
	v2 =	vmul.f32 v2, v8;
	[tilespmem:s22+$0x5280] =	vst v3  }
0x73: {  	v3 =	vmul.f32 v4, v8;
	[tilespmem:s22+$0x5290] =	vst v0  }
0x74: {  	[tilespmem:s22+$0x52A0] =	vst v2;
	v2 =	vmul.f32 v10, v6  }
0x75: {  	v0 =	vmul.f32 v5, v6;
	[tilespmem:s22+$0x52B0] =	vst v3  }
0x76: {  	v1 =	vmul.f32 v9, v1;
	[tilespmem:s22+$0x52D0] =	vst v2  }
0x77: {  	[tilespmem:s22+$0x52C0] =	vst v0  }
0x78: {  	p0 =	seq.s32 s0, $0x7C;
	[tilespmem:s22+$0x52E0] =	vst v1  }
0x79: {  	[spmem:s2] =	stream.indirect.scatter.add.f32 [tilespmem:s29], [sflag:$0x3], $0x80, s19, s20, $0xb8;
	[tilespmem:$0x1A600] =	vst v63  }
0x7a: {  	s4 =	sadd.s32 @!p0 s4, s14;
	_ =	swait.ge [sflag:s18], $0x1400  }
0x7b: {  	s8 =	sshrl.u32 @!p0 s4, $0x3;
	[sflag:s18] =	ssyncset.done $0x0  }
0x7c: {  	s10 =	sadd.s32 @!p0 s5, s8;
	s21 =	simm.s32 @!p0 $0x0;
	[sflag:s18] =	ssyncadd.s32 $0xFFFFEC00  }
0x7d: {  	[tilespmem:s21], [sflag:$0x3] =	stream.linear.gather @!p0 [hbm4b:s10+s21], $0x28, $0x38;
	[tilespmem:$0x1A600] =	vst v63  }
0x7e: {  	s10 =	simm.s32 @!p0 $0x3  }
0x7f: {  	_ =	swait.ge @!p0 [sflag:s10], $0x28  }
0x80: {  	[sflag:s10] =	ssyncset.done @!p0 $0x0  }
0x81: {  	s8 =	sadd.s32 @!p0 s6, s8;
	s22 =	simm.s32 @!p0 $0x100;
	[sflag:s10] =	ssyncadd.s32 @!p0 $0xFFFFFFD8  }
0x82: {  	[tilespmem:s22], [sflag:$0x3] =	stream.linear.gather @!p0 [hbm4b:s8+s21], $0x28, $0x38;
	[tilespmem:$0x1A600] =	vst v63  }
0x83: {  	_ =	swait.ge @!p0 [sflag:s10], $0x28  }
0x84: {  	s4 =	sshll.u32 @!p0 s4, $0x4;
	[sflag:s10] =	ssyncset.done @!p0 $0x0  }
0x85: {  	s8 =	simm.s32 @!p0 $0x28;
	[sflag:s10] =	ssyncadd.s32 @!p0 $0xFFFFFFD8;
	s10 =	simm.s32 @!p0 $0x200  }
0x86: {  	[tilespmem:s10], [sflag:$0x1] =	stream.indirect.gather @!p0 [hbm4b:s1+s8], $0x80, s21, s8, $0xb8;
	[tilespmem:$0x1A600] =	vst v63  }
0x87: {  	s4 =	sadd.s32 @!p0 s7, s4;
	s8 =	simm.s32 @!p0 $0x2A00  }
0x88: {  	[tilespmem:s8], [sflag:$0x1] =	stream.linear.gather @!p0 [hbm4b:s4+s21], $0x1400, $0x38;
	[tilespmem:$0x1A600] =	vst v63  }
0x89: {  	_ =	swait.ge [sflag:s30], $0x1400  }
0x8a: {  	[sflag:s30] =	ssyncset.done $0x0  }
0x8b: {  	[sflag:s30] =	ssyncadd.s32 $0xFFFFEC00  }
0x8c: {  	_ =	swait.ge [sflag:s30], $0x1400  }
0x8d: {  	[sflag:s30] =	ssyncset.done $0x0  }
0x8e: {  	s4 =	simm.s32 $0x0;
	[sflag:s30] =	ssyncadd.s32 $0xFFFFEC00  }
0x8f: {  	v1 =	vld [tilespmem:s4+$0x3E80]  }
0x90: {  	v2 =	vld [tilespmem:s4+$0x3E00]  }
0x91: {  	v3 =	vld [tilespmem:s4+$0x16F0]  }
0x92: {  	v5 =	vld [tilespmem:s4+$0x1610]  }
0x93: {  	v4 =	vld [tilespmem:s4+$0x1600]  }
0x94: {  	v6 =	vld [tilespmem:s4+$0x1620];
	v0 =	vbroadcast v1, $0x3  }
0x95: {  	v7 =	vld [tilespmem:s4+$0x1630];
	v9 =	vbroadcast v2, $0x0  }
0x96: {  	v8 =	vld [tilespmem:s4+$0x1640];
	v3 =	vmul.f32 v3, v0  }
0x97: {  	v10 =	vld [tilespmem:s4+$0x1650];
	v5 =	vmul.f32 v5, v9  }
0x98: {  	v11 =	vld [tilespmem:s4+$0x1660];
	v4 =	vmul.f32 v9, v4;
	[tilespmem:s4+$0x52F0] =	vst v3;
	v3 =	vbroadcast v2, $0x1  }
0x99: {  	v63 =	vld [tilespmem:s4+$0x1670];
	[tilespmem:s4+$0x5210] =	vst v5;
	v5 =	vbroadcast v2, $0x2  }
0x9a: {  	v13 =	vld [tilespmem:s4+$0x1690];
	[tilespmem:s4+$0x5200] =	vst v4;
	v4 =	vmul.f32 v6, v3  }
0x9b: {  	v9 =	vld [tilespmem:s4+$0x1680];
	v6 =	vmul.f32 v7, v3;
	v7 =	vmul.f32 v8, v5  }
0x9c: {  	v3 =	vld [tilespmem:s4+$0x16A0];
	v8 =	vbroadcast v2, $0x3;
	v2 =	vmul.f32 v10, v5;
	[tilespmem:s4+$0x5220] =	vst v4  }
0x9d: {  	v10 =	vbroadcast v1, $0x0;
	v4 =	vld [tilespmem:s4+$0x16B0];
	[tilespmem:s4+$0x5240] =	vst v7  }
0x9e: {  	v5 =	vld [tilespmem:s4+$0x16C0];
	v7 =	vmul.f32 v11, v8;
	[tilespmem:s4+$0x5250] =	vst v2;
	v2 =	vbroadcast v1, $0x1  }
0x9f: {  	[tilespmem:s4+$0x5230] =	vst v6;
	v6 =	vld [tilespmem:s4+$0x16D0];
	v1 =	vbroadcast v1, $0x2;
	v8 =	vmul.f32 v63, v8  }
0xa0: {  	s21 =	simm.s32 $0x100;
	s8 =	simm.s32 $0x800;
	v9 =	vmul.f32 v10, v9;
	v10 =	vmul.f32 v13, v10;
	[tilespmem:s4+$0x5260] =	vst v7;
	v7 =	vld [tilespmem:s4+$0x16E0]  }
.LBB2_5:
0xa1: {  	p0 =	sne.s32 s8, $0x4C00;
	v11 =	vld [tilespmem:s21+$0x3E80];
	[tilespmem:s4+$0x5270] =	vst v8;
	v3 =	vmul.f32 v3, v2  }
0xa2: {  	v8 =	vld [tilespmem:s21+$0x3E00];
	[tilespmem:s4+$0x5280] =	vst v9;
	v2 =	vmul.f32 v4, v2  }
0xa3: {  	v4 =	vld [tilespmem:s21+$0x16F0];
	[tilespmem:s4+$0x5290] =	vst v10;
	v5 =	vmul.f32 v5, v1  }
0xa4: {  	v9 =	vld [tilespmem:s21+$0x1600];
	[tilespmem:s4+$0x52A0] =	vst v3;
	v1 =	vmul.f32 v6, v1  }
0xa5: {  	v3 =	vld [tilespmem:s21+$0x1610];
	[tilespmem:s4+$0x52B0] =	vst v2;
	v2 =	vmul.f32 v7, v0  }
0xa6: {  	v6 =	vld [tilespmem:s21+$0x1620];
	v7 =	vbroadcast v11, $0x0;
	v0 =	vbroadcast v11, $0x3;
	[tilespmem:s4+$0x52C0] =	vst v5  }
0xa7: {  	v5 =	vbroadcast v8, $0x0;
	v10 =	vbroadcast v8, $0x1;
	v12 =	vld [tilespmem:s21+$0x1630];
	[tilespmem:s4+$0x52D0] =	vst v1  }
0xa8: {  	v14 =	vbroadcast v8, $0x2;
	v13 =	vld [tilespmem:s21+$0x1640];
	v4 =	vmul.f32 v4, v0;
	[tilespmem:s4+$0x52E0] =	vst v2;
	s4 =	smov.u32 s21  }
0xa9: {  	v8 =	vbroadcast v8, $0x3;
	v2 =	vbroadcast v11, $0x1;
	v15 =	vld [tilespmem:s4+$0x1650]  }
0xaa: {  	v1 =	vbroadcast v11, $0x2;
	v9 =	vmul.f32 v5, v9;
	v16 =	vld [tilespmem:s4+$0x1660];
	[tilespmem:s4+$0x52F0] =	vst v4  }
0xab: {  	v3 =	vmul.f32 v3, v5;
	v4 =	vmul.f32 v6, v10;
	v5 =	vld [tilespmem:s4+$0x1670]  }
0xac: {  	[tilespmem:s4+$0x5200] =	vst v9;
	v6 =	vmul.f32 v12, v10;
	v9 =	vld [tilespmem:s4+$0x1680]  }
0xad: {  	[tilespmem:s4+$0x5210] =	vst v3;
	v10 =	vmul.f32 v13, v14;
	v11 =	vld [tilespmem:s4+$0x1690]  }
.Ltmp1:
0xae: {  	[tilespmem:s4+$0x5220] =	vst v4;
	v12 =	vmul.f32 v15, v14;
	v3 =	vld [tilespmem:s4+$0x16A0];
	(pc) =	sbr.rel @p0 .LBB2_5-.Ltmp1, $4  }
0xaf: {  	[tilespmem:s4+$0x5230] =	vst v6;
	v13 =	vmul.f32 v16, v8;
	v4 =	vld [tilespmem:s4+$0x16B0]  }
0xb0: {  	[tilespmem:s4+$0x5240] =	vst v10;
	v8 =	vmul.f32 v5, v8;
	v5 =	vld [tilespmem:s4+$0x16C0]  }
0xb1: {  	[tilespmem:s4+$0x5250] =	vst v12;
	v9 =	vmul.f32 v7, v9;
	v6 =	vld [tilespmem:s4+$0x16D0]  }
0xb2: {  	s21 =	sshra.s32 s8, $0x2;
	s8 =	sadd.s32 $0x400, s8;
	[tilespmem:s4+$0x5260] =	vst v13;
	v10 =	vmul.f32 v11, v7;
	v7 =	vld [tilespmem:s4+$0x16E0]  }
0xb3: {  	v11 =	vld [tilespmem:s21+$0x3E80];
	[tilespmem:s4+$0x5270] =	vst v8  }
0xb4: {  	v3 =	vmul.f32 v3, v2;
	v8 =	vld [tilespmem:s21+$0x3E00];
	[tilespmem:s4+$0x5280] =	vst v9  }
0xb5: {  	v40 =	vmul.f32 v4, v2;
	v9 =	vld [tilespmem:s21+$0x16F0];
	[tilespmem:s4+$0x5290] =	vst v10  }
0xb6: {  	v41 =	vmul.f32 v5, v1;
	v10 =	vld [tilespmem:s21+$0x1600];
	[tilespmem:s4+$0x52A0] =	vst v3  }
0xb7: {  	v42 =	vmul.f32 v6, v1;
	v3 =	vld [tilespmem:s21+$0x1610];
	[tilespmem:s4+$0x52B0] =	vst v40  }
0xb8: {  	v0 =	vmul.f32 v7, v0;
	v2 =	vld [tilespmem:s21+$0x1620];
	[tilespmem:s4+$0x52C0] =	vst v41;
	v43 =	vbroadcast v11, $0x3  }
0xb9: {  	v4 =	vld [tilespmem:s21+$0x1630];
	[tilespmem:s4+$0x52D0] =	vst v42;
	v45 =	vbroadcast v8, $0x0  }
0xba: {  	v44 =	vld [tilespmem:s21+$0x1640];
	[tilespmem:s4+$0x52E0] =	vst v0;
	v46 =	vmul.f32 v9, v43  }
0xbb: {  	v12 =	vbroadcast v8, $0x1;
	v47 =	vld [tilespmem:s21+$0x1650];
	v10 =	vmul.f32 v45, v10  }
0xbc: {  	v48 =	vld [tilespmem:s21+$0x1660];
	[tilespmem:s21+$0x52F0] =	vst v46;
	v0 =	vmul.f32 v3, v45  }
0xbd: {  	v52 =	vbroadcast v8, $0x2;
	v49 =	vld [tilespmem:s21+$0x1670];
	[tilespmem:s21+$0x5200] =	vst v10;
	v2 =	vmul.f32 v2, v12  }
0xbe: {  	v50 =	vld [tilespmem:s21+$0x1680];
	[tilespmem:s21+$0x5210] =	vst v0;
	v4 =	vmul.f32 v4, v12  }
0xbf: {  	v8 =	vbroadcast v8, $0x3;
	v51 =	vld [tilespmem:s21+$0x1690];
	[tilespmem:s21+$0x5220] =	vst v2;
	v5 =	vmul.f32 v44, v52  }
0xc0: {  	v53 =	vld [tilespmem:s21+$0x16A0];
	[tilespmem:s21+$0x5230] =	vst v4;
	v7 =	vmul.f32 v47, v52  }
0xc1: {  	v56 =	vbroadcast v11, $0x0;
	v54 =	vld [tilespmem:s21+$0x16B0];
	v9 =	vmul.f32 v48, v8;
	[tilespmem:s21+$0x5240] =	vst v5  }
0xc2: {  	v55 =	vld [tilespmem:s21+$0x16C0];
	v6 =	vmul.f32 v49, v8;
	[tilespmem:s21+$0x5250] =	vst v7  }
0xc3: {  	v58 =	vbroadcast v11, $0x1;
	v57 =	vld [tilespmem:s21+$0x16D0];
	v3 =	vmul.f32 v56, v50;
	[tilespmem:s21+$0x5260] =	vst v9  }
0xc4: {  	v59 =	vld [tilespmem:s21+$0x16E0];
	v0 =	vmul.f32 v51, v56;
	[tilespmem:s21+$0x5270] =	vst v6  }
0xc5: {  	v60 =	vbroadcast v11, $0x2;
	v2 =	vmul.f32 v53, v58;
	[tilespmem:s21+$0x5280] =	vst v3  }
0xc6: {  	v61 =	vmul.f32 v54, v58;
	[tilespmem:s21+$0x5290] =	vst v0  }
0xc7: {  	v62 =	vmul.f32 v55, v60;
	[tilespmem:s21+$0x52A0] =	vst v2  }
0xc8: {  	v63 =	vmul.f32 v57, v60;
	[tilespmem:s21+$0x52B0] =	vst v61  }
0xc9: {  	s0 =	sadd.s32 $0x1, s0;
	v1 =	vmul.f32 v59, v43;
	[tilespmem:s21+$0x52C0] =	vst v62  }
0xca: {  	p0 =	sne.s32 s0, $0x7D;
	[tilespmem:s21+$0x52D0] =	vst v63  }
.Ltmp2:
0xcb: {  	[tilespmem:s21+$0x52E0] =	vst v1;
	(pc) =	sbr.rel @p0 .LBB2_2-.Ltmp2, $4  }
0xcc: {  	[spmem:s2] =	stream.indirect.scatter.add.f32 [tilespmem:s29], [sflag:$0x3], $0x80, s24, s20, $0xb8;
	[tilespmem:$0x1A600] =	vst v63  }
0xcd: {  	_ =	swait.ge [sflag:s18], $0x1400  }
0xce: {  	[sflag:s18] =	ssyncset.done $0x0  }
0xcf: {  	[sflag:s18] =	ssyncadd.s32 $0xFFFFEC00  }
0xd0: {  	s31 =	sadd.s32 $0x1, s31  }
0xd1: {  	p0 =	sne.s32 s31, s15  }
.Ltmp3:
0xd2: {  	[bflag:$0x0] =	sbarrier.arrive $0xFFFF;
	(pc) =	sbr.rel @p0 .LBB2_1-.Ltmp3, $4  }
0xd3: {  	[hbm:s16], [sflag:s9] =	dma.local [spmem:s17], $0x2800  }
0xd4: {  	_ =	swait.ge [sflag:s18], $0x2800  }
0xd5: {  	[sflag:s18] =	ssyncset.done $0x0  }
0xd6: {  	[sflag:s18] =	ssyncadd.s32 $0xFFFFD800  }
0xd7: {  	_ =	sfence.sel $0x180000  }
0xd8: {  	[bflag:$0x0] =	sbarrier.arrive $0xFFFF  }
0xd9: {  	_ =	strace $0x9000004A  }
0xda: {  	s0 =	stileid.u32;
	[bflag:$0x2] =	sbarrier.arrive $0xFFFF  }
0xdb: {  	p0 =	sne.s32 s0, $0x0;
	s0 =	rddreg [dreg:$0x3]  }
0xdc: {  	s0 =	sadd.s32 @!p0 $0x100000, s0  }
0xdd: {  	[sflag:s0] =	ssyncadd.tile.s32 @!p0 $0x1;
	_ =	shalt  }
.Lfunc_end2:
_tile_overlayer_lowered:
.L_overlay_start_2:
0xde: {  	(tag) =	ssettag $0x2  }
0xdf: {  	s0 =	rddreg [dreg:$0x0];
	s2 =	stileid.u32  }
0xe0: {  	s1 =	rddreg [dreg:$0x1];
	p0 =	sne.s32 s2, $0x0  }
0xe1: {  	s3 =	rddreg [dreg:$0x2];
	[bflag:$0x3] =	sbarrier.arrive $0xFFFF;
	s2 =	simm.s32 @!p0 $0x1C03  }
0xe2: {  	[timem:s3], [sflag:s2] =	dma.local @!p0 [hbm:s0], s1  }
0xe3: {  	s0 =	simm.s32 @!p0 $0x3  }
0xe4: {  	_ =	swait.ge @!p0 [sflag:s0], s1  }
0xe5: {  	s1 =	ssub.s32 @!p0 $0x0, s1;
	[sflag:s0] =	ssyncset.done @!p0 $0x0  }
0xe6: {  	[sflag:s0] =	ssyncadd.s32 @!p0 s1  }
0xe7: {  	[bflag:$0x3] =	sbarrier.arrive $0xFFFF  }
0xe8: {  	_ =	shalt  }

</sc_bundles>
